<compile_context>
chip_gen: v7x
topology: tpu7x:2x2x1
jax: 0.10.2.dev20260603
libtpu: 0.0.44.dev20260713+nightly
codegen_flags: <defaults>
</compile_context>

<pallas_src>
import functools

import jax
import jax.numpy as jnp
from jax import lax
from jax.experimental import pallas as pl
from jax.experimental.pallas import tpu as pltpu
from jax.experimental.pallas import tpu_sc as plsc

NC = 2
NS = 16
L = 16
NW = NC * NS
CHUNK = 128


def _zero_fill(ref, nrows, ncols):
    def body(i, c):
        for j in range(ncols // L):
            ref[i, pl.ds(j * L, L)] = jnp.zeros((L,), jnp.float32)
        return c
    lax.fori_loop(0, nrows, body, 0)


def _spmem_init(zbuf, acc, s, rpt, sem):
    for t in range(rpt // CHUNK):
        pltpu.async_copy(
            zbuf, acc.at[pl.ds(s * rpt + t * CHUNK, CHUNK)], sem).wait()


def _staged_writeout(acc, stage, out_slice, s, rpt, sem):
    for t in range(rpt // CHUNK):
        base = s * rpt + t * CHUNK
        pltpu.async_copy(acc.at[pl.ds(base, CHUNK)], stage, sem).wait()
        pltpu.sync_copy(stage, out_slice.at[pl.ds(base, CHUNK)])


def _partition(N, E):
    blk = NS * CHUNK
    n_pad = ((N + blk - 1) // blk) * blk
    n_chunks = E // CHUNK
    return dict(
        base_chunks=n_chunks // NW,
        extra=n_chunks % NW,
        n_pad=n_pad,
        rpt=n_pad // NS,
    )


def _sc_round1(x, src, dst, wrep):
    N, D = x.shape
    E = src.shape[0]
    p = _partition(N, E)
    base_chunks, extra = p["base_chunks"], p["extra"]
    n_pad, rpt = p["n_pad"], p["rpt"]

    @functools.partial(
        pl.kernel,
        out_type=jax.ShapeDtypeStruct((NC, n_pad, D), jnp.float32),
        mesh=plsc.VectorSubcoreMesh(core_axis_name="c", subcore_axis_name="s",
                                    num_cores=NC),
        scratch_types=[
            pltpu.VMEM((CHUNK,), jnp.int32),
            pltpu.VMEM((CHUNK,), jnp.int32),
            pltpu.VMEM((CHUNK, L), jnp.float32),
            pltpu.VMEM((CHUNK, D), jnp.float32),
            pltpu.VMEM_SHARED((n_pad, D), jnp.float32),
            pltpu.SemaphoreType.DMA,
        ],
    )
    def k(x_hbm, src_hbm, dst_hbm, w_hbm, out_hbm,
          srcv, dstv, wvm, rowsv, acc, sem):
        c = lax.axis_index("c")
        s = lax.axis_index("s")
        wid = s * NC + c

        _zero_fill(rowsv, CHUNK, D)
        _spmem_init(rowsv, acc, s, rpt, sem)
        plsc.subcore_barrier()

        nk = base_chunks + jnp.where(wid < extra, 1, 0)

        def chunk_body(kk, carry):
            base = (wid + NW * kk) * CHUNK
            pltpu.sync_copy(src_hbm.at[pl.ds(base, CHUNK)], srcv)
            pltpu.sync_copy(dst_hbm.at[pl.ds(base, CHUNK)], dstv)
            pltpu.sync_copy(w_hbm.at[pl.ds(base, CHUNK)], wvm)
            pltpu.async_copy(x_hbm.at[srcv], rowsv, sem).wait()

            def edge_body(e, c2):
                wb = wvm[e, :]
                for j in range(D // L):
                    rowsv[e, pl.ds(j * L, L)] = rowsv[e, pl.ds(j * L, L)] * wb
                return c2

            lax.fori_loop(0, CHUNK, edge_body, 0)
            pltpu.async_copy(rowsv, acc.at[dstv], sem, add=True).wait()
            return carry

        lax.fori_loop(0, nk, chunk_body, 0)
        plsc.subcore_barrier()
        _staged_writeout(acc, rowsv, out_hbm.at[c], s, rpt, sem)

    return k(x, src, dst, wrep)


def _sc_round2(q, src, dst):
    N, D = q.shape
    E = src.shape[0]
    p = _partition(N, E)
    base_chunks, extra = p["base_chunks"], p["extra"]
    n_pad, rpt = p["n_pad"], p["rpt"]

    @functools.partial(
        pl.kernel,
        out_type=jax.ShapeDtypeStruct((NC, n_pad, D), jnp.float32),
        mesh=plsc.VectorSubcoreMesh(core_axis_name="c", subcore_axis_name="s",
                                    num_cores=NC),
        scratch_types=[
            pltpu.VMEM((CHUNK,), jnp.int32),
            pltpu.VMEM((CHUNK,), jnp.int32),
            pltpu.VMEM((CHUNK, D), jnp.float32),
            pltpu.VMEM((CHUNK, L), jnp.float32),
            pltpu.VMEM_SHARED((n_pad, D), jnp.float32),
            pltpu.SemaphoreType.DMA,
        ],
    )
    def k(q_hbm, src_hbm, dst_hbm, out_hbm,
          srcv, dstv, rowsv, onesv, acc, sem):
        c = lax.axis_index("c")
        s = lax.axis_index("s")
        wid = s * NC + c

        _zero_fill(rowsv, CHUNK, D)
        _zero_fill(onesv, CHUNK, L)
        _spmem_init(rowsv, acc, s, rpt, sem)
        plsc.subcore_barrier()

        nk = base_chunks + jnp.where(wid < extra, 1, 0)

        def chunk_body(kk, carry):
            base = (wid + NW * kk) * CHUNK
            pltpu.sync_copy(src_hbm.at[pl.ds(base, CHUNK)], srcv)
            pltpu.sync_copy(dst_hbm.at[pl.ds(base, CHUNK)], dstv)
            pltpu.async_copy(q_hbm.at[srcv], rowsv, sem).wait()
            pltpu.async_copy(rowsv, acc.at[dstv], sem, add=True).wait()
            return carry

        lax.fori_loop(0, nk, chunk_body, 0)
        plsc.subcore_barrier()
        _staged_writeout(acc, rowsv, out_hbm.at[c], s, rpt, sem)

    return k(q, src, dst)


def _sc_deg(dst, n_nodes, width):
    E = dst.shape[0]
    D = width
    p = _partition(n_nodes, E)
    base_chunks, extra = p["base_chunks"], p["extra"]
    n_pad, rpt = p["n_pad"], p["rpt"]

    @functools.partial(
        pl.kernel,
        out_type=jax.ShapeDtypeStruct((NC, n_pad, D), jnp.float32),
        mesh=plsc.VectorSubcoreMesh(core_axis_name="c", subcore_axis_name="s",
                                    num_cores=NC),
        scratch_types=[
            pltpu.VMEM((CHUNK,), jnp.int32),
            pltpu.VMEM((CHUNK, D), jnp.float32),
            pltpu.VMEM_SHARED((n_pad, D), jnp.float32),
            pltpu.SemaphoreType.DMA,
        ],
    )
    def k(dst_hbm, deg_hbm, dstv, onesv, dacc, sem):
        c = lax.axis_index("c")
        s = lax.axis_index("s")
        wid = s * NC + c

        _zero_fill(onesv, CHUNK, D)
        _spmem_init(onesv, dacc, s, rpt, sem)

        def ones_body(i, c2):
            for j in range(D // L):
                onesv[i, pl.ds(j * L, L)] = jnp.full((L,), 1.0, jnp.float32)
            return c2
        lax.fori_loop(0, CHUNK, ones_body, 0)
        plsc.subcore_barrier()

        nk = base_chunks + jnp.where(wid < extra, 1, 0)

        def chunk_body(kk, carry):
            base = (wid + NW * kk) * CHUNK
            pltpu.sync_copy(dst_hbm.at[pl.ds(base, CHUNK)], dstv)
            pltpu.async_copy(onesv, dacc.at[dstv], sem, add=True).wait()
            return carry

        lax.fori_loop(0, nk, chunk_body, 0)
        plsc.subcore_barrier()
        _staged_writeout(dacc, onesv, deg_hbm.at[c], s, rpt, sem)

    return k(dst)


def _tc_stage_b(tau1, x, k0, k1, wn_top, wn_bot):
    N, D = x.shape
    H = wn_top.shape[1]
    BLK = 1000

    def body(tau_ref, x_ref, k0_ref, k1_ref, wt_ref, wb_ref, q_ref, kx_ref):
        sig = 1.0 / (1.0 + jnp.exp(-tau_ref[0]))
        kx = sig * (k0_ref[...] + k1_ref[...])
        kx_ref[...] = kx
        q_ref[...] = (
            sig * jnp.dot(x_ref[...], wt_ref[...], preferred_element_type=jnp.float32)
            + jnp.dot(kx, wb_ref[...], preferred_element_type=jnp.float32)
        )

    return pl.pallas_call(
        body,
        grid=(N // BLK,),
        in_specs=[
            pl.BlockSpec(memory_space=pltpu.SMEM),
            pl.BlockSpec((BLK, D), lambda i: (i, 0)),
            pl.BlockSpec((BLK, D), lambda i: (i, 0)),
            pl.BlockSpec((BLK, D), lambda i: (i, 0)),
            pl.BlockSpec((D, H), lambda i: (0, 0)),
            pl.BlockSpec((D, H), lambda i: (0, 0)),
        ],
        out_specs=[
            pl.BlockSpec((BLK, H), lambda i: (i, 0)),
            pl.BlockSpec((BLK, D), lambda i: (i, 0)),
        ],
        out_shape=[
            jax.ShapeDtypeStruct((N, H), jnp.float32),
            jax.ShapeDtypeStruct((N, D), jnp.float32),
        ],
    )(tau1, x, k0, k1, wn_top, wn_bot)


def _tc_stage_c(tau1, x, kx, s0, s1, d0, d1,
                ws_top, ws_bot, b_conv, w1, b1, w2, b2):
    N, D = x.shape
    H = ws_top.shape[1]
    OUT = w2.shape[1]
    BLK = 1000

    def body(tau_ref, x_ref, kx_ref, s0_ref, s1_ref, d0_ref, d1_ref,
             wst_ref, wsb_ref, bc_ref, w1_ref, b1_ref, w2_ref, b2_ref, z_ref):
        sig = 1.0 / (1.0 + jnp.exp(-tau_ref[0]))
        deg = d0_ref[...][:, :1] + d1_ref[...][:, :1]
        svals = (s0_ref[...] + s1_ref[...]) / jnp.maximum(deg, 1.0)
        pre = (
            sig * jnp.dot(x_ref[...], wst_ref[...], preferred_element_type=jnp.float32)
            + jnp.dot(kx_ref[...], wsb_ref[...], preferred_element_type=jnp.float32)
            + svals + bc_ref[...]
        )
        h = jnp.maximum(pre, 0.0)
        h2 = jnp.maximum(
            jnp.dot(h, w1_ref[...], preferred_element_type=jnp.float32) + b1_ref[...],
            0.0,
        )
        z_ref[...] = (
            jnp.dot(h2, w2_ref[...], preferred_element_type=jnp.float32) + b2_ref[...]
        )

    row = lambda i: (i, 0)
    fixed = lambda i: (0, 0)
    return pl.pallas_call(
        body,
        grid=(N // BLK,),
        in_specs=[
            pl.BlockSpec(memory_space=pltpu.SMEM),
            pl.BlockSpec((BLK, D), row),
            pl.BlockSpec((BLK, D), row),
            pl.BlockSpec((BLK, H), row),
            pl.BlockSpec((BLK, H), row),
            pl.BlockSpec((BLK, L), row),
            pl.BlockSpec((BLK, L), row),
            pl.BlockSpec((D, H), fixed),
            pl.BlockSpec((D, H), fixed),
            pl.BlockSpec((1, H), fixed),
            pl.BlockSpec((H, H), fixed),
            pl.BlockSpec((1, H), fixed),
            pl.BlockSpec((H, OUT), fixed),
            pl.BlockSpec((1, OUT), fixed),
        ],
        out_specs=pl.BlockSpec((BLK, OUT), row),
        out_shape=jax.ShapeDtypeStruct((N, OUT), jnp.float32),
    )(tau1, x, kx, s0, s1, d0, d1, ws_top, ws_bot, b_conv, w1, b1, w2, b2)


def kernel(x, edge_index, edge_weight, tau, W_self, W_neigh, b_conv,
           W_mlp1, b_mlp1, W_mlp2, b_mlp2):
    N, D = x.shape
    src = edge_index[0]
    dst = edge_index[1]

    tau1 = jnp.reshape(tau, (1,)).astype(jnp.float32)
    wrep = jnp.broadcast_to(edge_weight[:, None], (edge_weight.shape[0], L))

    kxp = _sc_round1(x, src, dst, wrep)[:, :N]

    ws_top, ws_bot = W_self[:D], W_self[D:]
    wn_top, wn_bot = W_neigh[:D], W_neigh[D:]

    q, kx = _tc_stage_b(tau1, x, kxp[0], kxp[1], wn_top, wn_bot)
    sp = _sc_round2(q, src, dst)[:, :N]
    degp = _sc_deg(dst, N, D)[:, :N, :L]
    z = _tc_stage_c(tau1, x, kx, sp[0], sp[1], degp[0], degp[1],
                    ws_top, ws_bot, b_conv.reshape(1, -1),
                    W_mlp1, b_mlp1.reshape(1, -1),
                    W_mlp2, b_mlp2.reshape(1, -1))
    return z

# --- scband reference (transcript-rebuilt; emitter-appended) ---
"""Pipeline reference for scband-net-87239375716412 (READ-ONLY COPY).

The authoritative reference and input builder live on the scoring server;
editing this copy changes nothing except your own understanding.
"""

import jax, jax.numpy as jnp
import numpy as np

N = 10000
E = 320000
D = 128
H = 128
OUT = 64


def setup_inputs(seed: int = 0) -> dict:
    key = jax.random.key(seed)
    ks = jax.random.split(key, 8)
    x = jax.random.normal(ks[0], (N, D), dtype=jnp.float32)
    edge_index = jax.random.randint(ks[1], (2, E), 0, N, dtype=jnp.int32)
    edge_weight = jax.random.uniform(ks[2], (E,), dtype=jnp.float32)
    tau = jnp.ones((), dtype=jnp.float32)
    W_self = jax.random.normal(ks[3], (2 * D, H), dtype=jnp.float32) / np.sqrt(2 * D)
    W_neigh = jax.random.normal(ks[4], (2 * D, H), dtype=jnp.float32) / np.sqrt(2 * D)
    b_conv = jnp.zeros((H,), dtype=jnp.float32)
    W_mlp1 = jax.random.normal(ks[5], (H, H), dtype=jnp.float32) / np.sqrt(H)
    b_mlp1 = jnp.zeros((H,), dtype=jnp.float32)
    W_mlp2 = jax.random.normal(ks[6], (H, OUT), dtype=jnp.float32) / np.sqrt(H)
    b_mlp2 = jnp.zeros((OUT,), dtype=jnp.float32)
    return {
        "x": x,
        "edge_index": edge_index,
        "edge_weight": edge_weight,
        "tau": tau,
        "W_self": W_self,
        "W_neigh": W_neigh,
        "b_conv": b_conv,
        "W_mlp1": W_mlp1,
        "b_mlp1": b_mlp1,
        "W_mlp2": W_mlp2,
        "b_mlp2": b_mlp2,
    }


def reference(x, edge_index, edge_weight, tau, W_self, W_neigh, b_conv, W_mlp1, b_mlp1, W_mlp2, b_mlp2):
    src = edge_index[0]
    dst = edge_index[1]
    # diffusion layer (learned diffusion time tau, scalar spectral surrogate)
    xd = x * jax.nn.sigmoid(tau)
    # gradient (anisotropic kernel) conv, order=1: K @ x via edge-weighted scatter-add
    msg = edge_weight[:, None] * jnp.take(xd, src, axis=0)
    kx = jax.ops.segment_sum(msg, dst, num_segments=N)
    out = jnp.concatenate([xd, kx], axis=1)  # concat raw + gradient features
    # SAGE-style conv, depth=1: mean neighbor aggregation on bipartite graph
    neigh = jax.ops.segment_sum(jnp.take(out, src, axis=0), dst, num_segments=N)
    deg = jax.ops.segment_sum(jnp.ones((E,), dtype=jnp.float32), dst, num_segments=N)
    neigh = neigh / jnp.maximum(deg, 1.0)[:, None]
    h = jax.nn.relu(out @ W_self + neigh @ W_neigh + b_conv)
    # MLP head
    h = jax.nn.relu(h @ W_mlp1 + b_mlp1)
    z = h @ W_mlp2 + b_mlp2
    return z

if __name__ == "__main__":
    import jax
    _d = setup_inputs()
    print(jax.jit(kernel)(*tuple(_d.values())))

</pallas_src>

<mosaic_0001>
#map = affine_map<(d0, d1) -> (0)>
#map1 = affine_map<(d0, d1) -> (0, 0, 0)>
module attributes {stable_mosaic.version = 14 : i64} {
  func.func @k(%arg0: i32, %arg1: i32, %arg2: memref<320000xi32, #tpu.memory_space<hbm>>, %arg3: memref<2x10240x128xf32, #tpu.memory_space<hbm>>, %arg4: memref<128xi32, #tpu.memory_space<vmem>>, %arg5: memref<128x128xf32, #tpu.memory_space<vmem>>, %arg6: memref<10240x128xf32, #tpu.memory_space<vmem_shared>>, %arg7: memref<!tpu.dma_semaphore, #tpu.memory_space<semaphore_mem>>) attributes {dimension_semantics = [#tpu.dimension_semantics<core_parallel>, #tpu.dimension_semantics<subcore_parallel>], iteration_bounds = array<i64: 2, 16>, scalar_prefetch = 0 : i64, scratch_operands = 4 : i64, tpu.core_type = #tpu.core_type<sc_vector_subcore>, window_params = [{transform_indices = #map}, {transform_indices = #map1}]} {
    %mul3A = arith.constant 2 : i32
    %mul3A_0 = arith.muli %arg1, %mul3A : i32
    %add3A = arith.addi %mul3A_0, %arg0 : i32
    %scan3A = arith.constant 0 : i32
    %scan3A_1 = arith.constant 0 : i32
    %scan3A_2 = arith.constant 128 : i32
    %scan3A_3 = arith.addi %scan3A_1, %scan3A_2 : i32
    %scan3A_4 = arith.constant 1 : i32
    scf.for %scan3A_144 = %scan3A_1 to %scan3A_3 step %scan3A_4  : i32 {
      %broadcast_in_dim3A = arith.constant 0.000000e+00 : f32
      %broadcast_in_dim3A_145 = vector.broadcast %broadcast_in_dim3A : f32 to vector<16xf32>
      %swap3A = arith.index_cast %scan3A_144 : i32 to index
      %swap3A_146 = arith.constant 0 : index
      %swap3A_147 = tpu.vector_load %arg5[%swap3A, %swap3A_146] {strides = array<i32>} : memref<128x128xf32, #tpu.memory_space<vmem>>, vector<1x16xf32>,
      %swap3A_148 = vector.shape_cast %swap3A_147 : vector<1x16xf32> to vector<16xf32>
      %swap3A_149 = vector.shape_cast %broadcast_in_dim3A_145 : vector<16xf32> to vector<1x16xf32>
      tpu.vector_store %arg5[%swap3A, %swap3A_146], %swap3A_149 {strides = array<i32>} : memref<128x128xf32, #tpu.memory_space<vmem>>, vector<1x16xf32>,
      %broadcast_in_dim3A_150 = arith.constant 0.000000e+00 : f32
      %broadcast_in_dim3A_151 = vector.broadcast %broadcast_in_dim3A_150 : f32 to vector<16xf32>
      %swap3A_152 = arith.index_cast %scan3A_144 : i32 to index
      %swap3A_153 = arith.constant 16 : index
      %swap3A_154 = tpu.vector_load %arg5[%swap3A_152, %swap3A_153] {strides = array<i32>} : memref<128x128xf32, #tpu.memory_space<vmem>>, vector<1x16xf32>,
      %swap3A_155 = vector.shape_cast %swap3A_154 : vector<1x16xf32> to vector<16xf32>
      %swap3A_156 = vector.shape_cast %broadcast_in_dim3A_151 : vector<16xf32> to vector<1x16xf32>
      tpu.vector_store %arg5[%swap3A_152, %swap3A_153], %swap3A_156 {strides = array<i32>} : memref<128x128xf32, #tpu.memory_space<vmem>>, vector<1x16xf32>,
      %broadcast_in_dim3A_157 = arith.constant 0.000000e+00 : f32
      %broadcast_in_dim3A_158 = vector.broadcast %broadcast_in_dim3A_157 : f32 to vector<16xf32>
      %swap3A_159 = arith.index_cast %scan3A_144 : i32 to index
      %swap3A_160 = arith.constant 32 : index
      %swap3A_161 = tpu.vector_load %arg5[%swap3A_159, %swap3A_160] {strides = array<i32>} : memref<128x128xf32, #tpu.memory_space<vmem>>, vector<1x16xf32>,
      %swap3A_162 = vector.shape_cast %swap3A_161 : vector<1x16xf32> to vector<16xf32>
      %swap3A_163 = vector.shape_cast %broadcast_in_dim3A_158 : vector<16xf32> to vector<1x16xf32>
      tpu.vector_store %arg5[%swap3A_159, %swap3A_160], %swap3A_163 {strides = array<i32>} : memref<128x128xf32, #tpu.memory_space<vmem>>, vector<1x16xf32>,
      %broadcast_in_dim3A_164 = arith.constant 0.000000e+00 : f32
      %broadcast_in_dim3A_165 = vector.broadcast %broadcast_in_dim3A_164 : f32 to vector<16xf32>
      %swap3A_166 = arith.index_cast %scan3A_144 : i32 to index
      %swap3A_167 = arith.constant 48 : index
      %swap3A_168 = tpu.vector_load %arg5[%swap3A_166, %swap3A_167] {strides = array<i32>} : memref<128x128xf32, #tpu.memory_space<vmem>>, vector<1x16xf32>,
      %swap3A_169 = vector.shape_cast %swap3A_168 : vector<1x16xf32> to vector<16xf32>
      %swap3A_170 = vector.shape_cast %broadcast_in_dim3A_165 : vector<16xf32> to vector<1x16xf32>
      tpu.vector_store %arg5[%swap3A_166, %swap3A_167], %swap3A_170 {strides = array<i32>} : memref<128x128xf32, #tpu.memory_space<vmem>>, vector<1x16xf32>,
      %broadcast_in_dim3A_171 = arith.constant 0.000000e+00 : f32
      %broadcast_in_dim3A_172 = vector.broadcast %broadcast_in_dim3A_171 : f32 to vector<16xf32>
      %swap3A_173 = arith.index_cast %scan3A_144 : i32 to index
      %swap3A_174 = arith.constant 64 : index
      %swap3A_175 = tpu.vector_load %arg5[%swap3A_173, %swap3A_174] {strides = array<i32>} : memref<128x128xf32, #tpu.memory_space<vmem>>, vector<1x16xf32>,
      %swap3A_176 = vector.shape_cast %swap3A_175 : vector<1x16xf32> to vector<16xf32>
      %swap3A_177 = vector.shape_cast %broadcast_in_dim3A_172 : vector<16xf32> to vector<1x16xf32>
      tpu.vector_store %arg5[%swap3A_173, %swap3A_174], %swap3A_177 {strides = array<i32>} : memref<128x128xf32, #tpu.memory_space<vmem>>, vector<1x16xf32>,
      %broadcast_in_dim3A_178 = arith.constant 0.000000e+00 : f32
      %broadcast_in_dim3A_179 = vector.broadcast %broadcast_in_dim3A_178 : f32 to vector<16xf32>
      %swap3A_180 = arith.index_cast %scan3A_144 : i32 to index
      %swap3A_181 = arith.constant 80 : index
      %swap3A_182 = tpu.vector_load %arg5[%swap3A_180, %swap3A_181] {strides = array<i32>} : memref<128x128xf32, #tpu.memory_space<vmem>>, vector<1x16xf32>,
      %swap3A_183 = vector.shape_cast %swap3A_182 : vector<1x16xf32> to vector<16xf32>
      %swap3A_184 = vector.shape_cast %broadcast_in_dim3A_179 : vector<16xf32> to vector<1x16xf32>
      tpu.vector_store %arg5[%swap3A_180, %swap3A_181], %swap3A_184 {strides = array<i32>} : memref<128x128xf32, #tpu.memory_space<vmem>>, vector<1x16xf32>,
      %broadcast_in_dim3A_185 = arith.constant 0.000000e+00 : f32
      %broadcast_in_dim3A_186 = vector.broadcast %broadcast_in_dim3A_185 : f32 to vector<16xf32>
      %swap3A_187 = arith.index_cast %scan3A_144 : i32 to index
      %swap3A_188 = arith.constant 96 : index
      %swap3A_189 = tpu.vector_load %arg5[%swap3A_187, %swap3A_188] {strides = array<i32>} : memref<128x128xf32, #tpu.memory_space<vmem>>, vector<1x16xf32>,
      %swap3A_190 = vector.shape_cast %swap3A_189 : vector<1x16xf32> to vector<16xf32>
      %swap3A_191 = vector.shape_cast %broadcast_in_dim3A_186 : vector<16xf32> to vector<1x16xf32>
      tpu.vector_store %arg5[%swap3A_187, %swap3A_188], %swap3A_191 {strides = array<i32>} : memref<128x128xf32, #tpu.memory_space<vmem>>, vector<1x16xf32>,
      %broadcast_in_dim3A_192 = arith.constant 0.000000e+00 : f32
      %broadcast_in_dim3A_193 = vector.broadcast %broadcast_in_dim3A_192 : f32 to vector<16xf32>
      %swap3A_194 = arith.index_cast %scan3A_144 : i32 to index
      %swap3A_195 = arith.constant 112 : index
      %swap3A_196 = tpu.vector_load %arg5[%swap3A_194, %swap3A_195] {strides = array<i32>} : memref<128x128xf32, #tpu.memory_space<vmem>>, vector<1x16xf32>,
      %swap3A_197 = vector.shape_cast %swap3A_196 : vector<1x16xf32> to vector<16xf32>
      %swap3A_198 = vector.shape_cast %broadcast_in_dim3A_193 : vector<16xf32> to vector<1x16xf32>
      tpu.vector_store %arg5[%swap3A_194, %swap3A_195], %swap3A_198 {strides = array<i32>} : memref<128x128xf32, #tpu.memory_space<vmem>>, vector<1x16xf32>,
    }
    %scan3A_5 = arith.constant 128 : i32
    %mul3A_6 = arith.constant 640 : i32
    %mul3A_7 = arith.muli %arg1, %mul3A_6 : i32
    %add3A_8 = arith.constant 0 : i32
    %add3A_9 = arith.addi %mul3A_7, %add3A_8 : i32
    %dma_start3A = arith.constant 0 : i32
    %dma_start3A_10 = tpu.memref_slice %arg6[%add3A_9, %dma_start3A] : memref<10240x128xf32, #tpu.memory_space<vmem_shared>> -> memref<128x128xf32, #tpu.memory_space<vmem_shared>>
    %dma_start3A_11 = arith.constant 0 : i32
    %dma_start3A_12 = tpu.memref_slice %arg6[%add3A_9, %dma_start3A_11] : memref<10240x128xf32, #tpu.memory_space<vmem_shared>> -> memref<128x128xf32, #tpu.memory_space<vmem_shared>>
    tpu.enqueue_dma source(%arg5 : memref<128x128xf32, #tpu.memory_space<vmem>>) target(%dma_start3A_12 : memref<128x128xf32, #tpu.memory_space<vmem_shared>>) target_semaphore(%arg7 : memref<!tpu.dma_semaphore, #tpu.memory_space<semaphore_mem>>)
    %dma_wait3A = arith.constant 0 : i32
    %dma_wait3A_13 = tpu.memref_slice %arg6[%add3A_9, %dma_wait3A] : memref<10240x128xf32, #tpu.memory_space<vmem_shared>> -> memref<128x128xf32, #tpu.memory_space<vmem_shared>>
    %dma_wait3A_14 = arith.constant 0 : i32
    %dma_wait3A_15 = tpu.memref_slice %arg6[%add3A_9, %dma_wait3A_14] : memref<10240x128xf32, #tpu.memory_space<vmem_shared>> -> memref<128x128xf32, #tpu.memory_space<vmem_shared>>
    tpu.wait_dma2 semaphore(%arg7 : memref<!tpu.dma_semaphore, #tpu.memory_space<semaphore_mem>>) src(%arg5 : memref<128x128xf32, #tpu.memory_space<vmem>>) dst(%dma_wait3A_15 : memref<128x128xf32, #tpu.memory_space<vmem_shared>>)
    %mul3A_16 = arith.constant 640 : i32
    %mul3A_17 = arith.muli %arg1, %mul3A_16 : i32
    %add3A_18 = arith.constant 128 : i32
    %add3A_19 = arith.addi %mul3A_17, %add3A_18 : i32
    %dma_start3A_20 = arith.constant 0 : i32
    %dma_start3A_21 = tpu.memref_slice %arg6[%add3A_19, %dma_start3A_20] : memref<10240x128xf32, #tpu.memory_space<vmem_shared>> -> memref<128x128xf32, #tpu.memory_space<vmem_shared>>
    %dma_start3A_22 = arith.constant 0 : i32
    %dma_start3A_23 = tpu.memref_slice %arg6[%add3A_19, %dma_start3A_22] : memref<10240x128xf32, #tpu.memory_space<vmem_shared>> -> memref<128x128xf32, #tpu.memory_space<vmem_shared>>
    tpu.enqueue_dma source(%arg5 : memref<128x128xf32, #tpu.memory_space<vmem>>) target(%dma_start3A_23 : memref<128x128xf32, #tpu.memory_space<vmem_shared>>) target_semaphore(%arg7 : memref<!tpu.dma_semaphore, #tpu.memory_space<semaphore_mem>>)
    %dma_wait3A_24 = arith.constant 0 : i32
    %dma_wait3A_25 = tpu.memref_slice %arg6[%add3A_19, %dma_wait3A_24] : memref<10240x128xf32, #tpu.memory_space<vmem_shared>> -> memref<128x128xf32, #tpu.memory_space<vmem_shared>>
    %dma_wait3A_26 = arith.constant 0 : i32
    %dma_wait3A_27 = tpu.memref_slice %arg6[%add3A_19, %dma_wait3A_26] : memref<10240x128xf32, #tpu.memory_space<vmem_shared>> -> memref<128x128xf32, #tpu.memory_space<vmem_shared>>
    tpu.wait_dma2 semaphore(%arg7 : memref<!tpu.dma_semaphore, #tpu.memory_space<semaphore_mem>>) src(%arg5 : memref<128x128xf32, #tpu.memory_space<vmem>>) dst(%dma_wait3A_27 : memref<128x128xf32, #tpu.memory_space<vmem_shared>>)
    %mul3A_28 = arith.constant 640 : i32
    %mul3A_29 = arith.muli %arg1, %mul3A_28 : i32
    %add3A_30 = arith.constant 256 : i32
    %add3A_31 = arith.addi %mul3A_29, %add3A_30 : i32
    %dma_start3A_32 = arith.constant 0 : i32
    %dma_start3A_33 = tpu.memref_slice %arg6[%add3A_31, %dma_start3A_32] : memref<10240x128xf32, #tpu.memory_space<vmem_shared>> -> memref<128x128xf32, #tpu.memory_space<vmem_shared>>
    %dma_start3A_34 = arith.constant 0 : i32
    %dma_start3A_35 = tpu.memref_slice %arg6[%add3A_31, %dma_start3A_34] : memref<10240x128xf32, #tpu.memory_space<vmem_shared>> -> memref<128x128xf32, #tpu.memory_space<vmem_shared>>
    tpu.enqueue_dma source(%arg5 : memref<128x128xf32, #tpu.memory_space<vmem>>) target(%dma_start3A_35 : memref<128x128xf32, #tpu.memory_space<vmem_shared>>) target_semaphore(%arg7 : memref<!tpu.dma_semaphore, #tpu.memory_space<semaphore_mem>>)
    %dma_wait3A_36 = arith.constant 0 : i32
    %dma_wait3A_37 = tpu.memref_slice %arg6[%add3A_31, %dma_wait3A_36] : memref<10240x128xf32, #tpu.memory_space<vmem_shared>> -> memref<128x128xf32, #tpu.memory_space<vmem_shared>>
    %dma_wait3A_38 = arith.constant 0 : i32
    %dma_wait3A_39 = tpu.memref_slice %arg6[%add3A_31, %dma_wait3A_38] : memref<10240x128xf32, #tpu.memory_space<vmem_shared>> -> memref<128x128xf32, #tpu.memory_space<vmem_shared>>
    tpu.wait_dma2 semaphore(%arg7 : memref<!tpu.dma_semaphore, #tpu.memory_space<semaphore_mem>>) src(%arg5 : memref<128x128xf32, #tpu.memory_space<vmem>>) dst(%dma_wait3A_39 : memref<128x128xf32, #tpu.memory_space<vmem_shared>>)
    %mul3A_40 = arith.constant 640 : i32
    %mul3A_41 = arith.muli %arg1, %mul3A_40 : i32
    %add3A_42 = arith.constant 384 : i32
    %add3A_43 = arith.addi %mul3A_41, %add3A_42 : i32
    %dma_start3A_44 = arith.constant 0 : i32
    %dma_start3A_45 = tpu.memref_slice %arg6[%add3A_43, %dma_start3A_44] : memref<10240x128xf32, #tpu.memory_space<vmem_shared>> -> memref<128x128xf32, #tpu.memory_space<vmem_shared>>
    %dma_start3A_46 = arith.constant 0 : i32
    %dma_start3A_47 = tpu.memref_slice %arg6[%add3A_43, %dma_start3A_46] : memref<10240x128xf32, #tpu.memory_space<vmem_shared>> -> memref<128x128xf32, #tpu.memory_space<vmem_shared>>
    tpu.enqueue_dma source(%arg5 : memref<128x128xf32, #tpu.memory_space<vmem>>) target(%dma_start3A_47 : memref<128x128xf32, #tpu.memory_space<vmem_shared>>) target_semaphore(%arg7 : memref<!tpu.dma_semaphore, #tpu.memory_space<semaphore_mem>>)
    %dma_wait3A_48 = arith.constant 0 : i32
    %dma_wait3A_49 = tpu.memref_slice %arg6[%add3A_43, %dma_wait3A_48] : memref<10240x128xf32, #tpu.memory_space<vmem_shared>> -> memref<128x128xf32, #tpu.memory_space<vmem_shared>>
    %dma_wait3A_50 = arith.constant 0 : i32
    %dma_wait3A_51 = tpu.memref_slice %arg6[%add3A_43, %dma_wait3A_50] : memref<10240x128xf32, #tpu.memory_space<vmem_shared>> -> memref<128x128xf32, #tpu.memory_space<vmem_shared>>
    tpu.wait_dma2 semaphore(%arg7 : memref<!tpu.dma_semaphore, #tpu.memory_space<semaphore_mem>>) src(%arg5 : memref<128x128xf32, #tpu.memory_space<vmem>>) dst(%dma_wait3A_51 : memref<128x128xf32, #tpu.memory_space<vmem_shared>>)
    %mul3A_52 = arith.constant 640 : i32
    %mul3A_53 = arith.muli %arg1, %mul3A_52 : i32
    %add3A_54 = arith.constant 512 : i32
    %add3A_55 = arith.addi %mul3A_53, %add3A_54 : i32
    %dma_start3A_56 = arith.constant 0 : i32
    %dma_start3A_57 = tpu.memref_slice %arg6[%add3A_55, %dma_start3A_56] : memref<10240x128xf32, #tpu.memory_space<vmem_shared>> -> memref<128x128xf32, #tpu.memory_space<vmem_shared>>
    %dma_start3A_58 = arith.constant 0 : i32
    %dma_start3A_59 = tpu.memref_slice %arg6[%add3A_55, %dma_start3A_58] : memref<10240x128xf32, #tpu.memory_space<vmem_shared>> -> memref<128x128xf32, #tpu.memory_space<vmem_shared>>
    tpu.enqueue_dma source(%arg5 : memref<128x128xf32, #tpu.memory_space<vmem>>) target(%dma_start3A_59 : memref<128x128xf32, #tpu.memory_space<vmem_shared>>) target_semaphore(%arg7 : memref<!tpu.dma_semaphore, #tpu.memory_space<semaphore_mem>>)
    %dma_wait3A_60 = arith.constant 0 : i32
    %dma_wait3A_61 = tpu.memref_slice %arg6[%add3A_55, %dma_wait3A_60] : memref<10240x128xf32, #tpu.memory_space<vmem_shared>> -> memref<128x128xf32, #tpu.memory_space<vmem_shared>>
    %dma_wait3A_62 = arith.constant 0 : i32
    %dma_wait3A_63 = tpu.memref_slice %arg6[%add3A_55, %dma_wait3A_62] : memref<10240x128xf32, #tpu.memory_space<vmem_shared>> -> memref<128x128xf32, #tpu.memory_space<vmem_shared>>
    tpu.wait_dma2 semaphore(%arg7 : memref<!tpu.dma_semaphore, #tpu.memory_space<semaphore_mem>>) src(%arg5 : memref<128x128xf32, #tpu.memory_space<vmem>>) dst(%dma_wait3A_63 : memref<128x128xf32, #tpu.memory_space<vmem_shared>>)
    %scan3A_64 = arith.constant 0 : i32
    %scan3A_65 = arith.constant 0 : i32
    %scan3A_66 = arith.constant 128 : i32
    %scan3A_67 = arith.addi %scan3A_65, %scan3A_66 : i32
    %scan3A_68 = arith.constant 1 : i32
    scf.for %scan3A_144 = %scan3A_65 to %scan3A_67 step %scan3A_68  : i32 {
      %broadcast_in_dim3A = arith.constant 1.000000e+00 : f32
      %broadcast_in_dim3A_145 = vector.broadcast %broadcast_in_dim3A : f32 to vector<16xf32>
      %swap3A = arith.index_cast %scan3A_144 : i32 to index
      %swap3A_146 = arith.constant 0 : index
      %swap3A_147 = tpu.vector_load %arg5[%swap3A, %swap3A_146] {strides = array<i32>} : memref<128x128xf32, #tpu.memory_space<vmem>>, vector<1x16xf32>,
      %swap3A_148 = vector.shape_cast %swap3A_147 : vector<1x16xf32> to vector<16xf32>
      %swap3A_149 = vector.shape_cast %broadcast_in_dim3A_145 : vector<16xf32> to vector<1x16xf32>
      tpu.vector_store %arg5[%swap3A, %swap3A_146], %swap3A_149 {strides = array<i32>} : memref<128x128xf32, #tpu.memory_space<vmem>>, vector<1x16xf32>,
      %broadcast_in_dim3A_150 = arith.constant 1.000000e+00 : f32
      %broadcast_in_dim3A_151 = vector.broadcast %broadcast_in_dim3A_150 : f32 to vector<16xf32>
      %swap3A_152 = arith.index_cast %scan3A_144 : i32 to index
      %swap3A_153 = arith.constant 16 : index
      %swap3A_154 = tpu.vector_load %arg5[%swap3A_152, %swap3A_153] {strides = array<i32>} : memref<128x128xf32, #tpu.memory_space<vmem>>, vector<1x16xf32>,
      %swap3A_155 = vector.shape_cast %swap3A_154 : vector<1x16xf32> to vector<16xf32>
      %swap3A_156 = vector.shape_cast %broadcast_in_dim3A_151 : vector<16xf32> to vector<1x16xf32>
      tpu.vector_store %arg5[%swap3A_152, %swap3A_153], %swap3A_156 {strides = array<i32>} : memref<128x128xf32, #tpu.memory_space<vmem>>, vector<1x16xf32>,
      %broadcast_in_dim3A_157 = arith.constant 1.000000e+00 : f32
      %broadcast_in_dim3A_158 = vector.broadcast %broadcast_in_dim3A_157 : f32 to vector<16xf32>
      %swap3A_159 = arith.index_cast %scan3A_144 : i32 to index
      %swap3A_160 = arith.constant 32 : index
      %swap3A_161 = tpu.vector_load %arg5[%swap3A_159, %swap3A_160] {strides = array<i32>} : memref<128x128xf32, #tpu.memory_space<vmem>>, vector<1x16xf32>,
      %swap3A_162 = vector.shape_cast %swap3A_161 : vector<1x16xf32> to vector<16xf32>
      %swap3A_163 = vector.shape_cast %broadcast_in_dim3A_158 : vector<16xf32> to vector<1x16xf32>
      tpu.vector_store %arg5[%swap3A_159, %swap3A_160], %swap3A_163 {strides = array<i32>} : memref<128x128xf32, #tpu.memory_space<vmem>>, vector<1x16xf32>,
      %broadcast_in_dim3A_164 = arith.constant 1.000000e+00 : f32
      %broadcast_in_dim3A_165 = vector.broadcast %broadcast_in_dim3A_164 : f32 to vector<16xf32>
      %swap3A_166 = arith.index_cast %scan3A_144 : i32 to index
      %swap3A_167 = arith.constant 48 : index
      %swap3A_168 = tpu.vector_load %arg5[%swap3A_166, %swap3A_167] {strides = array<i32>} : memref<128x128xf32, #tpu.memory_space<vmem>>, vector<1x16xf32>,
      %swap3A_169 = vector.shape_cast %swap3A_168 : vector<1x16xf32> to vector<16xf32>
      %swap3A_170 = vector.shape_cast %broadcast_in_dim3A_165 : vector<16xf32> to vector<1x16xf32>
      tpu.vector_store %arg5[%swap3A_166, %swap3A_167], %swap3A_170 {strides = array<i32>} : memref<128x128xf32, #tpu.memory_space<vmem>>, vector<1x16xf32>,
      %broadcast_in_dim3A_171 = arith.constant 1.000000e+00 : f32
      %broadcast_in_dim3A_172 = vector.broadcast %broadcast_in_dim3A_171 : f32 to vector<16xf32>
      %swap3A_173 = arith.index_cast %scan3A_144 : i32 to index
      %swap3A_174 = arith.constant 64 : index
      %swap3A_175 = tpu.vector_load %arg5[%swap3A_173, %swap3A_174] {strides = array<i32>} : memref<128x128xf32, #tpu.memory_space<vmem>>, vector<1x16xf32>,
      %swap3A_176 = vector.shape_cast %swap3A_175 : vector<1x16xf32> to vector<16xf32>
      %swap3A_177 = vector.shape_cast %broadcast_in_dim3A_172 : vector<16xf32> to vector<1x16xf32>
      tpu.vector_store %arg5[%swap3A_173, %swap3A_174], %swap3A_177 {strides = array<i32>} : memref<128x128xf32, #tpu.memory_space<vmem>>, vector<1x16xf32>,
      %broadcast_in_dim3A_178 = arith.constant 1.000000e+00 : f32
      %broadcast_in_dim3A_179 = vector.broadcast %broadcast_in_dim3A_178 : f32 to vector<16xf32>
      %swap3A_180 = arith.index_cast %scan3A_144 : i32 to index
      %swap3A_181 = arith.constant 80 : index
      %swap3A_182 = tpu.vector_load %arg5[%swap3A_180, %swap3A_181] {strides = array<i32>} : memref<128x128xf32, #tpu.memory_space<vmem>>, vector<1x16xf32>,
      %swap3A_183 = vector.shape_cast %swap3A_182 : vector<1x16xf32> to vector<16xf32>
      %swap3A_184 = vector.shape_cast %broadcast_in_dim3A_179 : vector<16xf32> to vector<1x16xf32>
      tpu.vector_store %arg5[%swap3A_180, %swap3A_181], %swap3A_184 {strides = array<i32>} : memref<128x128xf32, #tpu.memory_space<vmem>>, vector<1x16xf32>,
      %broadcast_in_dim3A_185 = arith.constant 1.000000e+00 : f32
      %broadcast_in_dim3A_186 = vector.broadcast %broadcast_in_dim3A_185 : f32 to vector<16xf32>
      %swap3A_187 = arith.index_cast %scan3A_144 : i32 to index
      %swap3A_188 = arith.constant 96 : index
      %swap3A_189 = tpu.vector_load %arg5[%swap3A_187, %swap3A_188] {strides = array<i32>} : memref<128x128xf32, #tpu.memory_space<vmem>>, vector<1x16xf32>,
      %swap3A_190 = vector.shape_cast %swap3A_189 : vector<1x16xf32> to vector<16xf32>
      %swap3A_191 = vector.shape_cast %broadcast_in_dim3A_186 : vector<16xf32> to vector<1x16xf32>
      tpu.vector_store %arg5[%swap3A_187, %swap3A_188], %swap3A_191 {strides = array<i32>} : memref<128x128xf32, #tpu.memory_space<vmem>>, vector<1x16xf32>,
      %broadcast_in_dim3A_192 = arith.constant 1.000000e+00 : f32
      %broadcast_in_dim3A_193 = vector.broadcast %broadcast_in_dim3A_192 : f32 to vector<16xf32>
      %swap3A_194 = arith.index_cast %scan3A_144 : i32 to index
      %swap3A_195 = arith.constant 112 : index
      %swap3A_196 = tpu.vector_load %arg5[%swap3A_194, %swap3A_195] {strides = array<i32>} : memref<128x128xf32, #tpu.memory_space<vmem>>, vector<1x16xf32>,
      %swap3A_197 = vector.shape_cast %swap3A_196 : vector<1x16xf32> to vector<16xf32>
      %swap3A_198 = vector.shape_cast %broadcast_in_dim3A_193 : vector<16xf32> to vector<1x16xf32>
      tpu.vector_store %arg5[%swap3A_194, %swap3A_195], %swap3A_198 {strides = array<i32>} : memref<128x128xf32, #tpu.memory_space<vmem>>, vector<1x16xf32>,
    }
    %scan3A_69 = arith.constant 128 : i32
    %barrier3A = arith.constant 0 : index
    tpu.barrier barrier_id(%barrier3A)
    %lt3A = arith.constant 4 : i32
    %lt3A_70 = arith.cmpi slt, %add3A, %lt3A : i32
    %jit3A = arith.constant 1 : i32
    %jit3A_71 = arith.constant 0 : i32
    %select_n3A = arith.select %lt3A_70, %jit3A, %jit3A_71 : i32
    %add3A_72 = arith.constant 78 : i32
    %add3A_73 = arith.addi %add3A_72, %select_n3A : i32
    %while3A = arith.constant 0 : i32
    %while3A_74 = arith.constant 0 : i32
    %while3A_75 = arith.subi %add3A_73, %while3A_74 : i32
    %while3A_76 = arith.addi %while3A_74, %while3A_75 : i32
    %while3A_77 = arith.constant 1 : i32
    %while3A_78 = arith.divsi %while3A_75, %while3A_77 : i32
    %while3A_79 = arith.muli %while3A_78, %while3A_77 : i32
    %while3A_80 = arith.addi %while3A_74, %while3A_79 : i32
    %while3A_81 = arith.constant 1 : i32
    scf.for %while3A_144 = %while3A_74 to %while3A_80 step %while3A_81  : i32 {
      %mul3A_145 = arith.constant 32 : i32
      %mul3A_146 = arith.muli %mul3A_145, %while3A_144 : i32
      %add3A_147 = arith.addi %add3A, %mul3A_146 : i32
      %mul3A_148 = arith.constant 128 : i32
      %mul3A_149 = arith.muli %add3A_147, %mul3A_148 : i32
      "tpu.region"() ({
        %run_scoped3A = tpu.sem_alloc : memref<!tpu.dma_semaphore, #tpu.memory_space<semaphore_mem>>
        %dma_start3A_156 = tpu.memref_slice %arg2[%mul3A_149] : memref<320000xi32, #tpu.memory_space<hbm>> -> memref<128xi32, #tpu.memory_space<hbm>>
        %dma_start3A_157 = tpu.memref_slice %arg2[%mul3A_149] : memref<320000xi32, #tpu.memory_space<hbm>> -> memref<128xi32, #tpu.memory_space<hbm>>
        tpu.enqueue_dma source(%dma_start3A_157 : memref<128xi32, #tpu.memory_space<hbm>>) target(%arg4 : memref<128xi32, #tpu.memory_space<vmem>>) target_semaphore(%run_scoped3A : memref<!tpu.dma_semaphore, #tpu.memory_space<semaphore_mem>>)
        %dma_wait3A_158 = tpu.memref_slice %arg2[%mul3A_149] : memref<320000xi32, #tpu.memory_space<hbm>> -> memref<128xi32, #tpu.memory_space<hbm>>
        %dma_wait3A_159 = tpu.memref_slice %arg2[%mul3A_149] : memref<320000xi32, #tpu.memory_space<hbm>> -> memref<128xi32, #tpu.memory_space<hbm>>
        tpu.wait_dma2 semaphore(%run_scoped3A : memref<!tpu.dma_semaphore, #tpu.memory_space<semaphore_mem>>) src(%dma_wait3A_159 : memref<128xi32, #tpu.memory_space<hbm>>) dst(%arg4 : memref<128xi32, #tpu.memory_space<vmem>>)
        tpu.yield
      }) : () -> ()
      %dma_start3A_150 = arith.constant 0 : i32
      %dma_start3A_151 = arith.constant 0 : i32
      %dma_start3A_152 = tpu.memref_slice %arg6[%dma_start3A_150, %dma_start3A_151] : memref<10240x128xf32, #tpu.memory_space<vmem_shared>> -> memref<10240x128xf32, #tpu.memory_space<vmem_shared>>
      tpu.enqueue_indirect_dma source(%arg5 : memref<128x128xf32, #tpu.memory_space<vmem>>) target(%dma_start3A_152 : memref<10240x128xf32, #tpu.memory_space<vmem_shared>>) offsets(%arg4 : memref<128xi32, #tpu.memory_space<vmem>>) semaphore(%arg7 : memref<!tpu.dma_semaphore, #tpu.memory_space<semaphore_mem>>) {add = true}
      %dma_wait3A_153 = arith.constant 0 : i32
      %dma_wait3A_154 = arith.constant 0 : i32
      %dma_wait3A_155 = tpu.memref_slice %arg6[%dma_wait3A_153, %dma_wait3A_154] : memref<10240x128xf32, #tpu.memory_space<vmem_shared>> -> memref<10240x128xf32, #tpu.memory_space<vmem_shared>>
      tpu.wait_indirect_dma semaphore(%arg7 : memref<!tpu.dma_semaphore, #tpu.memory_space<semaphore_mem>>) src(%arg5 : memref<128x128xf32, #tpu.memory_space<vmem>>) dst(%dma_wait3A_155 : memref<10240x128xf32, #tpu.memory_space<vmem_shared>>)
    }
    %while3A_82 = arith.constant 1 : i32
    scf.for %while3A_144 = %while3A_80 to %while3A_76 step %while3A_82  : i32 {
      %mul3A_145 = arith.constant 32 : i32
      %mul3A_146 = arith.muli %mul3A_145, %while3A_144 : i32
      %add3A_147 = arith.addi %add3A, %mul3A_146 : i32
      %mul3A_148 = arith.constant 128 : i32
      %mul3A_149 = arith.muli %add3A_147, %mul3A_148 : i32
      "tpu.region"() ({
        %run_scoped3A = tpu.sem_alloc : memref<!tpu.dma_semaphore, #tpu.memory_space<semaphore_mem>>
        %dma_start3A_156 = tpu.memref_slice %arg2[%mul3A_149] : memref<320000xi32, #tpu.memory_space<hbm>> -> memref<128xi32, #tpu.memory_space<hbm>>
        %dma_start3A_157 = tpu.memref_slice %arg2[%mul3A_149] : memref<320000xi32, #tpu.memory_space<hbm>> -> memref<128xi32, #tpu.memory_space<hbm>>
        tpu.enqueue_dma source(%dma_start3A_157 : memref<128xi32, #tpu.memory_space<hbm>>) target(%arg4 : memref<128xi32, #tpu.memory_space<vmem>>) target_semaphore(%run_scoped3A : memref<!tpu.dma_semaphore, #tpu.memory_space<semaphore_mem>>)
        %dma_wait3A_158 = tpu.memref_slice %arg2[%mul3A_149] : memref<320000xi32, #tpu.memory_space<hbm>> -> memref<128xi32, #tpu.memory_space<hbm>>
        %dma_wait3A_159 = tpu.memref_slice %arg2[%mul3A_149] : memref<320000xi32, #tpu.memory_space<hbm>> -> memref<128xi32, #tpu.memory_space<hbm>>
        tpu.wait_dma2 semaphore(%run_scoped3A : memref<!tpu.dma_semaphore, #tpu.memory_space<semaphore_mem>>) src(%dma_wait3A_159 : memref<128xi32, #tpu.memory_space<hbm>>) dst(%arg4 : memref<128xi32, #tpu.memory_space<vmem>>)
        tpu.yield
      }) : () -> ()
      %dma_start3A_150 = arith.constant 0 : i32
      %dma_start3A_151 = arith.constant 0 : i32
      %dma_start3A_152 = tpu.memref_slice %arg6[%dma_start3A_150, %dma_start3A_151] : memref<10240x128xf32, #tpu.memory_space<vmem_shared>> -> memref<10240x128xf32, #tpu.memory_space<vmem_shared>>
      tpu.enqueue_indirect_dma source(%arg5 : memref<128x128xf32, #tpu.memory_space<vmem>>) target(%dma_start3A_152 : memref<10240x128xf32, #tpu.memory_space<vmem_shared>>) offsets(%arg4 : memref<128xi32, #tpu.memory_space<vmem>>) semaphore(%arg7 : memref<!tpu.dma_semaphore, #tpu.memory_space<semaphore_mem>>) {add = true}
      %dma_wait3A_153 = arith.constant 0 : i32
      %dma_wait3A_154 = arith.constant 0 : i32
      %dma_wait3A_155 = tpu.memref_slice %arg6[%dma_wait3A_153, %dma_wait3A_154] : memref<10240x128xf32, #tpu.memory_space<vmem_shared>> -> memref<10240x128xf32, #tpu.memory_space<vmem_shared>>
      tpu.wait_indirect_dma semaphore(%arg7 : memref<!tpu.dma_semaphore, #tpu.memory_space<semaphore_mem>>) src(%arg5 : memref<128x128xf32, #tpu.memory_space<vmem>>) dst(%dma_wait3A_155 : memref<10240x128xf32, #tpu.memory_space<vmem_shared>>)
    }
    %barrier3A_83 = arith.constant 0 : index
    tpu.barrier barrier_id(%barrier3A_83)
    %mul3A_84 = arith.constant 640 : i32
    %mul3A_85 = arith.muli %arg1, %mul3A_84 : i32
    %add3A_86 = arith.constant 0 : i32
    %add3A_87 = arith.addi %mul3A_85, %add3A_86 : i32
    %dma_start3A_88 = arith.constant 0 : i32
    %dma_start3A_89 = tpu.memref_slice %arg6[%add3A_87, %dma_start3A_88] : memref<10240x128xf32, #tpu.memory_space<vmem_shared>> -> memref<128x128xf32, #tpu.memory_space<vmem_shared>>
    %dma_start3A_90 = arith.constant 0 : i32
    %dma_start3A_91 = tpu.memref_slice %arg6[%add3A_87, %dma_start3A_90] : memref<10240x128xf32, #tpu.memory_space<vmem_shared>> -> memref<128x128xf32, #tpu.memory_space<vmem_shared>>
    tpu.enqueue_dma source(%dma_start3A_91 : memref<128x128xf32, #tpu.memory_space<vmem_shared>>) target(%arg5 : memref<128x128xf32, #tpu.memory_space<vmem>>) target_semaphore(%arg7 : memref<!tpu.dma_semaphore, #tpu.memory_space<semaphore_mem>>)
    %dma_wait3A_92 = arith.constant 0 : i32
    %dma_wait3A_93 = tpu.memref_slice %arg6[%add3A_87, %dma_wait3A_92] : memref<10240x128xf32, #tpu.memory_space<vmem_shared>> -> memref<128x128xf32, #tpu.memory_space<vmem_shared>>
    %dma_wait3A_94 = arith.constant 0 : i32
    %dma_wait3A_95 = tpu.memref_slice %arg6[%add3A_87, %dma_wait3A_94] : memref<10240x128xf32, #tpu.memory_space<vmem_shared>> -> memref<128x128xf32, #tpu.memory_space<vmem_shared>>
    tpu.wait_dma2 semaphore(%arg7 : memref<!tpu.dma_semaphore, #tpu.memory_space<semaphore_mem>>) src(%dma_wait3A_95 : memref<128x128xf32, #tpu.memory_space<vmem_shared>>) dst(%arg5 : memref<128x128xf32, #tpu.memory_space<vmem>>)
    "tpu.region"() ({
      %run_scoped3A = tpu.sem_alloc : memref<!tpu.dma_semaphore, #tpu.memory_space<semaphore_mem>>
      %dma_start3A_144 = arith.constant 0 : i32
      %dma_start3A_145 = arith.constant 0 : i32
      %dma_start3A_146 = tpu.memref_slice %arg3[%arg0, %dma_start3A_144, %dma_start3A_145] : memref<2x10240x128xf32, #tpu.memory_space<hbm>> -> memref<1x10240x128xf32, #tpu.memory_space<hbm>>
      %dma_start3A_147 = tpu.memref_squeeze %dma_start3A_146 : memref<1x10240x128xf32, #tpu.memory_space<hbm>> -> memref<10240x128xf32, #tpu.memory_space<hbm>>
      %dma_start3A_148 = arith.constant 0 : i32
      %dma_start3A_149 = tpu.memref_slice %dma_start3A_147[%add3A_87, %dma_start3A_148] : memref<10240x128xf32, #tpu.memory_space<hbm>> -> memref<128x128xf32, #tpu.memory_space<hbm>>
      %dma_start3A_150 = arith.constant 0 : i32
      %dma_start3A_151 = arith.constant 0 : i32
      %dma_start3A_152 = tpu.memref_slice %arg3[%arg0, %dma_start3A_150, %dma_start3A_151] : memref<2x10240x128xf32, #tpu.memory_space<hbm>> -> memref<1x10240x128xf32, #tpu.memory_space<hbm>>
      %dma_start3A_153 = tpu.memref_squeeze %dma_start3A_152 : memref<1x10240x128xf32, #tpu.memory_space<hbm>> -> memref<10240x128xf32, #tpu.memory_space<hbm>>
      %dma_start3A_154 = arith.constant 0 : i32
      %dma_start3A_155 = tpu.memref_slice %dma_start3A_153[%add3A_87, %dma_start3A_154] : memref<10240x128xf32, #tpu.memory_space<hbm>> -> memref<128x128xf32, #tpu.memory_space<hbm>>
      tpu.enqueue_dma source(%arg5 : memref<128x128xf32, #tpu.memory_space<vmem>>) target(%dma_start3A_155 : memref<128x128xf32, #tpu.memory_space<hbm>>) target_semaphore(%run_scoped3A : memref<!tpu.dma_semaphore, #tpu.memory_space<semaphore_mem>>)
      %dma_wait3A_156 = arith.constant 0 : i32
      %dma_wait3A_157 = arith.constant 0 : i32
      %dma_wait3A_158 = tpu.memref_slice %arg3[%arg0, %dma_wait3A_156, %dma_wait3A_157] : memref<2x10240x128xf32, #tpu.memory_space<hbm>> -> memref<1x10240x128xf32, #tpu.memory_space<hbm>>
      %dma_wait3A_159 = tpu.memref_squeeze %dma_wait3A_158 : memref<1x10240x128xf32, #tpu.memory_space<hbm>> -> memref<10240x128xf32, #tpu.memory_space<hbm>>
      %dma_wait3A_160 = arith.constant 0 : i32
      %dma_wait3A_161 = tpu.memref_slice %dma_wait3A_159[%add3A_87, %dma_wait3A_160] : memref<10240x128xf32, #tpu.memory_space<hbm>> -> memref<128x128xf32, #tpu.memory_space<hbm>>
      %dma_wait3A_162 = arith.constant 0 : i32
      %dma_wait3A_163 = arith.constant 0 : i32
      %dma_wait3A_164 = tpu.memref_slice %arg3[%arg0, %dma_wait3A_162, %dma_wait3A_163] : memref<2x10240x128xf32, #tpu.memory_space<hbm>> -> memref<1x10240x128xf32, #tpu.memory_space<hbm>>
      %dma_wait3A_165 = tpu.memref_squeeze %dma_wait3A_164 : memref<1x10240x128xf32, #tpu.memory_space<hbm>> -> memref<10240x128xf32, #tpu.memory_space<hbm>>
      %dma_wait3A_166 = arith.constant 0 : i32
      %dma_wait3A_167 = tpu.memref_slice %dma_wait3A_165[%add3A_87, %dma_wait3A_166] : memref<10240x128xf32, #tpu.memory_space<hbm>> -> memref<128x128xf32, #tpu.memory_space<hbm>>
      tpu.wait_dma2 semaphore(%run_scoped3A : memref<!tpu.dma_semaphore, #tpu.memory_space<semaphore_mem>>) src(%arg5 : memref<128x128xf32, #tpu.memory_space<vmem>>) dst(%dma_wait3A_167 : memref<128x128xf32, #tpu.memory_space<hbm>>)
      tpu.yield
    }) : () -> ()
    %mul3A_96 = arith.constant 640 : i32
    %mul3A_97 = arith.muli %arg1, %mul3A_96 : i32
    %add3A_98 = arith.constant 128 : i32
    %add3A_99 = arith.addi %mul3A_97, %add3A_98 : i32
    %dma_start3A_100 = arith.constant 0 : i32
    %dma_start3A_101 = tpu.memref_slice %arg6[%add3A_99, %dma_start3A_100] : memref<10240x128xf32, #tpu.memory_space<vmem_shared>> -> memref<128x128xf32, #tpu.memory_space<vmem_shared>>
    %dma_start3A_102 = arith.constant 0 : i32
    %dma_start3A_103 = tpu.memref_slice %arg6[%add3A_99, %dma_start3A_102] : memref<10240x128xf32, #tpu.memory_space<vmem_shared>> -> memref<128x128xf32, #tpu.memory_space<vmem_shared>>
    tpu.enqueue_dma source(%dma_start3A_103 : memref<128x128xf32, #tpu.memory_space<vmem_shared>>) target(%arg5 : memref<128x128xf32, #tpu.memory_space<vmem>>) target_semaphore(%arg7 : memref<!tpu.dma_semaphore, #tpu.memory_space<semaphore_mem>>)
    %dma_wait3A_104 = arith.constant 0 : i32
    %dma_wait3A_105 = tpu.memref_slice %arg6[%add3A_99, %dma_wait3A_104] : memref<10240x128xf32, #tpu.memory_space<vmem_shared>> -> memref<128x128xf32, #tpu.memory_space<vmem_shared>>
    %dma_wait3A_106 = arith.constant 0 : i32
    %dma_wait3A_107 = tpu.memref_slice %arg6[%add3A_99, %dma_wait3A_106] : memref<10240x128xf32, #tpu.memory_space<vmem_shared>> -> memref<128x128xf32, #tpu.memory_space<vmem_shared>>
    tpu.wait_dma2 semaphore(%arg7 : memref<!tpu.dma_semaphore, #tpu.memory_space<semaphore_mem>>) src(%dma_wait3A_107 : memref<128x128xf32, #tpu.memory_space<vmem_shared>>) dst(%arg5 : memref<128x128xf32, #tpu.memory_space<vmem>>)
    "tpu.region"() ({
      %run_scoped3A = tpu.sem_alloc : memref<!tpu.dma_semaphore, #tpu.memory_space<semaphore_mem>>
      %dma_start3A_144 = arith.constant 0 : i32
      %dma_start3A_145 = arith.constant 0 : i32
      %dma_start3A_146 = tpu.memref_slice %arg3[%arg0, %dma_start3A_144, %dma_start3A_145] : memref<2x10240x128xf32, #tpu.memory_space<hbm>> -> memref<1x10240x128xf32, #tpu.memory_space<hbm>>
      %dma_start3A_147 = tpu.memref_squeeze %dma_start3A_146 : memref<1x10240x128xf32, #tpu.memory_space<hbm>> -> memref<10240x128xf32, #tpu.memory_space<hbm>>
      %dma_start3A_148 = arith.constant 0 : i32
      %dma_start3A_149 = tpu.memref_slice %dma_start3A_147[%add3A_99, %dma_start3A_148] : memref<10240x128xf32, #tpu.memory_space<hbm>> -> memref<128x128xf32, #tpu.memory_space<hbm>>
      %dma_start3A_150 = arith.constant 0 : i32
      %dma_start3A_151 = arith.constant 0 : i32
      %dma_start3A_152 = tpu.memref_slice %arg3[%arg0, %dma_start3A_150, %dma_start3A_151] : memref<2x10240x128xf32, #tpu.memory_space<hbm>> -> memref<1x10240x128xf32, #tpu.memory_space<hbm>>
      %dma_start3A_153 = tpu.memref_squeeze %dma_start3A_152 : memref<1x10240x128xf32, #tpu.memory_space<hbm>> -> memref<10240x128xf32, #tpu.memory_space<hbm>>
      %dma_start3A_154 = arith.constant 0 : i32
      %dma_start3A_155 = tpu.memref_slice %dma_start3A_153[%add3A_99, %dma_start3A_154] : memref<10240x128xf32, #tpu.memory_space<hbm>> -> memref<128x128xf32, #tpu.memory_space<hbm>>
      tpu.enqueue_dma source(%arg5 : memref<128x128xf32, #tpu.memory_space<vmem>>) target(%dma_start3A_155 : memref<128x128xf32, #tpu.memory_space<hbm>>) target_semaphore(%run_scoped3A : memref<!tpu.dma_semaphore, #tpu.memory_space<semaphore_mem>>)
      %dma_wait3A_156 = arith.constant 0 : i32
      %dma_wait3A_157 = arith.constant 0 : i32
      %dma_wait3A_158 = tpu.memref_slice %arg3[%arg0, %dma_wait3A_156, %dma_wait3A_157] : memref<2x10240x128xf32, #tpu.memory_space<hbm>> -> memref<1x10240x128xf32, #tpu.memory_space<hbm>>
      %dma_wait3A_159 = tpu.memref_squeeze %dma_wait3A_158 : memref<1x10240x128xf32, #tpu.memory_space<hbm>> -> memref<10240x128xf32, #tpu.memory_space<hbm>>
      %dma_wait3A_160 = arith.constant 0 : i32
      %dma_wait3A_161 = tpu.memref_slice %dma_wait3A_159[%add3A_99, %dma_wait3A_160] : memref<10240x128xf32, #tpu.memory_space<hbm>> -> memref<128x128xf32, #tpu.memory_space<hbm>>
      %dma_wait3A_162 = arith.constant 0 : i32
      %dma_wait3A_163 = arith.constant 0 : i32
      %dma_wait3A_164 = tpu.memref_slice %arg3[%arg0, %dma_wait3A_162, %dma_wait3A_163] : memref<2x10240x128xf32, #tpu.memory_space<hbm>> -> memref<1x10240x128xf32, #tpu.memory_space<hbm>>
      %dma_wait3A_165 = tpu.memref_squeeze %dma_wait3A_164 : memref<1x10240x128xf32, #tpu.memory_space<hbm>> -> memref<10240x128xf32, #tpu.memory_space<hbm>>
      %dma_wait3A_166 = arith.constant 0 : i32
      %dma_wait3A_167 = tpu.memref_slice %dma_wait3A_165[%add3A_99, %dma_wait3A_166] : memref<10240x128xf32, #tpu.memory_space<hbm>> -> memref<128x128xf32, #tpu.memory_space<hbm>>
      tpu.wait_dma2 semaphore(%run_scoped3A : memref<!tpu.dma_semaphore, #tpu.memory_space<semaphore_mem>>) src(%arg5 : memref<128x128xf32, #tpu.memory_space<vmem>>) dst(%dma_wait3A_167 : memref<128x128xf32, #tpu.memory_space<hbm>>)
      tpu.yield
    }) : () -> ()
    %mul3A_108 = arith.constant 640 : i32
    %mul3A_109 = arith.muli %arg1, %mul3A_108 : i32
    %add3A_110 = arith.constant 256 : i32
    %add3A_111 = arith.addi %mul3A_109, %add3A_110 : i32
    %dma_start3A_112 = arith.constant 0 : i32
    %dma_start3A_113 = tpu.memref_slice %arg6[%add3A_111, %dma_start3A_112] : memref<10240x128xf32, #tpu.memory_space<vmem_shared>> -> memref<128x128xf32, #tpu.memory_space<vmem_shared>>
    %dma_start3A_114 = arith.constant 0 : i32
    %dma_start3A_115 = tpu.memref_slice %arg6[%add3A_111, %dma_start3A_114] : memref<10240x128xf32, #tpu.memory_space<vmem_shared>> -> memref<128x128xf32, #tpu.memory_space<vmem_shared>>
    tpu.enqueue_dma source(%dma_start3A_115 : memref<128x128xf32, #tpu.memory_space<vmem_shared>>) target(%arg5 : memref<128x128xf32, #tpu.memory_space<vmem>>) target_semaphore(%arg7 : memref<!tpu.dma_semaphore, #tpu.memory_space<semaphore_mem>>)
    %dma_wait3A_116 = arith.constant 0 : i32
    %dma_wait3A_117 = tpu.memref_slice %arg6[%add3A_111, %dma_wait3A_116] : memref<10240x128xf32, #tpu.memory_space<vmem_shared>> -> memref<128x128xf32, #tpu.memory_space<vmem_shared>>
    %dma_wait3A_118 = arith.constant 0 : i32
    %dma_wait3A_119 = tpu.memref_slice %arg6[%add3A_111, %dma_wait3A_118] : memref<10240x128xf32, #tpu.memory_space<vmem_shared>> -> memref<128x128xf32, #tpu.memory_space<vmem_shared>>
    tpu.wait_dma2 semaphore(%arg7 : memref<!tpu.dma_semaphore, #tpu.memory_space<semaphore_mem>>) src(%dma_wait3A_119 : memref<128x128xf32, #tpu.memory_space<vmem_shared>>) dst(%arg5 : memref<128x128xf32, #tpu.memory_space<vmem>>)
    "tpu.region"() ({
      %run_scoped3A = tpu.sem_alloc : memref<!tpu.dma_semaphore, #tpu.memory_space<semaphore_mem>>
      %dma_start3A_144 = arith.constant 0 : i32
      %dma_start3A_145 = arith.constant 0 : i32
      %dma_start3A_146 = tpu.memref_slice %arg3[%arg0, %dma_start3A_144, %dma_start3A_145] : memref<2x10240x128xf32, #tpu.memory_space<hbm>> -> memref<1x10240x128xf32, #tpu.memory_space<hbm>>
      %dma_start3A_147 = tpu.memref_squeeze %dma_start3A_146 : memref<1x10240x128xf32, #tpu.memory_space<hbm>> -> memref<10240x128xf32, #tpu.memory_space<hbm>>
      %dma_start3A_148 = arith.constant 0 : i32
      %dma_start3A_149 = tpu.memref_slice %dma_start3A_147[%add3A_111, %dma_start3A_148] : memref<10240x128xf32, #tpu.memory_space<hbm>> -> memref<128x128xf32, #tpu.memory_space<hbm>>
      %dma_start3A_150 = arith.constant 0 : i32
      %dma_start3A_151 = arith.constant 0 : i32
      %dma_start3A_152 = tpu.memref_slice %arg3[%arg0, %dma_start3A_150, %dma_start3A_151] : memref<2x10240x128xf32, #tpu.memory_space<hbm>> -> memref<1x10240x128xf32, #tpu.memory_space<hbm>>
      %dma_start3A_153 = tpu.memref_squeeze %dma_start3A_152 : memref<1x10240x128xf32, #tpu.memory_space<hbm>> -> memref<10240x128xf32, #tpu.memory_space<hbm>>
      %dma_start3A_154 = arith.constant 0 : i32
      %dma_start3A_155 = tpu.memref_slice %dma_start3A_153[%add3A_111, %dma_start3A_154] : memref<10240x128xf32, #tpu.memory_space<hbm>> -> memref<128x128xf32, #tpu.memory_space<hbm>>
      tpu.enqueue_dma source(%arg5 : memref<128x128xf32, #tpu.memory_space<vmem>>) target(%dma_start3A_155 : memref<128x128xf32, #tpu.memory_space<hbm>>) target_semaphore(%run_scoped3A : memref<!tpu.dma_semaphore, #tpu.memory_space<semaphore_mem>>)
      %dma_wait3A_156 = arith.constant 0 : i32
      %dma_wait3A_157 = arith.constant 0 : i32
      %dma_wait3A_158 = tpu.memref_slice %arg3[%arg0, %dma_wait3A_156, %dma_wait3A_157] : memref<2x10240x128xf32, #tpu.memory_space<hbm>> -> memref<1x10240x128xf32, #tpu.memory_space<hbm>>
      %dma_wait3A_159 = tpu.memref_squeeze %dma_wait3A_158 : memref<1x10240x128xf32, #tpu.memory_space<hbm>> -> memref<10240x128xf32, #tpu.memory_space<hbm>>
      %dma_wait3A_160 = arith.constant 0 : i32
      %dma_wait3A_161 = tpu.memref_slice %dma_wait3A_159[%add3A_111, %dma_wait3A_160] : memref<10240x128xf32, #tpu.memory_space<hbm>> -> memref<128x128xf32, #tpu.memory_space<hbm>>
      %dma_wait3A_162 = arith.constant 0 : i32
      %dma_wait3A_163 = arith.constant 0 : i32
      %dma_wait3A_164 = tpu.memref_slice %arg3[%arg0, %dma_wait3A_162, %dma_wait3A_163] : memref<2x10240x128xf32, #tpu.memory_space<hbm>> -> memref<1x10240x128xf32, #tpu.memory_space<hbm>>
      %dma_wait3A_165 = tpu.memref_squeeze %dma_wait3A_164 : memref<1x10240x128xf32, #tpu.memory_space<hbm>> -> memref<10240x128xf32, #tpu.memory_space<hbm>>
      %dma_wait3A_166 = arith.constant 0 : i32
      %dma_wait3A_167 = tpu.memref_slice %dma_wait3A_165[%add3A_111, %dma_wait3A_166] : memref<10240x128xf32, #tpu.memory_space<hbm>> -> memref<128x128xf32, #tpu.memory_space<hbm>>
      tpu.wait_dma2 semaphore(%run_scoped3A : memref<!tpu.dma_semaphore, #tpu.memory_space<semaphore_mem>>) src(%arg5 : memref<128x128xf32, #tpu.memory_space<vmem>>) dst(%dma_wait3A_167 : memref<128x128xf32, #tpu.memory_space<hbm>>)
      tpu.yield
    }) : () -> ()
    %mul3A_120 = arith.constant 640 : i32
    %mul3A_121 = arith.muli %arg1, %mul3A_120 : i32
    %add3A_122 = arith.constant 384 : i32
    %add3A_123 = arith.addi %mul3A_121, %add3A_122 : i32
    %dma_start3A_124 = arith.constant 0 : i32
    %dma_start3A_125 = tpu.memref_slice %arg6[%add3A_123, %dma_start3A_124] : memref<10240x128xf32, #tpu.memory_space<vmem_shared>> -> memref<128x128xf32, #tpu.memory_space<vmem_shared>>
    %dma_start3A_126 = arith.constant 0 : i32
    %dma_start3A_127 = tpu.memref_slice %arg6[%add3A_123, %dma_start3A_126] : memref<10240x128xf32, #tpu.memory_space<vmem_shared>> -> memref<128x128xf32, #tpu.memory_space<vmem_shared>>
    tpu.enqueue_dma source(%dma_start3A_127 : memref<128x128xf32, #tpu.memory_space<vmem_shared>>) target(%arg5 : memref<128x128xf32, #tpu.memory_space<vmem>>) target_semaphore(%arg7 : memref<!tpu.dma_semaphore, #tpu.memory_space<semaphore_mem>>)
    %dma_wait3A_128 = arith.constant 0 : i32
    %dma_wait3A_129 = tpu.memref_slice %arg6[%add3A_123, %dma_wait3A_128] : memref<10240x128xf32, #tpu.memory_space<vmem_shared>> -> memref<128x128xf32, #tpu.memory_space<vmem_shared>>
    %dma_wait3A_130 = arith.constant 0 : i32
    %dma_wait3A_131 = tpu.memref_slice %arg6[%add3A_123, %dma_wait3A_130] : memref<10240x128xf32, #tpu.memory_space<vmem_shared>> -> memref<128x128xf32, #tpu.memory_space<vmem_shared>>
    tpu.wait_dma2 semaphore(%arg7 : memref<!tpu.dma_semaphore, #tpu.memory_space<semaphore_mem>>) src(%dma_wait3A_131 : memref<128x128xf32, #tpu.memory_space<vmem_shared>>) dst(%arg5 : memref<128x128xf32, #tpu.memory_space<vmem>>)
    "tpu.region"() ({
      %run_scoped3A = tpu.sem_alloc : memref<!tpu.dma_semaphore, #tpu.memory_space<semaphore_mem>>
      %dma_start3A_144 = arith.constant 0 : i32
      %dma_start3A_145 = arith.constant 0 : i32
      %dma_start3A_146 = tpu.memref_slice %arg3[%arg0, %dma_start3A_144, %dma_start3A_145] : memref<2x10240x128xf32, #tpu.memory_space<hbm>> -> memref<1x10240x128xf32, #tpu.memory_space<hbm>>
      %dma_start3A_147 = tpu.memref_squeeze %dma_start3A_146 : memref<1x10240x128xf32, #tpu.memory_space<hbm>> -> memref<10240x128xf32, #tpu.memory_space<hbm>>
      %dma_start3A_148 = arith.constant 0 : i32
      %dma_start3A_149 = tpu.memref_slice %dma_start3A_147[%add3A_123, %dma_start3A_148] : memref<10240x128xf32, #tpu.memory_space<hbm>> -> memref<128x128xf32, #tpu.memory_space<hbm>>
      %dma_start3A_150 = arith.constant 0 : i32
      %dma_start3A_151 = arith.constant 0 : i32
      %dma_start3A_152 = tpu.memref_slice %arg3[%arg0, %dma_start3A_150, %dma_start3A_151] : memref<2x10240x128xf32, #tpu.memory_space<hbm>> -> memref<1x10240x128xf32, #tpu.memory_space<hbm>>
      %dma_start3A_153 = tpu.memref_squeeze %dma_start3A_152 : memref<1x10240x128xf32, #tpu.memory_space<hbm>> -> memref<10240x128xf32, #tpu.memory_space<hbm>>
      %dma_start3A_154 = arith.constant 0 : i32
      %dma_start3A_155 = tpu.memref_slice %dma_start3A_153[%add3A_123, %dma_start3A_154] : memref<10240x128xf32, #tpu.memory_space<hbm>> -> memref<128x128xf32, #tpu.memory_space<hbm>>
      tpu.enqueue_dma source(%arg5 : memref<128x128xf32, #tpu.memory_space<vmem>>) target(%dma_start3A_155 : memref<128x128xf32, #tpu.memory_space<hbm>>) target_semaphore(%run_scoped3A : memref<!tpu.dma_semaphore, #tpu.memory_space<semaphore_mem>>)
      %dma_wait3A_156 = arith.constant 0 : i32
      %dma_wait3A_157 = arith.constant 0 : i32
      %dma_wait3A_158 = tpu.memref_slice %arg3[%arg0, %dma_wait3A_156, %dma_wait3A_157] : memref<2x10240x128xf32, #tpu.memory_space<hbm>> -> memref<1x10240x128xf32, #tpu.memory_space<hbm>>
      %dma_wait3A_159 = tpu.memref_squeeze %dma_wait3A_158 : memref<1x10240x128xf32, #tpu.memory_space<hbm>> -> memref<10240x128xf32, #tpu.memory_space<hbm>>
      %dma_wait3A_160 = arith.constant 0 : i32
      %dma_wait3A_161 = tpu.memref_slice %dma_wait3A_159[%add3A_123, %dma_wait3A_160] : memref<10240x128xf32, #tpu.memory_space<hbm>> -> memref<128x128xf32, #tpu.memory_space<hbm>>
      %dma_wait3A_162 = arith.constant 0 : i32
      %dma_wait3A_163 = arith.constant 0 : i32
      %dma_wait3A_164 = tpu.memref_slice %arg3[%arg0, %dma_wait3A_162, %dma_wait3A_163] : memref<2x10240x128xf32, #tpu.memory_space<hbm>> -> memref<1x10240x128xf32, #tpu.memory_space<hbm>>
      %dma_wait3A_165 = tpu.memref_squeeze %dma_wait3A_164 : memref<1x10240x128xf32, #tpu.memory_space<hbm>> -> memref<10240x128xf32, #tpu.memory_space<hbm>>
      %dma_wait3A_166 = arith.constant 0 : i32
      %dma_wait3A_167 = tpu.memref_slice %dma_wait3A_165[%add3A_123, %dma_wait3A_166] : memref<10240x128xf32, #tpu.memory_space<hbm>> -> memref<128x128xf32, #tpu.memory_space<hbm>>
      tpu.wait_dma2 semaphore(%run_scoped3A : memref<!tpu.dma_semaphore, #tpu.memory_space<semaphore_mem>>) src(%arg5 : memref<128x128xf32, #tpu.memory_space<vmem>>) dst(%dma_wait3A_167 : memref<128x128xf32, #tpu.memory_space<hbm>>)
      tpu.yield
    }) : () -> ()
    %mul3A_132 = arith.constant 640 : i32
    %mul3A_133 = arith.muli %arg1, %mul3A_132 : i32
    %add3A_134 = arith.constant 512 : i32
    %add3A_135 = arith.addi %mul3A_133, %add3A_134 : i32
    %dma_start3A_136 = arith.constant 0 : i32
    %dma_start3A_137 = tpu.memref_slice %arg6[%add3A_135, %dma_start3A_136] : memref<10240x128xf32, #tpu.memory_space<vmem_shared>> -> memref<128x128xf32, #tpu.memory_space<vmem_shared>>
    %dma_start3A_138 = arith.constant 0 : i32
    %dma_start3A_139 = tpu.memref_slice %arg6[%add3A_135, %dma_start3A_138] : memref<10240x128xf32, #tpu.memory_space<vmem_shared>> -> memref<128x128xf32, #tpu.memory_space<vmem_shared>>
    tpu.enqueue_dma source(%dma_start3A_139 : memref<128x128xf32, #tpu.memory_space<vmem_shared>>) target(%arg5 : memref<128x128xf32, #tpu.memory_space<vmem>>) target_semaphore(%arg7 : memref<!tpu.dma_semaphore, #tpu.memory_space<semaphore_mem>>)
    %dma_wait3A_140 = arith.constant 0 : i32
    %dma_wait3A_141 = tpu.memref_slice %arg6[%add3A_135, %dma_wait3A_140] : memref<10240x128xf32, #tpu.memory_space<vmem_shared>> -> memref<128x128xf32, #tpu.memory_space<vmem_shared>>
    %dma_wait3A_142 = arith.constant 0 : i32
    %dma_wait3A_143 = tpu.memref_slice %arg6[%add3A_135, %dma_wait3A_142] : memref<10240x128xf32, #tpu.memory_space<vmem_shared>> -> memref<128x128xf32, #tpu.memory_space<vmem_shared>>
    tpu.wait_dma2 semaphore(%arg7 : memref<!tpu.dma_semaphore, #tpu.memory_space<semaphore_mem>>) src(%dma_wait3A_143 : memref<128x128xf32, #tpu.memory_space<vmem_shared>>) dst(%arg5 : memref<128x128xf32, #tpu.memory_space<vmem>>)
    "tpu.region"() ({
      %run_scoped3A = tpu.sem_alloc : memref<!tpu.dma_semaphore, #tpu.memory_space<semaphore_mem>>
      %dma_start3A_144 = arith.constant 0 : i32
      %dma_start3A_145 = arith.constant 0 : i32
      %dma_start3A_146 = tpu.memref_slice %arg3[%arg0, %dma_start3A_144, %dma_start3A_145] : memref<2x10240x128xf32, #tpu.memory_space<hbm>> -> memref<1x10240x128xf32, #tpu.memory_space<hbm>>
      %dma_start3A_147 = tpu.memref_squeeze %dma_start3A_146 : memref<1x10240x128xf32, #tpu.memory_space<hbm>> -> memref<10240x128xf32, #tpu.memory_space<hbm>>
      %dma_start3A_148 = arith.constant 0 : i32
      %dma_start3A_149 = tpu.memref_slice %dma_start3A_147[%add3A_135, %dma_start3A_148] : memref<10240x128xf32, #tpu.memory_space<hbm>> -> memref<128x128xf32, #tpu.memory_space<hbm>>
      %dma_start3A_150 = arith.constant 0 : i32
      %dma_start3A_151 = arith.constant 0 : i32
      %dma_start3A_152 = tpu.memref_slice %arg3[%arg0, %dma_start3A_150, %dma_start3A_151] : memref<2x10240x128xf32, #tpu.memory_space<hbm>> -> memref<1x10240x128xf32, #tpu.memory_space<hbm>>
      %dma_start3A_153 = tpu.memref_squeeze %dma_start3A_152 : memref<1x10240x128xf32, #tpu.memory_space<hbm>> -> memref<10240x128xf32, #tpu.memory_space<hbm>>
      %dma_start3A_154 = arith.constant 0 : i32
      %dma_start3A_155 = tpu.memref_slice %dma_start3A_153[%add3A_135, %dma_start3A_154] : memref<10240x128xf32, #tpu.memory_space<hbm>> -> memref<128x128xf32, #tpu.memory_space<hbm>>
      tpu.enqueue_dma source(%arg5 : memref<128x128xf32, #tpu.memory_space<vmem>>) target(%dma_start3A_155 : memref<128x128xf32, #tpu.memory_space<hbm>>) target_semaphore(%run_scoped3A : memref<!tpu.dma_semaphore, #tpu.memory_space<semaphore_mem>>)
      %dma_wait3A_156 = arith.constant 0 : i32
      %dma_wait3A_157 = arith.constant 0 : i32
      %dma_wait3A_158 = tpu.memref_slice %arg3[%arg0, %dma_wait3A_156, %dma_wait3A_157] : memref<2x10240x128xf32, #tpu.memory_space<hbm>> -> memref<1x10240x128xf32, #tpu.memory_space<hbm>>
      %dma_wait3A_159 = tpu.memref_squeeze %dma_wait3A_158 : memref<1x10240x128xf32, #tpu.memory_space<hbm>> -> memref<10240x128xf32, #tpu.memory_space<hbm>>
      %dma_wait3A_160 = arith.constant 0 : i32
      %dma_wait3A_161 = tpu.memref_slice %dma_wait3A_159[%add3A_135, %dma_wait3A_160] : memref<10240x128xf32, #tpu.memory_space<hbm>> -> memref<128x128xf32, #tpu.memory_space<hbm>>
      %dma_wait3A_162 = arith.constant 0 : i32
      %dma_wait3A_163 = arith.constant 0 : i32
      %dma_wait3A_164 = tpu.memref_slice %arg3[%arg0, %dma_wait3A_162, %dma_wait3A_163] : memref<2x10240x128xf32, #tpu.memory_space<hbm>> -> memref<1x10240x128xf32, #tpu.memory_space<hbm>>
      %dma_wait3A_165 = tpu.memref_squeeze %dma_wait3A_164 : memref<1x10240x128xf32, #tpu.memory_space<hbm>> -> memref<10240x128xf32, #tpu.memory_space<hbm>>
      %dma_wait3A_166 = arith.constant 0 : i32
      %dma_wait3A_167 = tpu.memref_slice %dma_wait3A_165[%add3A_135, %dma_wait3A_166] : memref<10240x128xf32, #tpu.memory_space<hbm>> -> memref<128x128xf32, #tpu.memory_space<hbm>>
      tpu.wait_dma2 semaphore(%run_scoped3A : memref<!tpu.dma_semaphore, #tpu.memory_space<semaphore_mem>>) src(%arg5 : memref<128x128xf32, #tpu.memory_space<vmem>>) dst(%dma_wait3A_167 : memref<128x128xf32, #tpu.memory_space<hbm>>)
      tpu.yield
    }) : () -> ()
    return
  }
}

#map = affine_map<(d0, d1) -> (0, 0)>
#map1 = affine_map<(d0, d1) -> (0)>
#map2 = affine_map<(d0, d1) -> (0, 0, 0)>
module attributes {stable_mosaic.version = 14 : i64} {
  func.func @k(%arg0: i32, %arg1: i32, %arg2: memref<10000x128xf32, #tpu.memory_space<hbm>>, %arg3: memref<320000xi32, #tpu.memory_space<hbm>>, %arg4: memref<320000xi32, #tpu.memory_space<hbm>>, %arg5: memref<2x10240x128xf32, #tpu.memory_space<hbm>>, %arg6: memref<128xi32, #tpu.memory_space<vmem>>, %arg7: memref<128xi32, #tpu.memory_space<vmem>>, %arg8: memref<128x128xf32, #tpu.memory_space<vmem>>, %arg9: memref<128x16xf32, #tpu.memory_space<vmem>>, %arg10: memref<10240x128xf32, #tpu.memory_space<vmem_shared>>, %arg11: memref<!tpu.dma_semaphore, #tpu.memory_space<semaphore_mem>>) attributes {dimension_semantics = [#tpu.dimension_semantics<core_parallel>, #tpu.dimension_semantics<subcore_parallel>], iteration_bounds = array<i64: 2, 16>, scalar_prefetch = 0 : i64, scratch_operands = 6 : i64, tpu.core_type = #tpu.core_type<sc_vector_subcore>, window_params = [{transform_indices = #map}, {transform_indices = #map1}, {transform_indices = #map1}, {transform_indices = #map2}]} {
    %mul3A = arith.constant 2 : i32
    %mul3A_0 = arith.muli %arg1, %mul3A : i32
    %add3A = arith.addi %mul3A_0, %arg0 : i32
    %scan3A = arith.constant 0 : i32
    %scan3A_1 = arith.constant 0 : i32
    %scan3A_2 = arith.constant 128 : i32
    %scan3A_3 = arith.addi %scan3A_1, %scan3A_2 : i32
    %scan3A_4 = arith.constant 1 : i32
    scf.for %scan3A_144 = %scan3A_1 to %scan3A_3 step %scan3A_4  : i32 {
      %broadcast_in_dim3A = arith.constant 0.000000e+00 : f32
      %broadcast_in_dim3A_145 = vector.broadcast %broadcast_in_dim3A : f32 to vector<16xf32>
      %swap3A = arith.index_cast %scan3A_144 : i32 to index
      %swap3A_146 = arith.constant 0 : index
      %swap3A_147 = tpu.vector_load %arg8[%swap3A, %swap3A_146] {strides = array<i32>} : memref<128x128xf32, #tpu.memory_space<vmem>>, vector<1x16xf32>,
      %swap3A_148 = vector.shape_cast %swap3A_147 : vector<1x16xf32> to vector<16xf32>
      %swap3A_149 = vector.shape_cast %broadcast_in_dim3A_145 : vector<16xf32> to vector<1x16xf32>
      tpu.vector_store %arg8[%swap3A, %swap3A_146], %swap3A_149 {strides = array<i32>} : memref<128x128xf32, #tpu.memory_space<vmem>>, vector<1x16xf32>,
      %broadcast_in_dim3A_150 = arith.constant 0.000000e+00 : f32
      %broadcast_in_dim3A_151 = vector.broadcast %broadcast_in_dim3A_150 : f32 to vector<16xf32>
      %swap3A_152 = arith.index_cast %scan3A_144 : i32 to index
      %swap3A_153 = arith.constant 16 : index
      %swap3A_154 = tpu.vector_load %arg8[%swap3A_152, %swap3A_153] {strides = array<i32>} : memref<128x128xf32, #tpu.memory_space<vmem>>, vector<1x16xf32>,
      %swap3A_155 = vector.shape_cast %swap3A_154 : vector<1x16xf32> to vector<16xf32>
      %swap3A_156 = vector.shape_cast %broadcast_in_dim3A_151 : vector<16xf32> to vector<1x16xf32>
      tpu.vector_store %arg8[%swap3A_152, %swap3A_153], %swap3A_156 {strides = array<i32>} : memref<128x128xf32, #tpu.memory_space<vmem>>, vector<1x16xf32>,
      %broadcast_in_dim3A_157 = arith.constant 0.000000e+00 : f32
      %broadcast_in_dim3A_158 = vector.broadcast %broadcast_in_dim3A_157 : f32 to vector<16xf32>
      %swap3A_159 = arith.index_cast %scan3A_144 : i32 to index
      %swap3A_160 = arith.constant 32 : index
      %swap3A_161 = tpu.vector_load %arg8[%swap3A_159, %swap3A_160] {strides = array<i32>} : memref<128x128xf32, #tpu.memory_space<vmem>>, vector<1x16xf32>,
      %swap3A_162 = vector.shape_cast %swap3A_161 : vector<1x16xf32> to vector<16xf32>
      %swap3A_163 = vector.shape_cast %broadcast_in_dim3A_158 : vector<16xf32> to vector<1x16xf32>
      tpu.vector_store %arg8[%swap3A_159, %swap3A_160], %swap3A_163 {strides = array<i32>} : memref<128x128xf32, #tpu.memory_space<vmem>>, vector<1x16xf32>,
      %broadcast_in_dim3A_164 = arith.constant 0.000000e+00 : f32
      %broadcast_in_dim3A_165 = vector.broadcast %broadcast_in_dim3A_164 : f32 to vector<16xf32>
      %swap3A_166 = arith.index_cast %scan3A_144 : i32 to index
      %swap3A_167 = arith.constant 48 : index
      %swap3A_168 = tpu.vector_load %arg8[%swap3A_166, %swap3A_167] {strides = array<i32>} : memref<128x128xf32, #tpu.memory_space<vmem>>, vector<1x16xf32>,
      %swap3A_169 = vector.shape_cast %swap3A_168 : vector<1x16xf32> to vector<16xf32>
      %swap3A_170 = vector.shape_cast %broadcast_in_dim3A_165 : vector<16xf32> to vector<1x16xf32>
      tpu.vector_store %arg8[%swap3A_166, %swap3A_167], %swap3A_170 {strides = array<i32>} : memref<128x128xf32, #tpu.memory_space<vmem>>, vector<1x16xf32>,
      %broadcast_in_dim3A_171 = arith.constant 0.000000e+00 : f32
      %broadcast_in_dim3A_172 = vector.broadcast %broadcast_in_dim3A_171 : f32 to vector<16xf32>
      %swap3A_173 = arith.index_cast %scan3A_144 : i32 to index
      %swap3A_174 = arith.constant 64 : index
      %swap3A_175 = tpu.vector_load %arg8[%swap3A_173, %swap3A_174] {strides = array<i32>} : memref<128x128xf32, #tpu.memory_space<vmem>>, vector<1x16xf32>,
      %swap3A_176 = vector.shape_cast %swap3A_175 : vector<1x16xf32> to vector<16xf32>
      %swap3A_177 = vector.shape_cast %broadcast_in_dim3A_172 : vector<16xf32> to vector<1x16xf32>
      tpu.vector_store %arg8[%swap3A_173, %swap3A_174], %swap3A_177 {strides = array<i32>} : memref<128x128xf32, #tpu.memory_space<vmem>>, vector<1x16xf32>,
      %broadcast_in_dim3A_178 = arith.constant 0.000000e+00 : f32
      %broadcast_in_dim3A_179 = vector.broadcast %broadcast_in_dim3A_178 : f32 to vector<16xf32>
      %swap3A_180 = arith.index_cast %scan3A_144 : i32 to index
      %swap3A_181 = arith.constant 80 : index
      %swap3A_182 = tpu.vector_load %arg8[%swap3A_180, %swap3A_181] {strides = array<i32>} : memref<128x128xf32, #tpu.memory_space<vmem>>, vector<1x16xf32>,
      %swap3A_183 = vector.shape_cast %swap3A_182 : vector<1x16xf32> to vector<16xf32>
      %swap3A_184 = vector.shape_cast %broadcast_in_dim3A_179 : vector<16xf32> to vector<1x16xf32>
      tpu.vector_store %arg8[%swap3A_180, %swap3A_181], %swap3A_184 {strides = array<i32>} : memref<128x128xf32, #tpu.memory_space<vmem>>, vector<1x16xf32>,
      %broadcast_in_dim3A_185 = arith.constant 0.000000e+00 : f32
      %broadcast_in_dim3A_186 = vector.broadcast %broadcast_in_dim3A_185 : f32 to vector<16xf32>
      %swap3A_187 = arith.index_cast %scan3A_144 : i32 to index
      %swap3A_188 = arith.constant 96 : index
      %swap3A_189 = tpu.vector_load %arg8[%swap3A_187, %swap3A_188] {strides = array<i32>} : memref<128x128xf32, #tpu.memory_space<vmem>>, vector<1x16xf32>,
      %swap3A_190 = vector.shape_cast %swap3A_189 : vector<1x16xf32> to vector<16xf32>
      %swap3A_191 = vector.shape_cast %broadcast_in_dim3A_186 : vector<16xf32> to vector<1x16xf32>
      tpu.vector_store %arg8[%swap3A_187, %swap3A_188], %swap3A_191 {strides = array<i32>} : memref<128x128xf32, #tpu.memory_space<vmem>>, vector<1x16xf32>,
      %broadcast_in_dim3A_192 = arith.constant 0.000000e+00 : f32
      %broadcast_in_dim3A_193 = vector.broadcast %broadcast_in_dim3A_192 : f32 to vector<16xf32>
      %swap3A_194 = arith.index_cast %scan3A_144 : i32 to index
      %swap3A_195 = arith.constant 112 : index
      %swap3A_196 = tpu.vector_load %arg8[%swap3A_194, %swap3A_195] {strides = array<i32>} : memref<128x128xf32, #tpu.memory_space<vmem>>, vector<1x16xf32>,
      %swap3A_197 = vector.shape_cast %swap3A_196 : vector<1x16xf32> to vector<16xf32>
      %swap3A_198 = vector.shape_cast %broadcast_in_dim3A_193 : vector<16xf32> to vector<1x16xf32>
      tpu.vector_store %arg8[%swap3A_194, %swap3A_195], %swap3A_198 {strides = array<i32>} : memref<128x128xf32, #tpu.memory_space<vmem>>, vector<1x16xf32>,
    }
    %scan3A_5 = arith.constant 128 : i32
    %scan3A_6 = arith.constant 0 : i32
    %scan3A_7 = arith.constant 0 : i32
    %scan3A_8 = arith.constant 128 : i32
    %scan3A_9 = arith.addi %scan3A_7, %scan3A_8 : i32
    %scan3A_10 = arith.constant 1 : i32
    scf.for %scan3A_144 = %scan3A_7 to %scan3A_9 step %scan3A_10  : i32 {
      %broadcast_in_dim3A = arith.constant 0.000000e+00 : f32
      %broadcast_in_dim3A_145 = vector.broadcast %broadcast_in_dim3A : f32 to vector<16xf32>
      %swap3A = arith.index_cast %scan3A_144 : i32 to index
      %swap3A_146 = arith.constant 0 : index
      %swap3A_147 = tpu.vector_load %arg9[%swap3A, %swap3A_146] {strides = array<i32>} : memref<128x16xf32, #tpu.memory_space<vmem>>, vector<1x16xf32>,
      %swap3A_148 = vector.shape_cast %swap3A_147 : vector<1x16xf32> to vector<16xf32>
      %swap3A_149 = vector.shape_cast %broadcast_in_dim3A_145 : vector<16xf32> to vector<1x16xf32>
      tpu.vector_store %arg9[%swap3A, %swap3A_146], %swap3A_149 {strides = array<i32>} : memref<128x16xf32, #tpu.memory_space<vmem>>, vector<1x16xf32>,
    }
    %scan3A_11 = arith.constant 128 : i32
    %mul3A_12 = arith.constant 640 : i32
    %mul3A_13 = arith.muli %arg1, %mul3A_12 : i32
    %add3A_14 = arith.constant 0 : i32
    %add3A_15 = arith.addi %mul3A_13, %add3A_14 : i32
    %dma_start3A = arith.constant 0 : i32
    %dma_start3A_16 = tpu.memref_slice %arg10[%add3A_15, %dma_start3A] : memref<10240x128xf32, #tpu.memory_space<vmem_shared>> -> memref<128x128xf32, #tpu.memory_space<vmem_shared>>
    %dma_start3A_17 = arith.constant 0 : i32
    %dma_start3A_18 = tpu.memref_slice %arg10[%add3A_15, %dma_start3A_17] : memref<10240x128xf32, #tpu.memory_space<vmem_shared>> -> memref<128x128xf32, #tpu.memory_space<vmem_shared>>
    tpu.enqueue_dma source(%arg8 : memref<128x128xf32, #tpu.memory_space<vmem>>) target(%dma_start3A_18 : memref<128x128xf32, #tpu.memory_space<vmem_shared>>) target_semaphore(%arg11 : memref<!tpu.dma_semaphore, #tpu.memory_space<semaphore_mem>>)
    %dma_wait3A = arith.constant 0 : i32
    %dma_wait3A_19 = tpu.memref_slice %arg10[%add3A_15, %dma_wait3A] : memref<10240x128xf32, #tpu.memory_space<vmem_shared>> -> memref<128x128xf32, #tpu.memory_space<vmem_shared>>
    %dma_wait3A_20 = arith.constant 0 : i32
    %dma_wait3A_21 = tpu.memref_slice %arg10[%add3A_15, %dma_wait3A_20] : memref<10240x128xf32, #tpu.memory_space<vmem_shared>> -> memref<128x128xf32, #tpu.memory_space<vmem_shared>>
    tpu.wait_dma2 semaphore(%arg11 : memref<!tpu.dma_semaphore, #tpu.memory_space<semaphore_mem>>) src(%arg8 : memref<128x128xf32, #tpu.memory_space<vmem>>) dst(%dma_wait3A_21 : memref<128x128xf32, #tpu.memory_space<vmem_shared>>)
    %mul3A_22 = arith.constant 640 : i32
    %mul3A_23 = arith.muli %arg1, %mul3A_22 : i32
    %add3A_24 = arith.constant 128 : i32
    %add3A_25 = arith.addi %mul3A_23, %add3A_24 : i32
    %dma_start3A_26 = arith.constant 0 : i32
    %dma_start3A_27 = tpu.memref_slice %arg10[%add3A_25, %dma_start3A_26] : memref<10240x128xf32, #tpu.memory_space<vmem_shared>> -> memref<128x128xf32, #tpu.memory_space<vmem_shared>>
    %dma_start3A_28 = arith.constant 0 : i32
    %dma_start3A_29 = tpu.memref_slice %arg10[%add3A_25, %dma_start3A_28] : memref<10240x128xf32, #tpu.memory_space<vmem_shared>> -> memref<128x128xf32, #tpu.memory_space<vmem_shared>>
    tpu.enqueue_dma source(%arg8 : memref<128x128xf32, #tpu.memory_space<vmem>>) target(%dma_start3A_29 : memref<128x128xf32, #tpu.memory_space<vmem_shared>>) target_semaphore(%arg11 : memref<!tpu.dma_semaphore, #tpu.memory_space<semaphore_mem>>)
    %dma_wait3A_30 = arith.constant 0 : i32
    %dma_wait3A_31 = tpu.memref_slice %arg10[%add3A_25, %dma_wait3A_30] : memref<10240x128xf32, #tpu.memory_space<vmem_shared>> -> memref<128x128xf32, #tpu.memory_space<vmem_shared>>
    %dma_wait3A_32 = arith.constant 0 : i32
    %dma_wait3A_33 = tpu.memref_slice %arg10[%add3A_25, %dma_wait3A_32] : memref<10240x128xf32, #tpu.memory_space<vmem_shared>> -> memref<128x128xf32, #tpu.memory_space<vmem_shared>>
    tpu.wait_dma2 semaphore(%arg11 : memref<!tpu.dma_semaphore, #tpu.memory_space<semaphore_mem>>) src(%arg8 : memref<128x128xf32, #tpu.memory_space<vmem>>) dst(%dma_wait3A_33 : memref<128x128xf32, #tpu.memory_space<vmem_shared>>)
    %mul3A_34 = arith.constant 640 : i32
    %mul3A_35 = arith.muli %arg1, %mul3A_34 : i32
    %add3A_36 = arith.constant 256 : i32
    %add3A_37 = arith.addi %mul3A_35, %add3A_36 : i32
    %dma_start3A_38 = arith.constant 0 : i32
    %dma_start3A_39 = tpu.memref_slice %arg10[%add3A_37, %dma_start3A_38] : memref<10240x128xf32, #tpu.memory_space<vmem_shared>> -> memref<128x128xf32, #tpu.memory_space<vmem_shared>>
    %dma_start3A_40 = arith.constant 0 : i32
    %dma_start3A_41 = tpu.memref_slice %arg10[%add3A_37, %dma_start3A_40] : memref<10240x128xf32, #tpu.memory_space<vmem_shared>> -> memref<128x128xf32, #tpu.memory_space<vmem_shared>>
    tpu.enqueue_dma source(%arg8 : memref<128x128xf32, #tpu.memory_space<vmem>>) target(%dma_start3A_41 : memref<128x128xf32, #tpu.memory_space<vmem_shared>>) target_semaphore(%arg11 : memref<!tpu.dma_semaphore, #tpu.memory_space<semaphore_mem>>)
    %dma_wait3A_42 = arith.constant 0 : i32
    %dma_wait3A_43 = tpu.memref_slice %arg10[%add3A_37, %dma_wait3A_42] : memref<10240x128xf32, #tpu.memory_space<vmem_shared>> -> memref<128x128xf32, #tpu.memory_space<vmem_shared>>
    %dma_wait3A_44 = arith.constant 0 : i32
    %dma_wait3A_45 = tpu.memref_slice %arg10[%add3A_37, %dma_wait3A_44] : memref<10240x128xf32, #tpu.memory_space<vmem_shared>> -> memref<128x128xf32, #tpu.memory_space<vmem_shared>>
    tpu.wait_dma2 semaphore(%arg11 : memref<!tpu.dma_semaphore, #tpu.memory_space<semaphore_mem>>) src(%arg8 : memref<128x128xf32, #tpu.memory_space<vmem>>) dst(%dma_wait3A_45 : memref<128x128xf32, #tpu.memory_space<vmem_shared>>)
    %mul3A_46 = arith.constant 640 : i32
    %mul3A_47 = arith.muli %arg1, %mul3A_46 : i32
    %add3A_48 = arith.constant 384 : i32
    %add3A_49 = arith.addi %mul3A_47, %add3A_48 : i32
    %dma_start3A_50 = arith.constant 0 : i32
    %dma_start3A_51 = tpu.memref_slice %arg10[%add3A_49, %dma_start3A_50] : memref<10240x128xf32, #tpu.memory_space<vmem_shared>> -> memref<128x128xf32, #tpu.memory_space<vmem_shared>>
    %dma_start3A_52 = arith.constant 0 : i32
    %dma_start3A_53 = tpu.memref_slice %arg10[%add3A_49, %dma_start3A_52] : memref<10240x128xf32, #tpu.memory_space<vmem_shared>> -> memref<128x128xf32, #tpu.memory_space<vmem_shared>>
    tpu.enqueue_dma source(%arg8 : memref<128x128xf32, #tpu.memory_space<vmem>>) target(%dma_start3A_53 : memref<128x128xf32, #tpu.memory_space<vmem_shared>>) target_semaphore(%arg11 : memref<!tpu.dma_semaphore, #tpu.memory_space<semaphore_mem>>)
    %dma_wait3A_54 = arith.constant 0 : i32
    %dma_wait3A_55 = tpu.memref_slice %arg10[%add3A_49, %dma_wait3A_54] : memref<10240x128xf32, #tpu.memory_space<vmem_shared>> -> memref<128x128xf32, #tpu.memory_space<vmem_shared>>
    %dma_wait3A_56 = arith.constant 0 : i32
    %dma_wait3A_57 = tpu.memref_slice %arg10[%add3A_49, %dma_wait3A_56] : memref<10240x128xf32, #tpu.memory_space<vmem_shared>> -> memref<128x128xf32, #tpu.memory_space<vmem_shared>>
    tpu.wait_dma2 semaphore(%arg11 : memref<!tpu.dma_semaphore, #tpu.memory_space<semaphore_mem>>) src(%arg8 : memref<128x128xf32, #tpu.memory_space<vmem>>) dst(%dma_wait3A_57 : memref<128x128xf32, #tpu.memory_space<vmem_shared>>)
    %mul3A_58 = arith.constant 640 : i32
    %mul3A_59 = arith.muli %arg1, %mul3A_58 : i32
    %add3A_60 = arith.constant 512 : i32
    %add3A_61 = arith.addi %mul3A_59, %add3A_60 : i32
    %dma_start3A_62 = arith.constant 0 : i32
    %dma_start3A_63 = tpu.memref_slice %arg10[%add3A_61, %dma_start3A_62] : memref<10240x128xf32, #tpu.memory_space<vmem_shared>> -> memref<128x128xf32, #tpu.memory_space<vmem_shared>>
    %dma_start3A_64 = arith.constant 0 : i32
    %dma_start3A_65 = tpu.memref_slice %arg10[%add3A_61, %dma_start3A_64] : memref<10240x128xf32, #tpu.memory_space<vmem_shared>> -> memref<128x128xf32, #tpu.memory_space<vmem_shared>>
    tpu.enqueue_dma source(%arg8 : memref<128x128xf32, #tpu.memory_space<vmem>>) target(%dma_start3A_65 : memref<128x128xf32, #tpu.memory_space<vmem_shared>>) target_semaphore(%arg11 : memref<!tpu.dma_semaphore, #tpu.memory_space<semaphore_mem>>)
    %dma_wait3A_66 = arith.constant 0 : i32
    %dma_wait3A_67 = tpu.memref_slice %arg10[%add3A_61, %dma_wait3A_66] : memref<10240x128xf32, #tpu.memory_space<vmem_shared>> -> memref<128x128xf32, #tpu.memory_space<vmem_shared>>
    %dma_wait3A_68 = arith.constant 0 : i32
    %dma_wait3A_69 = tpu.memref_slice %arg10[%add3A_61, %dma_wait3A_68] : memref<10240x128xf32, #tpu.memory_space<vmem_shared>> -> memref<128x128xf32, #tpu.memory_space<vmem_shared>>
    tpu.wait_dma2 semaphore(%arg11 : memref<!tpu.dma_semaphore, #tpu.memory_space<semaphore_mem>>) src(%arg8 : memref<128x128xf32, #tpu.memory_space<vmem>>) dst(%dma_wait3A_69 : memref<128x128xf32, #tpu.memory_space<vmem_shared>>)
    %barrier3A = arith.constant 0 : index
    tpu.barrier barrier_id(%barrier3A)
    %lt3A = arith.constant 4 : i32
    %lt3A_70 = arith.cmpi slt, %add3A, %lt3A : i32
    %jit3A = arith.constant 1 : i32
    %jit3A_71 = arith.constant 0 : i32
    %select_n3A = arith.select %lt3A_70, %jit3A, %jit3A_71 : i32
    %add3A_72 = arith.constant 78 : i32
    %add3A_73 = arith.addi %add3A_72, %select_n3A : i32
    %while3A = arith.constant 0 : i32
    %while3A_74 = arith.constant 0 : i32
    %while3A_75 = arith.subi %add3A_73, %while3A_74 : i32
    %while3A_76 = arith.addi %while3A_74, %while3A_75 : i32
    %while3A_77 = arith.constant 1 : i32
    %while3A_78 = arith.divsi %while3A_75, %while3A_77 : i32
    %while3A_79 = arith.muli %while3A_78, %while3A_77 : i32
    %while3A_80 = arith.addi %while3A_74, %while3A_79 : i32
    %while3A_81 = arith.constant 1 : i32
    scf.for %while3A_144 = %while3A_74 to %while3A_80 step %while3A_81  : i32 {
      %mul3A_145 = arith.constant 32 : i32
      %mul3A_146 = arith.muli %mul3A_145, %while3A_144 : i32
      %add3A_147 = arith.addi %add3A, %mul3A_146 : i32
      %mul3A_148 = arith.constant 128 : i32
      %mul3A_149 = arith.muli %add3A_147, %mul3A_148 : i32
      "tpu.region"() ({
        %run_scoped3A = tpu.sem_alloc : memref<!tpu.dma_semaphore, #tpu.memory_space<semaphore_mem>>
        %dma_start3A_162 = tpu.memref_slice %arg3[%mul3A_149] : memref<320000xi32, #tpu.memory_space<hbm>> -> memref<128xi32, #tpu.memory_space<hbm>>
        %dma_start3A_163 = tpu.memref_slice %arg3[%mul3A_149] : memref<320000xi32, #tpu.memory_space<hbm>> -> memref<128xi32, #tpu.memory_space<hbm>>
        tpu.enqueue_dma source(%dma_start3A_163 : memref<128xi32, #tpu.memory_space<hbm>>) target(%arg6 : memref<128xi32, #tpu.memory_space<vmem>>) target_semaphore(%run_scoped3A : memref<!tpu.dma_semaphore, #tpu.memory_space<semaphore_mem>>)
        %dma_wait3A_164 = tpu.memref_slice %arg3[%mul3A_149] : memref<320000xi32, #tpu.memory_space<hbm>> -> memref<128xi32, #tpu.memory_space<hbm>>
        %dma_wait3A_165 = tpu.memref_slice %arg3[%mul3A_149] : memref<320000xi32, #tpu.memory_space<hbm>> -> memref<128xi32, #tpu.memory_space<hbm>>
        tpu.wait_dma2 semaphore(%run_scoped3A : memref<!tpu.dma_semaphore, #tpu.memory_space<semaphore_mem>>) src(%dma_wait3A_165 : memref<128xi32, #tpu.memory_space<hbm>>) dst(%arg6 : memref<128xi32, #tpu.memory_space<vmem>>)
        tpu.yield
      }) : () -> ()
      "tpu.region"() ({
        %run_scoped3A = tpu.sem_alloc : memref<!tpu.dma_semaphore, #tpu.memory_space<semaphore_mem>>
        %dma_start3A_162 = tpu.memref_slice %arg4[%mul3A_149] : memref<320000xi32, #tpu.memory_space<hbm>> -> memref<128xi32, #tpu.memory_space<hbm>>
        %dma_start3A_163 = tpu.memref_slice %arg4[%mul3A_149] : memref<320000xi32, #tpu.memory_space<hbm>> -> memref<128xi32, #tpu.memory_space<hbm>>
        tpu.enqueue_dma source(%dma_start3A_163 : memref<128xi32, #tpu.memory_space<hbm>>) target(%arg7 : memref<128xi32, #tpu.memory_space<vmem>>) target_semaphore(%run_scoped3A : memref<!tpu.dma_semaphore, #tpu.memory_space<semaphore_mem>>)
        %dma_wait3A_164 = tpu.memref_slice %arg4[%mul3A_149] : memref<320000xi32, #tpu.memory_space<hbm>> -> memref<128xi32, #tpu.memory_space<hbm>>
        %dma_wait3A_165 = tpu.memref_slice %arg4[%mul3A_149] : memref<320000xi32, #tpu.memory_space<hbm>> -> memref<128xi32, #tpu.memory_space<hbm>>
        tpu.wait_dma2 semaphore(%run_scoped3A : memref<!tpu.dma_semaphore, #tpu.memory_space<semaphore_mem>>) src(%dma_wait3A_165 : memref<128xi32, #tpu.memory_space<hbm>>) dst(%arg7 : memref<128xi32, #tpu.memory_space<vmem>>)
        tpu.yield
      }) : () -> ()
      %dma_start3A_150 = arith.constant 0 : i32
      %dma_start3A_151 = arith.constant 0 : i32
      %dma_start3A_152 = tpu.memref_slice %arg2[%dma_start3A_150, %dma_start3A_151] : memref<10000x128xf32, #tpu.memory_space<hbm>> -> memref<10000x128xf32, #tpu.memory_space<hbm>>
      tpu.enqueue_indirect_dma source(%dma_start3A_152 : memref<10000x128xf32, #tpu.memory_space<hbm>>) target(%arg8 : memref<128x128xf32, #tpu.memory_space<vmem>>) offsets(%arg6 : memref<128xi32, #tpu.memory_space<vmem>>) semaphore(%arg11 : memref<!tpu.dma_semaphore, #tpu.memory_space<semaphore_mem>>)
      %dma_wait3A_153 = arith.constant 0 : i32
      %dma_wait3A_154 = arith.constant 0 : i32
      %dma_wait3A_155 = tpu.memref_slice %arg2[%dma_wait3A_153, %dma_wait3A_154] : memref<10000x128xf32, #tpu.memory_space<hbm>> -> memref<10000x128xf32, #tpu.memory_space<hbm>>
      tpu.wait_indirect_dma semaphore(%arg11 : memref<!tpu.dma_semaphore, #tpu.memory_space<semaphore_mem>>) src(%dma_wait3A_155 : memref<10000x128xf32, #tpu.memory_space<hbm>>) dst(%arg8 : memref<128x128xf32, #tpu.memory_space<vmem>>)
      %dma_start3A_156 = arith.constant 0 : i32
      %dma_start3A_157 = arith.constant 0 : i32
      %dma_start3A_158 = tpu.memref_slice %arg10[%dma_start3A_156, %dma_start3A_157] : memref<10240x128xf32, #tpu.memory_space<vmem_shared>> -> memref<10240x128xf32, #tpu.memory_space<vmem_shared>>
      tpu.enqueue_indirect_dma source(%arg8 : memref<128x128xf32, #tpu.memory_space<vmem>>) target(%dma_start3A_158 : memref<10240x128xf32, #tpu.memory_space<vmem_shared>>) offsets(%arg7 : memref<128xi32, #tpu.memory_space<vmem>>) semaphore(%arg11 : memref<!tpu.dma_semaphore, #tpu.memory_space<semaphore_mem>>) {add = true}
      %dma_wait3A_159 = arith.constant 0 : i32
      %dma_wait3A_160 = arith.constant 0 : i32
      %dma_wait3A_161 = tpu.memref_slice %arg10[%dma_wait3A_159, %dma_wait3A_160] : memref<10240x128xf32, #tpu.memory_space<vmem_shared>> -> memref<10240x128xf32, #tpu.memory_space<vmem_shared>>
      tpu.wait_indirect_dma semaphore(%arg11 : memref<!tpu.dma_semaphore, #tpu.memory_space<semaphore_mem>>) src(%arg8 : memref<128x128xf32, #tpu.memory_space<vmem>>) dst(%dma_wait3A_161 : memref<10240x128xf32, #tpu.memory_space<vmem_shared>>)
    }
    %while3A_82 = arith.constant 1 : i32
    scf.for %while3A_144 = %while3A_80 to %while3A_76 step %while3A_82  : i32 {
      %mul3A_145 = arith.constant 32 : i32
      %mul3A_146 = arith.muli %mul3A_145, %while3A_144 : i32
      %add3A_147 = arith.addi %add3A, %mul3A_146 : i32
      %mul3A_148 = arith.constant 128 : i32
      %mul3A_149 = arith.muli %add3A_147, %mul3A_148 : i32
      "tpu.region"() ({
        %run_scoped3A = tpu.sem_alloc : memref<!tpu.dma_semaphore, #tpu.memory_space<semaphore_mem>>
        %dma_start3A_162 = tpu.memref_slice %arg3[%mul3A_149] : memref<320000xi32, #tpu.memory_space<hbm>> -> memref<128xi32, #tpu.memory_space<hbm>>
        %dma_start3A_163 = tpu.memref_slice %arg3[%mul3A_149] : memref<320000xi32, #tpu.memory_space<hbm>> -> memref<128xi32, #tpu.memory_space<hbm>>
        tpu.enqueue_dma source(%dma_start3A_163 : memref<128xi32, #tpu.memory_space<hbm>>) target(%arg6 : memref<128xi32, #tpu.memory_space<vmem>>) target_semaphore(%run_scoped3A : memref<!tpu.dma_semaphore, #tpu.memory_space<semaphore_mem>>)
        %dma_wait3A_164 = tpu.memref_slice %arg3[%mul3A_149] : memref<320000xi32, #tpu.memory_space<hbm>> -> memref<128xi32, #tpu.memory_space<hbm>>
        %dma_wait3A_165 = tpu.memref_slice %arg3[%mul3A_149] : memref<320000xi32, #tpu.memory_space<hbm>> -> memref<128xi32, #tpu.memory_space<hbm>>
        tpu.wait_dma2 semaphore(%run_scoped3A : memref<!tpu.dma_semaphore, #tpu.memory_space<semaphore_mem>>) src(%dma_wait3A_165 : memref<128xi32, #tpu.memory_space<hbm>>) dst(%arg6 : memref<128xi32, #tpu.memory_space<vmem>>)
        tpu.yield
      }) : () -> ()
      "tpu.region"() ({
        %run_scoped3A = tpu.sem_alloc : memref<!tpu.dma_semaphore, #tpu.memory_space<semaphore_mem>>
        %dma_start3A_162 = tpu.memref_slice %arg4[%mul3A_149] : memref<320000xi32, #tpu.memory_space<hbm>> -> memref<128xi32, #tpu.memory_space<hbm>>
        %dma_start3A_163 = tpu.memref_slice %arg4[%mul3A_149] : memref<320000xi32, #tpu.memory_space<hbm>> -> memref<128xi32, #tpu.memory_space<hbm>>
        tpu.enqueue_dma source(%dma_start3A_163 : memref<128xi32, #tpu.memory_space<hbm>>) target(%arg7 : memref<128xi32, #tpu.memory_space<vmem>>) target_semaphore(%run_scoped3A : memref<!tpu.dma_semaphore, #tpu.memory_space<semaphore_mem>>)
        %dma_wait3A_164 = tpu.memref_slice %arg4[%mul3A_149] : memref<320000xi32, #tpu.memory_space<hbm>> -> memref<128xi32, #tpu.memory_space<hbm>>
        %dma_wait3A_165 = tpu.memref_slice %arg4[%mul3A_149] : memref<320000xi32, #tpu.memory_space<hbm>> -> memref<128xi32, #tpu.memory_space<hbm>>
        tpu.wait_dma2 semaphore(%run_scoped3A : memref<!tpu.dma_semaphore, #tpu.memory_space<semaphore_mem>>) src(%dma_wait3A_165 : memref<128xi32, #tpu.memory_space<hbm>>) dst(%arg7 : memref<128xi32, #tpu.memory_space<vmem>>)
        tpu.yield
      }) : () -> ()
      %dma_start3A_150 = arith.constant 0 : i32
      %dma_start3A_151 = arith.constant 0 : i32
      %dma_start3A_152 = tpu.memref_slice %arg2[%dma_start3A_150, %dma_start3A_151] : memref<10000x128xf32, #tpu.memory_space<hbm>> -> memref<10000x128xf32, #tpu.memory_space<hbm>>
      tpu.enqueue_indirect_dma source(%dma_start3A_152 : memref<10000x128xf32, #tpu.memory_space<hbm>>) target(%arg8 : memref<128x128xf32, #tpu.memory_space<vmem>>) offsets(%arg6 : memref<128xi32, #tpu.memory_space<vmem>>) semaphore(%arg11 : memref<!tpu.dma_semaphore, #tpu.memory_space<semaphore_mem>>)
      %dma_wait3A_153 = arith.constant 0 : i32
      %dma_wait3A_154 = arith.constant 0 : i32
      %dma_wait3A_155 = tpu.memref_slice %arg2[%dma_wait3A_153, %dma_wait3A_154] : memref<10000x128xf32, #tpu.memory_space<hbm>> -> memref<10000x128xf32, #tpu.memory_space<hbm>>
      tpu.wait_indirect_dma semaphore(%arg11 : memref<!tpu.dma_semaphore, #tpu.memory_space<semaphore_mem>>) src(%dma_wait3A_155 : memref<10000x128xf32, #tpu.memory_space<hbm>>) dst(%arg8 : memref<128x128xf32, #tpu.memory_space<vmem>>)
      %dma_start3A_156 = arith.constant 0 : i32
      %dma_start3A_157 = arith.constant 0 : i32
      %dma_start3A_158 = tpu.memref_slice %arg10[%dma_start3A_156, %dma_start3A_157] : memref<10240x128xf32, #tpu.memory_space<vmem_shared>> -> memref<10240x128xf32, #tpu.memory_space<vmem_shared>>
      tpu.enqueue_indirect_dma source(%arg8 : memref<128x128xf32, #tpu.memory_space<vmem>>) target(%dma_start3A_158 : memref<10240x128xf32, #tpu.memory_space<vmem_shared>>) offsets(%arg7 : memref<128xi32, #tpu.memory_space<vmem>>) semaphore(%arg11 : memref<!tpu.dma_semaphore, #tpu.memory_space<semaphore_mem>>) {add = true}
      %dma_wait3A_159 = arith.constant 0 : i32
      %dma_wait3A_160 = arith.constant 0 : i32
      %dma_wait3A_161 = tpu.memref_slice %arg10[%dma_wait3A_159, %dma_wait3A_160] : memref<10240x128xf32, #tpu.memory_space<vmem_shared>> -> memref<10240x128xf32, #tpu.memory_space<vmem_shared>>
      tpu.wait_indirect_dma semaphore(%arg11 : memref<!tpu.dma_semaphore, #tpu.memory_space<semaphore_mem>>) src(%arg8 : memref<128x128xf32, #tpu.memory_space<vmem>>) dst(%dma_wait3A_161 : memref<10240x128xf32, #tpu.memory_space<vmem_shared>>)
    }
    %barrier3A_83 = arith.constant 0 : index
    tpu.barrier barrier_id(%barrier3A_83)
    %mul3A_84 = arith.constant 640 : i32
    %mul3A_85 = arith.muli %arg1, %mul3A_84 : i32
    %add3A_86 = arith.constant 0 : i32
    %add3A_87 = arith.addi %mul3A_85, %add3A_86 : i32
    %dma_start3A_88 = arith.constant 0 : i32
    %dma_start3A_89 = tpu.memref_slice %arg10[%add3A_87, %dma_start3A_88] : memref<10240x128xf32, #tpu.memory_space<vmem_shared>> -> memref<128x128xf32, #tpu.memory_space<vmem_shared>>
    %dma_start3A_90 = arith.constant 0 : i32
    %dma_start3A_91 = tpu.memref_slice %arg10[%add3A_87, %dma_start3A_90] : memref<10240x128xf32, #tpu.memory_space<vmem_shared>> -> memref<128x128xf32, #tpu.memory_space<vmem_shared>>
    tpu.enqueue_dma source(%dma_start3A_91 : memref<128x128xf32, #tpu.memory_space<vmem_shared>>) target(%arg8 : memref<128x128xf32, #tpu.memory_space<vmem>>) target_semaphore(%arg11 : memref<!tpu.dma_semaphore, #tpu.memory_space<semaphore_mem>>)
    %dma_wait3A_92 = arith.constant 0 : i32
    %dma_wait3A_93 = tpu.memref_slice %arg10[%add3A_87, %dma_wait3A_92] : memref<10240x128xf32, #tpu.memory_space<vmem_shared>> -> memref<128x128xf32, #tpu.memory_space<vmem_shared>>
    %dma_wait3A_94 = arith.constant 0 : i32
    %dma_wait3A_95 = tpu.memref_slice %arg10[%add3A_87, %dma_wait3A_94] : memref<10240x128xf32, #tpu.memory_space<vmem_shared>> -> memref<128x128xf32, #tpu.memory_space<vmem_shared>>
    tpu.wait_dma2 semaphore(%arg11 : memref<!tpu.dma_semaphore, #tpu.memory_space<semaphore_mem>>) src(%dma_wait3A_95 : memref<128x128xf32, #tpu.memory_space<vmem_shared>>) dst(%arg8 : memref<128x128xf32, #tpu.memory_space<vmem>>)
    "tpu.region"() ({
      %run_scoped3A = tpu.sem_alloc : memref<!tpu.dma_semaphore, #tpu.memory_space<semaphore_mem>>
      %dma_start3A_144 = arith.constant 0 : i32
      %dma_start3A_145 = arith.constant 0 : i32
      %dma_start3A_146 = tpu.memref_slice %arg5[%arg0, %dma_start3A_144, %dma_start3A_145] : memref<2x10240x128xf32, #tpu.memory_space<hbm>> -> memref<1x10240x128xf32, #tpu.memory_space<hbm>>
      %dma_start3A_147 = tpu.memref_squeeze %dma_start3A_146 : memref<1x10240x128xf32, #tpu.memory_space<hbm>> -> memref<10240x128xf32, #tpu.memory_space<hbm>>
      %dma_start3A_148 = arith.constant 0 : i32
      %dma_start3A_149 = tpu.memref_slice %dma_start3A_147[%add3A_87, %dma_start3A_148] : memref<10240x128xf32, #tpu.memory_space<hbm>> -> memref<128x128xf32, #tpu.memory_space<hbm>>
      %dma_start3A_150 = arith.constant 0 : i32
      %dma_start3A_151 = arith.constant 0 : i32
      %dma_start3A_152 = tpu.memref_slice %arg5[%arg0, %dma_start3A_150, %dma_start3A_151] : memref<2x10240x128xf32, #tpu.memory_space<hbm>> -> memref<1x10240x128xf32, #tpu.memory_space<hbm>>
      %dma_start3A_153 = tpu.memref_squeeze %dma_start3A_152 : memref<1x10240x128xf32, #tpu.memory_space<hbm>> -> memref<10240x128xf32, #tpu.memory_space<hbm>>
      %dma_start3A_154 = arith.constant 0 : i32
      %dma_start3A_155 = tpu.memref_slice %dma_start3A_153[%add3A_87, %dma_start3A_154] : memref<10240x128xf32, #tpu.memory_space<hbm>> -> memref<128x128xf32, #tpu.memory_space<hbm>>
      tpu.enqueue_dma source(%arg8 : memref<128x128xf32, #tpu.memory_space<vmem>>) target(%dma_start3A_155 : memref<128x128xf32, #tpu.memory_space<hbm>>) target_semaphore(%run_scoped3A : memref<!tpu.dma_semaphore, #tpu.memory_space<semaphore_mem>>)
      %dma_wait3A_156 = arith.constant 0 : i32
      %dma_wait3A_157 = arith.constant 0 : i32
      %dma_wait3A_158 = tpu.memref_slice %arg5[%arg0, %dma_wait3A_156, %dma_wait3A_157] : memref<2x10240x128xf32, #tpu.memory_space<hbm>> -> memref<1x10240x128xf32, #tpu.memory_space<hbm>>
      %dma_wait3A_159 = tpu.memref_squeeze %dma_wait3A_158 : memref<1x10240x128xf32, #tpu.memory_space<hbm>> -> memref<10240x128xf32, #tpu.memory_space<hbm>>
      %dma_wait3A_160 = arith.constant 0 : i32
      %dma_wait3A_161 = tpu.memref_slice %dma_wait3A_159[%add3A_87, %dma_wait3A_160] : memref<10240x128xf32, #tpu.memory_space<hbm>> -> memref<128x128xf32, #tpu.memory_space<hbm>>
      %dma_wait3A_162 = arith.constant 0 : i32
      %dma_wait3A_163 = arith.constant 0 : i32
      %dma_wait3A_164 = tpu.memref_slice %arg5[%arg0, %dma_wait3A_162, %dma_wait3A_163] : memref<2x10240x128xf32, #tpu.memory_space<hbm>> -> memref<1x10240x128xf32, #tpu.memory_space<hbm>>
      %dma_wait3A_165 = tpu.memref_squeeze %dma_wait3A_164 : memref<1x10240x128xf32, #tpu.memory_space<hbm>> -> memref<10240x128xf32, #tpu.memory_space<hbm>>
      %dma_wait3A_166 = arith.constant 0 : i32
      %dma_wait3A_167 = tpu.memref_slice %dma_wait3A_165[%add3A_87, %dma_wait3A_166] : memref<10240x128xf32, #tpu.memory_space<hbm>> -> memref<128x128xf32, #tpu.memory_space<hbm>>
      tpu.wait_dma2 semaphore(%run_scoped3A : memref<!tpu.dma_semaphore, #tpu.memory_space<semaphore_mem>>) src(%arg8 : memref<128x128xf32, #tpu.memory_space<vmem>>) dst(%dma_wait3A_167 : memref<128x128xf32, #tpu.memory_space<hbm>>)
      tpu.yield
    }) : () -> ()
    %mul3A_96 = arith.constant 640 : i32
    %mul3A_97 = arith.muli %arg1, %mul3A_96 : i32
    %add3A_98 = arith.constant 128 : i32
    %add3A_99 = arith.addi %mul3A_97, %add3A_98 : i32
    %dma_start3A_100 = arith.constant 0 : i32
    %dma_start3A_101 = tpu.memref_slice %arg10[%add3A_99, %dma_start3A_100] : memref<10240x128xf32, #tpu.memory_space<vmem_shared>> -> memref<128x128xf32, #tpu.memory_space<vmem_shared>>
    %dma_start3A_102 = arith.constant 0 : i32
    %dma_start3A_103 = tpu.memref_slice %arg10[%add3A_99, %dma_start3A_102] : memref<10240x128xf32, #tpu.memory_space<vmem_shared>> -> memref<128x128xf32, #tpu.memory_space<vmem_shared>>
    tpu.enqueue_dma source(%dma_start3A_103 : memref<128x128xf32, #tpu.memory_space<vmem_shared>>) target(%arg8 : memref<128x128xf32, #tpu.memory_space<vmem>>) target_semaphore(%arg11 : memref<!tpu.dma_semaphore, #tpu.memory_space<semaphore_mem>>)
    %dma_wait3A_104 = arith.constant 0 : i32
    %dma_wait3A_105 = tpu.memref_slice %arg10[%add3A_99, %dma_wait3A_104] : memref<10240x128xf32, #tpu.memory_space<vmem_shared>> -> memref<128x128xf32, #tpu.memory_space<vmem_shared>>
    %dma_wait3A_106 = arith.constant 0 : i32
    %dma_wait3A_107 = tpu.memref_slice %arg10[%add3A_99, %dma_wait3A_106] : memref<10240x128xf32, #tpu.memory_space<vmem_shared>> -> memref<128x128xf32, #tpu.memory_space<vmem_shared>>
    tpu.wait_dma2 semaphore(%arg11 : memref<!tpu.dma_semaphore, #tpu.memory_space<semaphore_mem>>) src(%dma_wait3A_107 : memref<128x128xf32, #tpu.memory_space<vmem_shared>>) dst(%arg8 : memref<128x128xf32, #tpu.memory_space<vmem>>)
    "tpu.region"() ({
      %run_scoped3A = tpu.sem_alloc : memref<!tpu.dma_semaphore, #tpu.memory_space<semaphore_mem>>
      %dma_start3A_144 = arith.constant 0 : i32
      %dma_start3A_145 = arith.constant 0 : i32
      %dma_start3A_146 = tpu.memref_slice %arg5[%arg0, %dma_start3A_144, %dma_start3A_145] : memref<2x10240x128xf32, #tpu.memory_space<hbm>> -> memref<1x10240x128xf32, #tpu.memory_space<hbm>>
      %dma_start3A_147 = tpu.memref_squeeze %dma_start3A_146 : memref<1x10240x128xf32, #tpu.memory_space<hbm>> -> memref<10240x128xf32, #tpu.memory_space<hbm>>
      %dma_start3A_148 = arith.constant 0 : i32
      %dma_start3A_149 = tpu.memref_slice %dma_start3A_147[%add3A_99, %dma_start3A_148] : memref<10240x128xf32, #tpu.memory_space<hbm>> -> memref<128x128xf32, #tpu.memory_space<hbm>>
      %dma_start3A_150 = arith.constant 0 : i32
      %dma_start3A_151 = arith.constant 0 : i32
      %dma_start3A_152 = tpu.memref_slice %arg5[%arg0, %dma_start3A_150, %dma_start3A_151] : memref<2x10240x128xf32, #tpu.memory_space<hbm>> -> memref<1x10240x128xf32, #tpu.memory_space<hbm>>
      %dma_start3A_153 = tpu.memref_squeeze %dma_start3A_152 : memref<1x10240x128xf32, #tpu.memory_space<hbm>> -> memref<10240x128xf32, #tpu.memory_space<hbm>>
      %dma_start3A_154 = arith.constant 0 : i32
      %dma_start3A_155 = tpu.memref_slice %dma_start3A_153[%add3A_99, %dma_start3A_154] : memref<10240x128xf32, #tpu.memory_space<hbm>> -> memref<128x128xf32, #tpu.memory_space<hbm>>
      tpu.enqueue_dma source(%arg8 : memref<128x128xf32, #tpu.memory_space<vmem>>) target(%dma_start3A_155 : memref<128x128xf32, #tpu.memory_space<hbm>>) target_semaphore(%run_scoped3A : memref<!tpu.dma_semaphore, #tpu.memory_space<semaphore_mem>>)
      %dma_wait3A_156 = arith.constant 0 : i32
      %dma_wait3A_157 = arith.constant 0 : i32
      %dma_wait3A_158 = tpu.memref_slice %arg5[%arg0, %dma_wait3A_156, %dma_wait3A_157] : memref<2x10240x128xf32, #tpu.memory_space<hbm>> -> memref<1x10240x128xf32, #tpu.memory_space<hbm>>
      %dma_wait3A_159 = tpu.memref_squeeze %dma_wait3A_158 : memref<1x10240x128xf32, #tpu.memory_space<hbm>> -> memref<10240x128xf32, #tpu.memory_space<hbm>>
      %dma_wait3A_160 = arith.constant 0 : i32
      %dma_wait3A_161 = tpu.memref_slice %dma_wait3A_159[%add3A_99, %dma_wait3A_160] : memref<10240x128xf32, #tpu.memory_space<hbm>> -> memref<128x128xf32, #tpu.memory_space<hbm>>
      %dma_wait3A_162 = arith.constant 0 : i32
      %dma_wait3A_163 = arith.constant 0 : i32
      %dma_wait3A_164 = tpu.memref_slice %arg5[%arg0, %dma_wait3A_162, %dma_wait3A_163] : memref<2x10240x128xf32, #tpu.memory_space<hbm>> -> memref<1x10240x128xf32, #tpu.memory_space<hbm>>
      %dma_wait3A_165 = tpu.memref_squeeze %dma_wait3A_164 : memref<1x10240x128xf32, #tpu.memory_space<hbm>> -> memref<10240x128xf32, #tpu.memory_space<hbm>>
      %dma_wait3A_166 = arith.constant 0 : i32
      %dma_wait3A_167 = tpu.memref_slice %dma_wait3A_165[%add3A_99, %dma_wait3A_166] : memref<10240x128xf32, #tpu.memory_space<hbm>> -> memref<128x128xf32, #tpu.memory_space<hbm>>
      tpu.wait_dma2 semaphore(%run_scoped3A : memref<!tpu.dma_semaphore, #tpu.memory_space<semaphore_mem>>) src(%arg8 : memref<128x128xf32, #tpu.memory_space<vmem>>) dst(%dma_wait3A_167 : memref<128x128xf32, #tpu.memory_space<hbm>>)
      tpu.yield
    }) : () -> ()
    %mul3A_108 = arith.constant 640 : i32
    %mul3A_109 = arith.muli %arg1, %mul3A_108 : i32
    %add3A_110 = arith.constant 256 : i32
    %add3A_111 = arith.addi %mul3A_109, %add3A_110 : i32
    %dma_start3A_112 = arith.constant 0 : i32
    %dma_start3A_113 = tpu.memref_slice %arg10[%add3A_111, %dma_start3A_112] : memref<10240x128xf32, #tpu.memory_space<vmem_shared>> -> memref<128x128xf32, #tpu.memory_space<vmem_shared>>
    %dma_start3A_114 = arith.constant 0 : i32
    %dma_start3A_115 = tpu.memref_slice %arg10[%add3A_111, %dma_start3A_114] : memref<10240x128xf32, #tpu.memory_space<vmem_shared>> -> memref<128x128xf32, #tpu.memory_space<vmem_shared>>
    tpu.enqueue_dma source(%dma_start3A_115 : memref<128x128xf32, #tpu.memory_space<vmem_shared>>) target(%arg8 : memref<128x128xf32, #tpu.memory_space<vmem>>) target_semaphore(%arg11 : memref<!tpu.dma_semaphore, #tpu.memory_space<semaphore_mem>>)
    %dma_wait3A_116 = arith.constant 0 : i32
    %dma_wait3A_117 = tpu.memref_slice %arg10[%add3A_111, %dma_wait3A_116] : memref<10240x128xf32, #tpu.memory_space<vmem_shared>> -> memref<128x128xf32, #tpu.memory_space<vmem_shared>>
    %dma_wait3A_118 = arith.constant 0 : i32
    %dma_wait3A_119 = tpu.memref_slice %arg10[%add3A_111, %dma_wait3A_118] : memref<10240x128xf32, #tpu.memory_space<vmem_shared>> -> memref<128x128xf32, #tpu.memory_space<vmem_shared>>
    tpu.wait_dma2 semaphore(%arg11 : memref<!tpu.dma_semaphore, #tpu.memory_space<semaphore_mem>>) src(%dma_wait3A_119 : memref<128x128xf32, #tpu.memory_space<vmem_shared>>) dst(%arg8 : memref<128x128xf32, #tpu.memory_space<vmem>>)
    "tpu.region"() ({
      %run_scoped3A = tpu.sem_alloc : memref<!tpu.dma_semaphore, #tpu.memory_space<semaphore_mem>>
      %dma_start3A_144 = arith.constant 0 : i32
      %dma_start3A_145 = arith.constant 0 : i32
      %dma_start3A_146 = tpu.memref_slice %arg5[%arg0, %dma_start3A_144, %dma_start3A_145] : memref<2x10240x128xf32, #tpu.memory_space<hbm>> -> memref<1x10240x128xf32, #tpu.memory_space<hbm>>
      %dma_start3A_147 = tpu.memref_squeeze %dma_start3A_146 : memref<1x10240x128xf32, #tpu.memory_space<hbm>> -> memref<10240x128xf32, #tpu.memory_space<hbm>>
      %dma_start3A_148 = arith.constant 0 : i32
      %dma_start3A_149 = tpu.memref_slice %dma_start3A_147[%add3A_111, %dma_start3A_148] : memref<10240x128xf32, #tpu.memory_space<hbm>> -> memref<128x128xf32, #tpu.memory_space<hbm>>
      %dma_start3A_150 = arith.constant 0 : i32
      %dma_start3A_151 = arith.constant 0 : i32
      %dma_start3A_152 = tpu.memref_slice %arg5[%arg0, %dma_start3A_150, %dma_start3A_151] : memref<2x10240x128xf32, #tpu.memory_space<hbm>> -> memref<1x10240x128xf32, #tpu.memory_space<hbm>>
      %dma_start3A_153 = tpu.memref_squeeze %dma_start3A_152 : memref<1x10240x128xf32, #tpu.memory_space<hbm>> -> memref<10240x128xf32, #tpu.memory_space<hbm>>
      %dma_start3A_154 = arith.constant 0 : i32
      %dma_start3A_155 = tpu.memref_slice %dma_start3A_153[%add3A_111, %dma_start3A_154] : memref<10240x128xf32, #tpu.memory_space<hbm>> -> memref<128x128xf32, #tpu.memory_space<hbm>>
      tpu.enqueue_dma source(%arg8 : memref<128x128xf32, #tpu.memory_space<vmem>>) target(%dma_start3A_155 : memref<128x128xf32, #tpu.memory_space<hbm>>) target_semaphore(%run_scoped3A : memref<!tpu.dma_semaphore, #tpu.memory_space<semaphore_mem>>)
      %dma_wait3A_156 = arith.constant 0 : i32
      %dma_wait3A_157 = arith.constant 0 : i32
      %dma_wait3A_158 = tpu.memref_slice %arg5[%arg0, %dma_wait3A_156, %dma_wait3A_157] : memref<2x10240x128xf32, #tpu.memory_space<hbm>> -> memref<1x10240x128xf32, #tpu.memory_space<hbm>>
      %dma_wait3A_159 = tpu.memref_squeeze %dma_wait3A_158 : memref<1x10240x128xf32, #tpu.memory_space<hbm>> -> memref<10240x128xf32, #tpu.memory_space<hbm>>
      %dma_wait3A_160 = arith.constant 0 : i32
      %dma_wait3A_161 = tpu.memref_slice %dma_wait3A_159[%add3A_111, %dma_wait3A_160] : memref<10240x128xf32, #tpu.memory_space<hbm>> -> memref<128x128xf32, #tpu.memory_space<hbm>>
      %dma_wait3A_162 = arith.constant 0 : i32
      %dma_wait3A_163 = arith.constant 0 : i32
      %dma_wait3A_164 = tpu.memref_slice %arg5[%arg0, %dma_wait3A_162, %dma_wait3A_163] : memref<2x10240x128xf32, #tpu.memory_space<hbm>> -> memref<1x10240x128xf32, #tpu.memory_space<hbm>>
      %dma_wait3A_165 = tpu.memref_squeeze %dma_wait3A_164 : memref<1x10240x128xf32, #tpu.memory_space<hbm>> -> memref<10240x128xf32, #tpu.memory_space<hbm>>
      %dma_wait3A_166 = arith.constant 0 : i32
      %dma_wait3A_167 = tpu.memref_slice %dma_wait3A_165[%add3A_111, %dma_wait3A_166] : memref<10240x128xf32, #tpu.memory_space<hbm>> -> memref<128x128xf32, #tpu.memory_space<hbm>>
      tpu.wait_dma2 semaphore(%run_scoped3A : memref<!tpu.dma_semaphore, #tpu.memory_space<semaphore_mem>>) src(%arg8 : memref<128x128xf32, #tpu.memory_space<vmem>>) dst(%dma_wait3A_167 : memref<128x128xf32, #tpu.memory_space<hbm>>)
      tpu.yield
    }) : () -> ()
    %mul3A_120 = arith.constant 640 : i32
    %mul3A_121 = arith.muli %arg1, %mul3A_120 : i32
    %add3A_122 = arith.constant 384 : i32
    %add3A_123 = arith.addi %mul3A_121, %add3A_122 : i32
    %dma_start3A_124 = arith.constant 0 : i32
    %dma_start3A_125 = tpu.memref_slice %arg10[%add3A_123, %dma_start3A_124] : memref<10240x128xf32, #tpu.memory_space<vmem_shared>> -> memref<128x128xf32, #tpu.memory_space<vmem_shared>>
    %dma_start3A_126 = arith.constant 0 : i32
    %dma_start3A_127 = tpu.memref_slice %arg10[%add3A_123, %dma_start3A_126] : memref<10240x128xf32, #tpu.memory_space<vmem_shared>> -> memref<128x128xf32, #tpu.memory_space<vmem_shared>>
    tpu.enqueue_dma source(%dma_start3A_127 : memref<128x128xf32, #tpu.memory_space<vmem_shared>>) target(%arg8 : memref<128x128xf32, #tpu.memory_space<vmem>>) target_semaphore(%arg11 : memref<!tpu.dma_semaphore, #tpu.memory_space<semaphore_mem>>)
    %dma_wait3A_128 = arith.constant 0 : i32
    %dma_wait3A_129 = tpu.memref_slice %arg10[%add3A_123, %dma_wait3A_128] : memref<10240x128xf32, #tpu.memory_space<vmem_shared>> -> memref<128x128xf32, #tpu.memory_space<vmem_shared>>
    %dma_wait3A_130 = arith.constant 0 : i32
    %dma_wait3A_131 = tpu.memref_slice %arg10[%add3A_123, %dma_wait3A_130] : memref<10240x128xf32, #tpu.memory_space<vmem_shared>> -> memref<128x128xf32, #tpu.memory_space<vmem_shared>>
    tpu.wait_dma2 semaphore(%arg11 : memref<!tpu.dma_semaphore, #tpu.memory_space<semaphore_mem>>) src(%dma_wait3A_131 : memref<128x128xf32, #tpu.memory_space<vmem_shared>>) dst(%arg8 : memref<128x128xf32, #tpu.memory_space<vmem>>)
    "tpu.region"() ({
      %run_scoped3A = tpu.sem_alloc : memref<!tpu.dma_semaphore, #tpu.memory_space<semaphore_mem>>
      %dma_start3A_144 = arith.constant 0 : i32
      %dma_start3A_145 = arith.constant 0 : i32
      %dma_start3A_146 = tpu.memref_slice %arg5[%arg0, %dma_start3A_144, %dma_start3A_145] : memref<2x10240x128xf32, #tpu.memory_space<hbm>> -> memref<1x10240x128xf32, #tpu.memory_space<hbm>>
      %dma_start3A_147 = tpu.memref_squeeze %dma_start3A_146 : memref<1x10240x128xf32, #tpu.memory_space<hbm>> -> memref<10240x128xf32, #tpu.memory_space<hbm>>
      %dma_start3A_148 = arith.constant 0 : i32
      %dma_start3A_149 = tpu.memref_slice %dma_start3A_147[%add3A_123, %dma_start3A_148] : memref<10240x128xf32, #tpu.memory_space<hbm>> -> memref<128x128xf32, #tpu.memory_space<hbm>>
      %dma_start3A_150 = arith.constant 0 : i32
      %dma_start3A_151 = arith.constant 0 : i32
      %dma_start3A_152 = tpu.memref_slice %arg5[%arg0, %dma_start3A_150, %dma_start3A_151] : memref<2x10240x128xf32, #tpu.memory_space<hbm>> -> memref<1x10240x128xf32, #tpu.memory_space<hbm>>
      %dma_start3A_153 = tpu.memref_squeeze %dma_start3A_152 : memref<1x10240x128xf32, #tpu.memory_space<hbm>> -> memref<10240x128xf32, #tpu.memory_space<hbm>>
      %dma_start3A_154 = arith.constant 0 : i32
      %dma_start3A_155 = tpu.memref_slice %dma_start3A_153[%add3A_123, %dma_start3A_154] : memref<10240x128xf32, #tpu.memory_space<hbm>> -> memref<128x128xf32, #tpu.memory_space<hbm>>
      tpu.enqueue_dma source(%arg8 : memref<128x128xf32, #tpu.memory_space<vmem>>) target(%dma_start3A_155 : memref<128x128xf32, #tpu.memory_space<hbm>>) target_semaphore(%run_scoped3A : memref<!tpu.dma_semaphore, #tpu.memory_space<semaphore_mem>>)
      %dma_wait3A_156 = arith.constant 0 : i32
      %dma_wait3A_157 = arith.constant 0 : i32
      %dma_wait3A_158 = tpu.memref_slice %arg5[%arg0, %dma_wait3A_156, %dma_wait3A_157] : memref<2x10240x128xf32, #tpu.memory_space<hbm>> -> memref<1x10240x128xf32, #tpu.memory_space<hbm>>
      %dma_wait3A_159 = tpu.memref_squeeze %dma_wait3A_158 : memref<1x10240x128xf32, #tpu.memory_space<hbm>> -> memref<10240x128xf32, #tpu.memory_space<hbm>>
      %dma_wait3A_160 = arith.constant 0 : i32
      %dma_wait3A_161 = tpu.memref_slice %dma_wait3A_159[%add3A_123, %dma_wait3A_160] : memref<10240x128xf32, #tpu.memory_space<hbm>> -> memref<128x128xf32, #tpu.memory_space<hbm>>
      %dma_wait3A_162 = arith.constant 0 : i32
      %dma_wait3A_163 = arith.constant 0 : i32
      %dma_wait3A_164 = tpu.memref_slice %arg5[%arg0, %dma_wait3A_162, %dma_wait3A_163] : memref<2x10240x128xf32, #tpu.memory_space<hbm>> -> memref<1x10240x128xf32, #tpu.memory_space<hbm>>
      %dma_wait3A_165 = tpu.memref_squeeze %dma_wait3A_164 : memref<1x10240x128xf32, #tpu.memory_space<hbm>> -> memref<10240x128xf32, #tpu.memory_space<hbm>>
      %dma_wait3A_166 = arith.constant 0 : i32
      %dma_wait3A_167 = tpu.memref_slice %dma_wait3A_165[%add3A_123, %dma_wait3A_166] : memref<10240x128xf32, #tpu.memory_space<hbm>> -> memref<128x128xf32, #tpu.memory_space<hbm>>
      tpu.wait_dma2 semaphore(%run_scoped3A : memref<!tpu.dma_semaphore, #tpu.memory_space<semaphore_mem>>) src(%arg8 : memref<128x128xf32, #tpu.memory_space<vmem>>) dst(%dma_wait3A_167 : memref<128x128xf32, #tpu.memory_space<hbm>>)
      tpu.yield
    }) : () -> ()
    %mul3A_132 = arith.constant 640 : i32
    %mul3A_133 = arith.muli %arg1, %mul3A_132 : i32
    %add3A_134 = arith.constant 512 : i32
    %add3A_135 = arith.addi %mul3A_133, %add3A_134 : i32
    %dma_start3A_136 = arith.constant 0 : i32
    %dma_start3A_137 = tpu.memref_slice %arg10[%add3A_135, %dma_start3A_136] : memref<10240x128xf32, #tpu.memory_space<vmem_shared>> -> memref<128x128xf32, #tpu.memory_space<vmem_shared>>
    %dma_start3A_138 = arith.constant 0 : i32
    %dma_start3A_139 = tpu.memref_slice %arg10[%add3A_135, %dma_start3A_138] : memref<10240x128xf32, #tpu.memory_space<vmem_shared>> -> memref<128x128xf32, #tpu.memory_space<vmem_shared>>
    tpu.enqueue_dma source(%dma_start3A_139 : memref<128x128xf32, #tpu.memory_space<vmem_shared>>) target(%arg8 : memref<128x128xf32, #tpu.memory_space<vmem>>) target_semaphore(%arg11 : memref<!tpu.dma_semaphore, #tpu.memory_space<semaphore_mem>>)
    %dma_wait3A_140 = arith.constant 0 : i32
    %dma_wait3A_141 = tpu.memref_slice %arg10[%add3A_135, %dma_wait3A_140] : memref<10240x128xf32, #tpu.memory_space<vmem_shared>> -> memref<128x128xf32, #tpu.memory_space<vmem_shared>>
    %dma_wait3A_142 = arith.constant 0 : i32
    %dma_wait3A_143 = tpu.memref_slice %arg10[%add3A_135, %dma_wait3A_142] : memref<10240x128xf32, #tpu.memory_space<vmem_shared>> -> memref<128x128xf32, #tpu.memory_space<vmem_shared>>
    tpu.wait_dma2 semaphore(%arg11 : memref<!tpu.dma_semaphore, #tpu.memory_space<semaphore_mem>>) src(%dma_wait3A_143 : memref<128x128xf32, #tpu.memory_space<vmem_shared>>) dst(%arg8 : memref<128x128xf32, #tpu.memory_space<vmem>>)
    "tpu.region"() ({
      %run_scoped3A = tpu.sem_alloc : memref<!tpu.dma_semaphore, #tpu.memory_space<semaphore_mem>>
      %dma_start3A_144 = arith.constant 0 : i32
      %dma_start3A_145 = arith.constant 0 : i32
      %dma_start3A_146 = tpu.memref_slice %arg5[%arg0, %dma_start3A_144, %dma_start3A_145] : memref<2x10240x128xf32, #tpu.memory_space<hbm>> -> memref<1x10240x128xf32, #tpu.memory_space<hbm>>
      %dma_start3A_147 = tpu.memref_squeeze %dma_start3A_146 : memref<1x10240x128xf32, #tpu.memory_space<hbm>> -> memref<10240x128xf32, #tpu.memory_space<hbm>>
      %dma_start3A_148 = arith.constant 0 : i32
      %dma_start3A_149 = tpu.memref_slice %dma_start3A_147[%add3A_135, %dma_start3A_148] : memref<10240x128xf32, #tpu.memory_space<hbm>> -> memref<128x128xf32, #tpu.memory_space<hbm>>
      %dma_start3A_150 = arith.constant 0 : i32
      %dma_start3A_151 = arith.constant 0 : i32
      %dma_start3A_152 = tpu.memref_slice %arg5[%arg0, %dma_start3A_150, %dma_start3A_151] : memref<2x10240x128xf32, #tpu.memory_space<hbm>> -> memref<1x10240x128xf32, #tpu.memory_space<hbm>>
      %dma_start3A_153 = tpu.memref_squeeze %dma_start3A_152 : memref<1x10240x128xf32, #tpu.memory_space<hbm>> -> memref<10240x128xf32, #tpu.memory_space<hbm>>
      %dma_start3A_154 = arith.constant 0 : i32
      %dma_start3A_155 = tpu.memref_slice %dma_start3A_153[%add3A_135, %dma_start3A_154] : memref<10240x128xf32, #tpu.memory_space<hbm>> -> memref<128x128xf32, #tpu.memory_space<hbm>>
      tpu.enqueue_dma source(%arg8 : memref<128x128xf32, #tpu.memory_space<vmem>>) target(%dma_start3A_155 : memref<128x128xf32, #tpu.memory_space<hbm>>) target_semaphore(%run_scoped3A : memref<!tpu.dma_semaphore, #tpu.memory_space<semaphore_mem>>)
      %dma_wait3A_156 = arith.constant 0 : i32
      %dma_wait3A_157 = arith.constant 0 : i32
      %dma_wait3A_158 = tpu.memref_slice %arg5[%arg0, %dma_wait3A_156, %dma_wait3A_157] : memref<2x10240x128xf32, #tpu.memory_space<hbm>> -> memref<1x10240x128xf32, #tpu.memory_space<hbm>>
      %dma_wait3A_159 = tpu.memref_squeeze %dma_wait3A_158 : memref<1x10240x128xf32, #tpu.memory_space<hbm>> -> memref<10240x128xf32, #tpu.memory_space<hbm>>
      %dma_wait3A_160 = arith.constant 0 : i32
      %dma_wait3A_161 = tpu.memref_slice %dma_wait3A_159[%add3A_135, %dma_wait3A_160] : memref<10240x128xf32, #tpu.memory_space<hbm>> -> memref<128x128xf32, #tpu.memory_space<hbm>>
      %dma_wait3A_162 = arith.constant 0 : i32
      %dma_wait3A_163 = arith.constant 0 : i32
      %dma_wait3A_164 = tpu.memref_slice %arg5[%arg0, %dma_wait3A_162, %dma_wait3A_163] : memref<2x10240x128xf32, #tpu.memory_space<hbm>> -> memref<1x10240x128xf32, #tpu.memory_space<hbm>>
      %dma_wait3A_165 = tpu.memref_squeeze %dma_wait3A_164 : memref<1x10240x128xf32, #tpu.memory_space<hbm>> -> memref<10240x128xf32, #tpu.memory_space<hbm>>
      %dma_wait3A_166 = arith.constant 0 : i32
      %dma_wait3A_167 = tpu.memref_slice %dma_wait3A_165[%add3A_135, %dma_wait3A_166] : memref<10240x128xf32, #tpu.memory_space<hbm>> -> memref<128x128xf32, #tpu.memory_space<hbm>>
      tpu.wait_dma2 semaphore(%run_scoped3A : memref<!tpu.dma_semaphore, #tpu.memory_space<semaphore_mem>>) src(%arg8 : memref<128x128xf32, #tpu.memory_space<vmem>>) dst(%dma_wait3A_167 : memref<128x128xf32, #tpu.memory_space<hbm>>)
      tpu.yield
    }) : () -> ()
    return
  }
}

#map = affine_map<(d0, d1) -> (0, 0)>
#map1 = affine_map<(d0, d1) -> (0)>
#map2 = affine_map<(d0, d1) -> (0, 0, 0)>
module attributes {stable_mosaic.version = 14 : i64} {
  func.func @k(%arg0: i32, %arg1: i32, %arg2: memref<10000x128xf32, #tpu.memory_space<hbm>>, %arg3: memref<320000xi32, #tpu.memory_space<hbm>>, %arg4: memref<320000xi32, #tpu.memory_space<hbm>>, %arg5: memref<320000x16xf32, #tpu.memory_space<hbm>>, %arg6: memref<2x10240x128xf32, #tpu.memory_space<hbm>>, %arg7: memref<128xi32, #tpu.memory_space<vmem>>, %arg8: memref<128xi32, #tpu.memory_space<vmem>>, %arg9: memref<128x16xf32, #tpu.memory_space<vmem>>, %arg10: memref<128x128xf32, #tpu.memory_space<vmem>>, %arg11: memref<10240x128xf32, #tpu.memory_space<vmem_shared>>, %arg12: memref<!tpu.dma_semaphore, #tpu.memory_space<semaphore_mem>>) attributes {dimension_semantics = [#tpu.dimension_semantics<core_parallel>, #tpu.dimension_semantics<subcore_parallel>], iteration_bounds = array<i64: 2, 16>, scalar_prefetch = 0 : i64, scratch_operands = 6 : i64, tpu.core_type = #tpu.core_type<sc_vector_subcore>, window_params = [{transform_indices = #map}, {transform_indices = #map1}, {transform_indices = #map1}, {transform_indices = #map}, {transform_indices = #map2}]} {
    %mul3A = arith.constant 2 : i32
    %mul3A_0 = arith.muli %arg1, %mul3A : i32
    %add3A = arith.addi %mul3A_0, %arg0 : i32
    %scan3A = arith.constant 0 : i32
    %scan3A_1 = arith.constant 0 : i32
    %scan3A_2 = arith.constant 128 : i32
    %scan3A_3 = arith.addi %scan3A_1, %scan3A_2 : i32
    %scan3A_4 = arith.constant 1 : i32
    scf.for %scan3A_138 = %scan3A_1 to %scan3A_3 step %scan3A_4  : i32 {
      %broadcast_in_dim3A = arith.constant 0.000000e+00 : f32
      %broadcast_in_dim3A_139 = vector.broadcast %broadcast_in_dim3A : f32 to vector<16xf32>
      %swap3A = arith.index_cast %scan3A_138 : i32 to index
      %swap3A_140 = arith.constant 0 : index
      %swap3A_141 = tpu.vector_load %arg10[%swap3A, %swap3A_140] {strides = array<i32>} : memref<128x128xf32, #tpu.memory_space<vmem>>, vector<1x16xf32>,
      %swap3A_142 = vector.shape_cast %swap3A_141 : vector<1x16xf32> to vector<16xf32>
      %swap3A_143 = vector.shape_cast %broadcast_in_dim3A_139 : vector<16xf32> to vector<1x16xf32>
      tpu.vector_store %arg10[%swap3A, %swap3A_140], %swap3A_143 {strides = array<i32>} : memref<128x128xf32, #tpu.memory_space<vmem>>, vector<1x16xf32>,
      %broadcast_in_dim3A_144 = arith.constant 0.000000e+00 : f32
      %broadcast_in_dim3A_145 = vector.broadcast %broadcast_in_dim3A_144 : f32 to vector<16xf32>
      %swap3A_146 = arith.index_cast %scan3A_138 : i32 to index
      %swap3A_147 = arith.constant 16 : index
      %swap3A_148 = tpu.vector_load %arg10[%swap3A_146, %swap3A_147] {strides = array<i32>} : memref<128x128xf32, #tpu.memory_space<vmem>>, vector<1x16xf32>,
      %swap3A_149 = vector.shape_cast %swap3A_148 : vector<1x16xf32> to vector<16xf32>
      %swap3A_150 = vector.shape_cast %broadcast_in_dim3A_145 : vector<16xf32> to vector<1x16xf32>
      tpu.vector_store %arg10[%swap3A_146, %swap3A_147], %swap3A_150 {strides = array<i32>} : memref<128x128xf32, #tpu.memory_space<vmem>>, vector<1x16xf32>,
      %broadcast_in_dim3A_151 = arith.constant 0.000000e+00 : f32
      %broadcast_in_dim3A_152 = vector.broadcast %broadcast_in_dim3A_151 : f32 to vector<16xf32>
      %swap3A_153 = arith.index_cast %scan3A_138 : i32 to index
      %swap3A_154 = arith.constant 32 : index
      %swap3A_155 = tpu.vector_load %arg10[%swap3A_153, %swap3A_154] {strides = array<i32>} : memref<128x128xf32, #tpu.memory_space<vmem>>, vector<1x16xf32>,
      %swap3A_156 = vector.shape_cast %swap3A_155 : vector<1x16xf32> to vector<16xf32>
      %swap3A_157 = vector.shape_cast %broadcast_in_dim3A_152 : vector<16xf32> to vector<1x16xf32>
      tpu.vector_store %arg10[%swap3A_153, %swap3A_154], %swap3A_157 {strides = array<i32>} : memref<128x128xf32, #tpu.memory_space<vmem>>, vector<1x16xf32>,
      %broadcast_in_dim3A_158 = arith.constant 0.000000e+00 : f32
      %broadcast_in_dim3A_159 = vector.broadcast %broadcast_in_dim3A_158 : f32 to vector<16xf32>
      %swap3A_160 = arith.index_cast %scan3A_138 : i32 to index
      %swap3A_161 = arith.constant 48 : index
      %swap3A_162 = tpu.vector_load %arg10[%swap3A_160, %swap3A_161] {strides = array<i32>} : memref<128x128xf32, #tpu.memory_space<vmem>>, vector<1x16xf32>,
      %swap3A_163 = vector.shape_cast %swap3A_162 : vector<1x16xf32> to vector<16xf32>
      %swap3A_164 = vector.shape_cast %broadcast_in_dim3A_159 : vector<16xf32> to vector<1x16xf32>
      tpu.vector_store %arg10[%swap3A_160, %swap3A_161], %swap3A_164 {strides = array<i32>} : memref<128x128xf32, #tpu.memory_space<vmem>>, vector<1x16xf32>,
      %broadcast_in_dim3A_165 = arith.constant 0.000000e+00 : f32
      %broadcast_in_dim3A_166 = vector.broadcast %broadcast_in_dim3A_165 : f32 to vector<16xf32>
      %swap3A_167 = arith.index_cast %scan3A_138 : i32 to index
      %swap3A_168 = arith.constant 64 : index
      %swap3A_169 = tpu.vector_load %arg10[%swap3A_167, %swap3A_168] {strides = array<i32>} : memref<128x128xf32, #tpu.memory_space<vmem>>, vector<1x16xf32>,
      %swap3A_170 = vector.shape_cast %swap3A_169 : vector<1x16xf32> to vector<16xf32>
      %swap3A_171 = vector.shape_cast %broadcast_in_dim3A_166 : vector<16xf32> to vector<1x16xf32>
      tpu.vector_store %arg10[%swap3A_167, %swap3A_168], %swap3A_171 {strides = array<i32>} : memref<128x128xf32, #tpu.memory_space<vmem>>, vector<1x16xf32>,
      %broadcast_in_dim3A_172 = arith.constant 0.000000e+00 : f32
      %broadcast_in_dim3A_173 = vector.broadcast %broadcast_in_dim3A_172 : f32 to vector<16xf32>
      %swap3A_174 = arith.index_cast %scan3A_138 : i32 to index
      %swap3A_175 = arith.constant 80 : index
      %swap3A_176 = tpu.vector_load %arg10[%swap3A_174, %swap3A_175] {strides = array<i32>} : memref<128x128xf32, #tpu.memory_space<vmem>>, vector<1x16xf32>,
      %swap3A_177 = vector.shape_cast %swap3A_176 : vector<1x16xf32> to vector<16xf32>
      %swap3A_178 = vector.shape_cast %broadcast_in_dim3A_173 : vector<16xf32> to vector<1x16xf32>
      tpu.vector_store %arg10[%swap3A_174, %swap3A_175], %swap3A_178 {strides = array<i32>} : memref<128x128xf32, #tpu.memory_space<vmem>>, vector<1x16xf32>,
      %broadcast_in_dim3A_179 = arith.constant 0.000000e+00 : f32
      %broadcast_in_dim3A_180 = vector.broadcast %broadcast_in_dim3A_179 : f32 to vector<16xf32>
      %swap3A_181 = arith.index_cast %scan3A_138 : i32 to index
      %swap3A_182 = arith.constant 96 : index
      %swap3A_183 = tpu.vector_load %arg10[%swap3A_181, %swap3A_182] {strides = array<i32>} : memref<128x128xf32, #tpu.memory_space<vmem>>, vector<1x16xf32>,
      %swap3A_184 = vector.shape_cast %swap3A_183 : vector<1x16xf32> to vector<16xf32>
      %swap3A_185 = vector.shape_cast %broadcast_in_dim3A_180 : vector<16xf32> to vector<1x16xf32>
      tpu.vector_store %arg10[%swap3A_181, %swap3A_182], %swap3A_185 {strides = array<i32>} : memref<128x128xf32, #tpu.memory_space<vmem>>, vector<1x16xf32>,
      %broadcast_in_dim3A_186 = arith.constant 0.000000e+00 : f32
      %broadcast_in_dim3A_187 = vector.broadcast %broadcast_in_dim3A_186 : f32 to vector<16xf32>
      %swap3A_188 = arith.index_cast %scan3A_138 : i32 to index
      %swap3A_189 = arith.constant 112 : index
      %swap3A_190 = tpu.vector_load %arg10[%swap3A_188, %swap3A_189] {strides = array<i32>} : memref<128x128xf32, #tpu.memory_space<vmem>>, vector<1x16xf32>,
      %swap3A_191 = vector.shape_cast %swap3A_190 : vector<1x16xf32> to vector<16xf32>
      %swap3A_192 = vector.shape_cast %broadcast_in_dim3A_187 : vector<16xf32> to vector<1x16xf32>
      tpu.vector_store %arg10[%swap3A_188, %swap3A_189], %swap3A_192 {strides = array<i32>} : memref<128x128xf32, #tpu.memory_space<vmem>>, vector<1x16xf32>,
    }
    %scan3A_5 = arith.constant 128 : i32
    %mul3A_6 = arith.constant 640 : i32
    %mul3A_7 = arith.muli %arg1, %mul3A_6 : i32
    %add3A_8 = arith.constant 0 : i32
    %add3A_9 = arith.addi %mul3A_7, %add3A_8 : i32
    %dma_start3A = arith.constant 0 : i32
    %dma_start3A_10 = tpu.memref_slice %arg11[%add3A_9, %dma_start3A] : memref<10240x128xf32, #tpu.memory_space<vmem_shared>> -> memref<128x128xf32, #tpu.memory_space<vmem_shared>>
    %dma_start3A_11 = arith.constant 0 : i32
    %dma_start3A_12 = tpu.memref_slice %arg11[%add3A_9, %dma_start3A_11] : memref<10240x128xf32, #tpu.memory_space<vmem_shared>> -> memref<128x128xf32, #tpu.memory_space<vmem_shared>>
    tpu.enqueue_dma source(%arg10 : memref<128x128xf32, #tpu.memory_space<vmem>>) target(%dma_start3A_12 : memref<128x128xf32, #tpu.memory_space<vmem_shared>>) target_semaphore(%arg12 : memref<!tpu.dma_semaphore, #tpu.memory_space<semaphore_mem>>)
    %dma_wait3A = arith.constant 0 : i32
    %dma_wait3A_13 = tpu.memref_slice %arg11[%add3A_9, %dma_wait3A] : memref<10240x128xf32, #tpu.memory_space<vmem_shared>> -> memref<128x128xf32, #tpu.memory_space<vmem_shared>>
    %dma_wait3A_14 = arith.constant 0 : i32
    %dma_wait3A_15 = tpu.memref_slice %arg11[%add3A_9, %dma_wait3A_14] : memref<10240x128xf32, #tpu.memory_space<vmem_shared>> -> memref<128x128xf32, #tpu.memory_space<vmem_shared>>
    tpu.wait_dma2 semaphore(%arg12 : memref<!tpu.dma_semaphore, #tpu.memory_space<semaphore_mem>>) src(%arg10 : memref<128x128xf32, #tpu.memory_space<vmem>>) dst(%dma_wait3A_15 : memref<128x128xf32, #tpu.memory_space<vmem_shared>>)
    %mul3A_16 = arith.constant 640 : i32
    %mul3A_17 = arith.muli %arg1, %mul3A_16 : i32
    %add3A_18 = arith.constant 128 : i32
    %add3A_19 = arith.addi %mul3A_17, %add3A_18 : i32
    %dma_start3A_20 = arith.constant 0 : i32
    %dma_start3A_21 = tpu.memref_slice %arg11[%add3A_19, %dma_start3A_20] : memref<10240x128xf32, #tpu.memory_space<vmem_shared>> -> memref<128x128xf32, #tpu.memory_space<vmem_shared>>
    %dma_start3A_22 = arith.constant 0 : i32
    %dma_start3A_23 = tpu.memref_slice %arg11[%add3A_19, %dma_start3A_22] : memref<10240x128xf32, #tpu.memory_space<vmem_shared>> -> memref<128x128xf32, #tpu.memory_space<vmem_shared>>
    tpu.enqueue_dma source(%arg10 : memref<128x128xf32, #tpu.memory_space<vmem>>) target(%dma_start3A_23 : memref<128x128xf32, #tpu.memory_space<vmem_shared>>) target_semaphore(%arg12 : memref<!tpu.dma_semaphore, #tpu.memory_space<semaphore_mem>>)
    %dma_wait3A_24 = arith.constant 0 : i32
    %dma_wait3A_25 = tpu.memref_slice %arg11[%add3A_19, %dma_wait3A_24] : memref<10240x128xf32, #tpu.memory_space<vmem_shared>> -> memref<128x128xf32, #tpu.memory_space<vmem_shared>>
    %dma_wait3A_26 = arith.constant 0 : i32
    %dma_wait3A_27 = tpu.memref_slice %arg11[%add3A_19, %dma_wait3A_26] : memref<10240x128xf32, #tpu.memory_space<vmem_shared>> -> memref<128x128xf32, #tpu.memory_space<vmem_shared>>
    tpu.wait_dma2 semaphore(%arg12 : memref<!tpu.dma_semaphore, #tpu.memory_space<semaphore_mem>>) src(%arg10 : memref<128x128xf32, #tpu.memory_space<vmem>>) dst(%dma_wait3A_27 : memref<128x128xf32, #tpu.memory_space<vmem_shared>>)
    %mul3A_28 = arith.constant 640 : i32
    %mul3A_29 = arith.muli %arg1, %mul3A_28 : i32
    %add3A_30 = arith.constant 256 : i32
    %add3A_31 = arith.addi %mul3A_29, %add3A_30 : i32
    %dma_start3A_32 = arith.constant 0 : i32
    %dma_start3A_33 = tpu.memref_slice %arg11[%add3A_31, %dma_start3A_32] : memref<10240x128xf32, #tpu.memory_space<vmem_shared>> -> memref<128x128xf32, #tpu.memory_space<vmem_shared>>
    %dma_start3A_34 = arith.constant 0 : i32
    %dma_start3A_35 = tpu.memref_slice %arg11[%add3A_31, %dma_start3A_34] : memref<10240x128xf32, #tpu.memory_space<vmem_shared>> -> memref<128x128xf32, #tpu.memory_space<vmem_shared>>
    tpu.enqueue_dma source(%arg10 : memref<128x128xf32, #tpu.memory_space<vmem>>) target(%dma_start3A_35 : memref<128x128xf32, #tpu.memory_space<vmem_shared>>) target_semaphore(%arg12 : memref<!tpu.dma_semaphore, #tpu.memory_space<semaphore_mem>>)
    %dma_wait3A_36 = arith.constant 0 : i32
    %dma_wait3A_37 = tpu.memref_slice %arg11[%add3A_31, %dma_wait3A_36] : memref<10240x128xf32, #tpu.memory_space<vmem_shared>> -> memref<128x128xf32, #tpu.memory_space<vmem_shared>>
    %dma_wait3A_38 = arith.constant 0 : i32
    %dma_wait3A_39 = tpu.memref_slice %arg11[%add3A_31, %dma_wait3A_38] : memref<10240x128xf32, #tpu.memory_space<vmem_shared>> -> memref<128x128xf32, #tpu.memory_space<vmem_shared>>
    tpu.wait_dma2 semaphore(%arg12 : memref<!tpu.dma_semaphore, #tpu.memory_space<semaphore_mem>>) src(%arg10 : memref<128x128xf32, #tpu.memory_space<vmem>>) dst(%dma_wait3A_39 : memref<128x128xf32, #tpu.memory_space<vmem_shared>>)
    %mul3A_40 = arith.constant 640 : i32
    %mul3A_41 = arith.muli %arg1, %mul3A_40 : i32
    %add3A_42 = arith.constant 384 : i32
    %add3A_43 = arith.addi %mul3A_41, %add3A_42 : i32
    %dma_start3A_44 = arith.constant 0 : i32
    %dma_start3A_45 = tpu.memref_slice %arg11[%add3A_43, %dma_start3A_44] : memref<10240x128xf32, #tpu.memory_space<vmem_shared>> -> memref<128x128xf32, #tpu.memory_space<vmem_shared>>
    %dma_start3A_46 = arith.constant 0 : i32
    %dma_start3A_47 = tpu.memref_slice %arg11[%add3A_43, %dma_start3A_46] : memref<10240x128xf32, #tpu.memory_space<vmem_shared>> -> memref<128x128xf32, #tpu.memory_space<vmem_shared>>
    tpu.enqueue_dma source(%arg10 : memref<128x128xf32, #tpu.memory_space<vmem>>) target(%dma_start3A_47 : memref<128x128xf32, #tpu.memory_space<vmem_shared>>) target_semaphore(%arg12 : memref<!tpu.dma_semaphore, #tpu.memory_space<semaphore_mem>>)
    %dma_wait3A_48 = arith.constant 0 : i32
    %dma_wait3A_49 = tpu.memref_slice %arg11[%add3A_43, %dma_wait3A_48] : memref<10240x128xf32, #tpu.memory_space<vmem_shared>> -> memref<128x128xf32, #tpu.memory_space<vmem_shared>>
    %dma_wait3A_50 = arith.constant 0 : i32
    %dma_wait3A_51 = tpu.memref_slice %arg11[%add3A_43, %dma_wait3A_50] : memref<10240x128xf32, #tpu.memory_space<vmem_shared>> -> memref<128x128xf32, #tpu.memory_space<vmem_shared>>
    tpu.wait_dma2 semaphore(%arg12 : memref<!tpu.dma_semaphore, #tpu.memory_space<semaphore_mem>>) src(%arg10 : memref<128x128xf32, #tpu.memory_space<vmem>>) dst(%dma_wait3A_51 : memref<128x128xf32, #tpu.memory_space<vmem_shared>>)
    %mul3A_52 = arith.constant 640 : i32
    %mul3A_53 = arith.muli %arg1, %mul3A_52 : i32
    %add3A_54 = arith.constant 512 : i32
    %add3A_55 = arith.addi %mul3A_53, %add3A_54 : i32
    %dma_start3A_56 = arith.constant 0 : i32
    %dma_start3A_57 = tpu.memref_slice %arg11[%add3A_55, %dma_start3A_56] : memref<10240x128xf32, #tpu.memory_space<vmem_shared>> -> memref<128x128xf32, #tpu.memory_space<vmem_shared>>
    %dma_start3A_58 = arith.constant 0 : i32
    %dma_start3A_59 = tpu.memref_slice %arg11[%add3A_55, %dma_start3A_58] : memref<10240x128xf32, #tpu.memory_space<vmem_shared>> -> memref<128x128xf32, #tpu.memory_space<vmem_shared>>
    tpu.enqueue_dma source(%arg10 : memref<128x128xf32, #tpu.memory_space<vmem>>) target(%dma_start3A_59 : memref<128x128xf32, #tpu.memory_space<vmem_shared>>) target_semaphore(%arg12 : memref<!tpu.dma_semaphore, #tpu.memory_space<semaphore_mem>>)
    %dma_wait3A_60 = arith.constant 0 : i32
    %dma_wait3A_61 = tpu.memref_slice %arg11[%add3A_55, %dma_wait3A_60] : memref<10240x128xf32, #tpu.memory_space<vmem_shared>> -> memref<128x128xf32, #tpu.memory_space<vmem_shared>>
    %dma_wait3A_62 = arith.constant 0 : i32
    %dma_wait3A_63 = tpu.memref_slice %arg11[%add3A_55, %dma_wait3A_62] : memref<10240x128xf32, #tpu.memory_space<vmem_shared>> -> memref<128x128xf32, #tpu.memory_space<vmem_shared>>
    tpu.wait_dma2 semaphore(%arg12 : memref<!tpu.dma_semaphore, #tpu.memory_space<semaphore_mem>>) src(%arg10 : memref<128x128xf32, #tpu.memory_space<vmem>>) dst(%dma_wait3A_63 : memref<128x128xf32, #tpu.memory_space<vmem_shared>>)
    %barrier3A = arith.constant 0 : index
    tpu.barrier barrier_id(%barrier3A)
    %lt3A = arith.constant 4 : i32
    %lt3A_64 = arith.cmpi slt, %add3A, %lt3A : i32
    %jit3A = arith.constant 1 : i32
    %jit3A_65 = arith.constant 0 : i32
    %select_n3A = arith.select %lt3A_64, %jit3A, %jit3A_65 : i32
    %add3A_66 = arith.constant 78 : i32
    %add3A_67 = arith.addi %add3A_66, %select_n3A : i32
    %while3A = arith.constant 0 : i32
    %while3A_68 = arith.constant 0 : i32
    %while3A_69 = arith.subi %add3A_67, %while3A_68 : i32
    %while3A_70 = arith.addi %while3A_68, %while3A_69 : i32
    %while3A_71 = arith.constant 1 : i32
    %while3A_72 = arith.divsi %while3A_69, %while3A_71 : i32
    %while3A_73 = arith.muli %while3A_72, %while3A_71 : i32
    %while3A_74 = arith.addi %while3A_68, %while3A_73 : i32
    %while3A_75 = arith.constant 1 : i32
    scf.for %while3A_138 = %while3A_68 to %while3A_74 step %while3A_75  : i32 {
      %mul3A_139 = arith.constant 32 : i32
      %mul3A_140 = arith.muli %mul3A_139, %while3A_138 : i32
      %add3A_141 = arith.addi %add3A, %mul3A_140 : i32
      %mul3A_142 = arith.constant 128 : i32
      %mul3A_143 = arith.muli %add3A_141, %mul3A_142 : i32
      "tpu.region"() ({
        %run_scoped3A = tpu.sem_alloc : memref<!tpu.dma_semaphore, #tpu.memory_space<semaphore_mem>>
        %dma_start3A_162 = tpu.memref_slice %arg3[%mul3A_143] : memref<320000xi32, #tpu.memory_space<hbm>> -> memref<128xi32, #tpu.memory_space<hbm>>
        %dma_start3A_163 = tpu.memref_slice %arg3[%mul3A_143] : memref<320000xi32, #tpu.memory_space<hbm>> -> memref<128xi32, #tpu.memory_space<hbm>>
        tpu.enqueue_dma source(%dma_start3A_163 : memref<128xi32, #tpu.memory_space<hbm>>) target(%arg7 : memref<128xi32, #tpu.memory_space<vmem>>) target_semaphore(%run_scoped3A : memref<!tpu.dma_semaphore, #tpu.memory_space<semaphore_mem>>)
        %dma_wait3A_164 = tpu.memref_slice %arg3[%mul3A_143] : memref<320000xi32, #tpu.memory_space<hbm>> -> memref<128xi32, #tpu.memory_space<hbm>>
        %dma_wait3A_165 = tpu.memref_slice %arg3[%mul3A_143] : memref<320000xi32, #tpu.memory_space<hbm>> -> memref<128xi32, #tpu.memory_space<hbm>>
        tpu.wait_dma2 semaphore(%run_scoped3A : memref<!tpu.dma_semaphore, #tpu.memory_space<semaphore_mem>>) src(%dma_wait3A_165 : memref<128xi32, #tpu.memory_space<hbm>>) dst(%arg7 : memref<128xi32, #tpu.memory_space<vmem>>)
        tpu.yield
      }) : () -> ()
      "tpu.region"() ({
        %run_scoped3A = tpu.sem_alloc : memref<!tpu.dma_semaphore, #tpu.memory_space<semaphore_mem>>
        %dma_start3A_162 = tpu.memref_slice %arg4[%mul3A_143] : memref<320000xi32, #tpu.memory_space<hbm>> -> memref<128xi32, #tpu.memory_space<hbm>>
        %dma_start3A_163 = tpu.memref_slice %arg4[%mul3A_143] : memref<320000xi32, #tpu.memory_space<hbm>> -> memref<128xi32, #tpu.memory_space<hbm>>
        tpu.enqueue_dma source(%dma_start3A_163 : memref<128xi32, #tpu.memory_space<hbm>>) target(%arg8 : memref<128xi32, #tpu.memory_space<vmem>>) target_semaphore(%run_scoped3A : memref<!tpu.dma_semaphore, #tpu.memory_space<semaphore_mem>>)
        %dma_wait3A_164 = tpu.memref_slice %arg4[%mul3A_143] : memref<320000xi32, #tpu.memory_space<hbm>> -> memref<128xi32, #tpu.memory_space<hbm>>
        %dma_wait3A_165 = tpu.memref_slice %arg4[%mul3A_143] : memref<320000xi32, #tpu.memory_space<hbm>> -> memref<128xi32, #tpu.memory_space<hbm>>
        tpu.wait_dma2 semaphore(%run_scoped3A : memref<!tpu.dma_semaphore, #tpu.memory_space<semaphore_mem>>) src(%dma_wait3A_165 : memref<128xi32, #tpu.memory_space<hbm>>) dst(%arg8 : memref<128xi32, #tpu.memory_space<vmem>>)
        tpu.yield
      }) : () -> ()
      "tpu.region"() ({
        %run_scoped3A = tpu.sem_alloc : memref<!tpu.dma_semaphore, #tpu.memory_space<semaphore_mem>>
        %dma_start3A_162 = arith.constant 0 : i32
        %dma_start3A_163 = tpu.memref_slice %arg5[%mul3A_143, %dma_start3A_162] : memref<320000x16xf32, #tpu.memory_space<hbm>> -> memref<128x16xf32, #tpu.memory_space<hbm>>
        %dma_start3A_164 = arith.constant 0 : i32
        %dma_start3A_165 = tpu.memref_slice %arg5[%mul3A_143, %dma_start3A_164] : memref<320000x16xf32, #tpu.memory_space<hbm>> -> memref<128x16xf32, #tpu.memory_space<hbm>>
        tpu.enqueue_dma source(%dma_start3A_165 : memref<128x16xf32, #tpu.memory_space<hbm>>) target(%arg9 : memref<128x16xf32, #tpu.memory_space<vmem>>) target_semaphore(%run_scoped3A : memref<!tpu.dma_semaphore, #tpu.memory_space<semaphore_mem>>)
        %dma_wait3A_166 = arith.constant 0 : i32
        %dma_wait3A_167 = tpu.memref_slice %arg5[%mul3A_143, %dma_wait3A_166] : memref<320000x16xf32, #tpu.memory_space<hbm>> -> memref<128x16xf32, #tpu.memory_space<hbm>>
        %dma_wait3A_168 = arith.constant 0 : i32
        %dma_wait3A_169 = tpu.memref_slice %arg5[%mul3A_143, %dma_wait3A_168] : memref<320000x16xf32, #tpu.memory_space<hbm>> -> memref<128x16xf32, #tpu.memory_space<hbm>>
        tpu.wait_dma2 semaphore(%run_scoped3A : memref<!tpu.dma_semaphore, #tpu.memory_space<semaphore_mem>>) src(%dma_wait3A_169 : memref<128x16xf32, #tpu.memory_space<hbm>>) dst(%arg9 : memref<128x16xf32, #tpu.memory_space<vmem>>)
        tpu.yield
      }) : () -> ()
      %dma_start3A_144 = arith.constant 0 : i32
      %dma_start3A_145 = arith.constant 0 : i32
      %dma_start3A_146 = tpu.memref_slice %arg2[%dma_start3A_144, %dma_start3A_145] : memref<10000x128xf32, #tpu.memory_space<hbm>> -> memref<10000x128xf32, #tpu.memory_space<hbm>>
      tpu.enqueue_indirect_dma source(%dma_start3A_146 : memref<10000x128xf32, #tpu.memory_space<hbm>>) target(%arg10 : memref<128x128xf32, #tpu.memory_space<vmem>>) offsets(%arg7 : memref<128xi32, #tpu.memory_space<vmem>>) semaphore(%arg12 : memref<!tpu.dma_semaphore, #tpu.memory_space<semaphore_mem>>)
      %dma_wait3A_147 = arith.constant 0 : i32
      %dma_wait3A_148 = arith.constant 0 : i32
      %dma_wait3A_149 = tpu.memref_slice %arg2[%dma_wait3A_147, %dma_wait3A_148] : memref<10000x128xf32, #tpu.memory_space<hbm>> -> memref<10000x128xf32, #tpu.memory_space<hbm>>
      tpu.wait_indirect_dma semaphore(%arg12 : memref<!tpu.dma_semaphore, #tpu.memory_space<semaphore_mem>>) src(%dma_wait3A_149 : memref<10000x128xf32, #tpu.memory_space<hbm>>) dst(%arg10 : memref<128x128xf32, #tpu.memory_space<vmem>>)
      %scan3A_150 = arith.constant 0 : i32
      %scan3A_151 = arith.constant 0 : i32
      %scan3A_152 = arith.constant 128 : i32
      %scan3A_153 = arith.addi %scan3A_151, %scan3A_152 : i32
      %scan3A_154 = arith.constant 1 : i32
      scf.for %scan3A_162 = %scan3A_151 to %scan3A_153 step %scan3A_154  : i32 {
        %get3A = arith.index_cast %scan3A_162 : i32 to index
        %get3A_163 = arith.constant 0 : index
        %get3A_164 = tpu.vector_load %arg9[%get3A, %get3A_163] {strides = array<i32>} : memref<128x16xf32, #tpu.memory_space<vmem>>, vector<1x16xf32>,
        %get3A_165 = vector.shape_cast %get3A_164 : vector<1x16xf32> to vector<16xf32>
        %get3A_166 = arith.index_cast %scan3A_162 : i32 to index
        %get3A_167 = arith.constant 0 : index
        %get3A_168 = tpu.vector_load %arg10[%get3A_166, %get3A_167] {strides = array<i32>} : memref<128x128xf32, #tpu.memory_space<vmem>>, vector<1x16xf32>,
        %get3A_169 = vector.shape_cast %get3A_168 : vector<1x16xf32> to vector<16xf32>
        %mul3A_170 = arith.mulf %get3A_169, %get3A_165 : vector<16xf32>
        %swap3A = arith.index_cast %scan3A_162 : i32 to index
        %swap3A_171 = arith.constant 0 : index
        %swap3A_172 = tpu.vector_load %arg10[%swap3A, %swap3A_171] {strides = array<i32>} : memref<128x128xf32, #tpu.memory_space<vmem>>, vector<1x16xf32>,
        %swap3A_173 = vector.shape_cast %swap3A_172 : vector<1x16xf32> to vector<16xf32>
        %swap3A_174 = vector.shape_cast %mul3A_170 : vector<16xf32> to vector<1x16xf32>
        tpu.vector_store %arg10[%swap3A, %swap3A_171], %swap3A_174 {strides = array<i32>} : memref<128x128xf32, #tpu.memory_space<vmem>>, vector<1x16xf32>,
        %get3A_175 = arith.index_cast %scan3A_162 : i32 to index
        %get3A_176 = arith.constant 16 : index
        %get3A_177 = tpu.vector_load %arg10[%get3A_175, %get3A_176] {strides = array<i32>} : memref<128x128xf32, #tpu.memory_space<vmem>>, vector<1x16xf32>,
        %get3A_178 = vector.shape_cast %get3A_177 : vector<1x16xf32> to vector<16xf32>
        %mul3A_179 = arith.mulf %get3A_178, %get3A_165 : vector<16xf32>
        %swap3A_180 = arith.index_cast %scan3A_162 : i32 to index
        %swap3A_181 = arith.constant 16 : index
        %swap3A_182 = tpu.vector_load %arg10[%swap3A_180, %swap3A_181] {strides = array<i32>} : memref<128x128xf32, #tpu.memory_space<vmem>>, vector<1x16xf32>,
        %swap3A_183 = vector.shape_cast %swap3A_182 : vector<1x16xf32> to vector<16xf32>
        %swap3A_184 = vector.shape_cast %mul3A_179 : vector<16xf32> to vector<1x16xf32>
        tpu.vector_store %arg10[%swap3A_180, %swap3A_181], %swap3A_184 {strides = array<i32>} : memref<128x128xf32, #tpu.memory_space<vmem>>, vector<1x16xf32>,
        %get3A_185 = arith.index_cast %scan3A_162 : i32 to index
        %get3A_186 = arith.constant 32 : index
        %get3A_187 = tpu.vector_load %arg10[%get3A_185, %get3A_186] {strides = array<i32>} : memref<128x128xf32, #tpu.memory_space<vmem>>, vector<1x16xf32>,
        %get3A_188 = vector.shape_cast %get3A_187 : vector<1x16xf32> to vector<16xf32>
        %mul3A_189 = arith.mulf %get3A_188, %get3A_165 : vector<16xf32>
        %swap3A_190 = arith.index_cast %scan3A_162 : i32 to index
        %swap3A_191 = arith.constant 32 : index
        %swap3A_192 = tpu.vector_load %arg10[%swap3A_190, %swap3A_191] {strides = array<i32>} : memref<128x128xf32, #tpu.memory_space<vmem>>, vector<1x16xf32>,
        %swap3A_193 = vector.shape_cast %swap3A_192 : vector<1x16xf32> to vector<16xf32>
        %swap3A_194 = vector.shape_cast %mul3A_189 : vector<16xf32> to vector<1x16xf32>
        tpu.vector_store %arg10[%swap3A_190, %swap3A_191], %swap3A_194 {strides = array<i32>} : memref<128x128xf32, #tpu.memory_space<vmem>>, vector<1x16xf32>,
        %get3A_195 = arith.index_cast %scan3A_162 : i32 to index
        %get3A_196 = arith.constant 48 : index
        %get3A_197 = tpu.vector_load %arg10[%get3A_195, %get3A_196] {strides = array<i32>} : memref<128x128xf32, #tpu.memory_space<vmem>>, vector<1x16xf32>,
        %get3A_198 = vector.shape_cast %get3A_197 : vector<1x16xf32> to vector<16xf32>
        %mul3A_199 = arith.mulf %get3A_198, %get3A_165 : vector<16xf32>
        %swap3A_200 = arith.index_cast %scan3A_162 : i32 to index
        %swap3A_201 = arith.constant 48 : index
        %swap3A_202 = tpu.vector_load %arg10[%swap3A_200, %swap3A_201] {strides = array<i32>} : memref<128x128xf32, #tpu.memory_space<vmem>>, vector<1x16xf32>,
        %swap3A_203 = vector.shape_cast %swap3A_202 : vector<1x16xf32> to vector<16xf32>
        %swap3A_204 = vector.shape_cast %mul3A_199 : vector<16xf32> to vector<1x16xf32>
        tpu.vector_store %arg10[%swap3A_200, %swap3A_201], %swap3A_204 {strides = array<i32>} : memref<128x128xf32, #tpu.memory_space<vmem>>, vector<1x16xf32>,
        %get3A_205 = arith.index_cast %scan3A_162 : i32 to index
        %get3A_206 = arith.constant 64 : index
        %get3A_207 = tpu.vector_load %arg10[%get3A_205, %get3A_206] {strides = array<i32>} : memref<128x128xf32, #tpu.memory_space<vmem>>, vector<1x16xf32>,
        %get3A_208 = vector.shape_cast %get3A_207 : vector<1x16xf32> to vector<16xf32>
        %mul3A_209 = arith.mulf %get3A_208, %get3A_165 : vector<16xf32>
        %swap3A_210 = arith.index_cast %scan3A_162 : i32 to index
        %swap3A_211 = arith.constant 64 : index
        %swap3A_212 = tpu.vector_load %arg10[%swap3A_210, %swap3A_211] {strides = array<i32>} : memref<128x128xf32, #tpu.memory_space<vmem>>, vector<1x16xf32>,
        %swap3A_213 = vector.shape_cast %swap3A_212 : vector<1x16xf32> to vector<16xf32>
        %swap3A_214 = vector.shape_cast %mul3A_209 : vector<16xf32> to vector<1x16xf32>
        tpu.vector_store %arg10[%swap3A_210, %swap3A_211], %swap3A_214 {strides = array<i32>} : memref<128x128xf32, #tpu.memory_space<vmem>>, vector<1x16xf32>,
        %get3A_215 = arith.index_cast %scan3A_162 : i32 to index
        %get3A_216 = arith.constant 80 : index
        %get3A_217 = tpu.vector_load %arg10[%get3A_215, %get3A_216] {strides = array<i32>} : memref<128x128xf32, #tpu.memory_space<vmem>>, vector<1x16xf32>,
        %get3A_218 = vector.shape_cast %get3A_217 : vector<1x16xf32> to vector<16xf32>
        %mul3A_219 = arith.mulf %get3A_218, %get3A_165 : vector<16xf32>
        %swap3A_220 = arith.index_cast %scan3A_162 : i32 to index
        %swap3A_221 = arith.constant 80 : index
        %swap3A_222 = tpu.vector_load %arg10[%swap3A_220, %swap3A_221] {strides = array<i32>} : memref<128x128xf32, #tpu.memory_space<vmem>>, vector<1x16xf32>,
        %swap3A_223 = vector.shape_cast %swap3A_222 : vector<1x16xf32> to vector<16xf32>
        %swap3A_224 = vector.shape_cast %mul3A_219 : vector<16xf32> to vector<1x16xf32>
        tpu.vector_store %arg10[%swap3A_220, %swap3A_221], %swap3A_224 {strides = array<i32>} : memref<128x128xf32, #tpu.memory_space<vmem>>, vector<1x16xf32>,
        %get3A_225 = arith.index_cast %scan3A_162 : i32 to index
        %get3A_226 = arith.constant 96 : index
        %get3A_227 = tpu.vector_load %arg10[%get3A_225, %get3A_226] {strides = array<i32>} : memref<128x128xf32, #tpu.memory_space<vmem>>, vector<1x16xf32>,
        %get3A_228 = vector.shape_cast %get3A_227 : vector<1x16xf32> to vector<16xf32>
        %mul3A_229 = arith.mulf %get3A_228, %get3A_165 : vector<16xf32>
        %swap3A_230 = arith.index_cast %scan3A_162 : i32 to index
        %swap3A_231 = arith.constant 96 : index
        %swap3A_232 = tpu.vector_load %arg10[%swap3A_230, %swap3A_231] {strides = array<i32>} : memref<128x128xf32, #tpu.memory_space<vmem>>, vector<1x16xf32>,
        %swap3A_233 = vector.shape_cast %swap3A_232 : vector<1x16xf32> to vector<16xf32>
        %swap3A_234 = vector.shape_cast %mul3A_229 : vector<16xf32> to vector<1x16xf32>
        tpu.vector_store %arg10[%swap3A_230, %swap3A_231], %swap3A_234 {strides = array<i32>} : memref<128x128xf32, #tpu.memory_space<vmem>>, vector<1x16xf32>,
        %get3A_235 = arith.index_cast %scan3A_162 : i32 to index
        %get3A_236 = arith.constant 112 : index
        %get3A_237 = tpu.vector_load %arg10[%get3A_235, %get3A_236] {strides = array<i32>} : memref<128x128xf32, #tpu.memory_space<vmem>>, vector<1x16xf32>,
        %get3A_238 = vector.shape_cast %get3A_237 : vector<1x16xf32> to vector<16xf32>
        %mul3A_239 = arith.mulf %get3A_238, %get3A_165 : vector<16xf32>
        %swap3A_240 = arith.index_cast %scan3A_162 : i32 to index
        %swap3A_241 = arith.constant 112 : index
        %swap3A_242 = tpu.vector_load %arg10[%swap3A_240, %swap3A_241] {strides = array<i32>} : memref<128x128xf32, #tpu.memory_space<vmem>>, vector<1x16xf32>,
        %swap3A_243 = vector.shape_cast %swap3A_242 : vector<1x16xf32> to vector<16xf32>
        %swap3A_244 = vector.shape_cast %mul3A_239 : vector<16xf32> to vector<1x16xf32>
        tpu.vector_store %arg10[%swap3A_240, %swap3A_241], %swap3A_244 {strides = array<i32>} : memref<128x128xf32, #tpu.memory_space<vmem>>, vector<1x16xf32>,
      }
      %scan3A_155 = arith.constant 128 : i32
      %dma_start3A_156 = arith.constant 0 : i32
      %dma_start3A_157 = arith.constant 0 : i32
      %dma_start3A_158 = tpu.memref_slice %arg11[%dma_start3A_156, %dma_start3A_157] : memref<10240x128xf32, #tpu.memory_space<vmem_shared>> -> memref<10240x128xf32, #tpu.memory_space<vmem_shared>>
      tpu.enqueue_indirect_dma source(%arg10 : memref<128x128xf32, #tpu.memory_space<vmem>>) target(%dma_start3A_158 : memref<10240x128xf32, #tpu.memory_space<vmem_shared>>) offsets(%arg8 : memref<128xi32, #tpu.memory_space<vmem>>) semaphore(%arg12 : memref<!tpu.dma_semaphore, #tpu.memory_space<semaphore_mem>>) {add = true}
      %dma_wait3A_159 = arith.constant 0 : i32
      %dma_wait3A_160 = arith.constant 0 : i32
      %dma_wait3A_161 = tpu.memref_slice %arg11[%dma_wait3A_159, %dma_wait3A_160] : memref<10240x128xf32, #tpu.memory_space<vmem_shared>> -> memref<10240x128xf32, #tpu.memory_space<vmem_shared>>
      tpu.wait_indirect_dma semaphore(%arg12 : memref<!tpu.dma_semaphore, #tpu.memory_space<semaphore_mem>>) src(%arg10 : memref<128x128xf32, #tpu.memory_space<vmem>>) dst(%dma_wait3A_161 : memref<10240x128xf32, #tpu.memory_space<vmem_shared>>)
    }
    %while3A_76 = arith.constant 1 : i32
    scf.for %while3A_138 = %while3A_74 to %while3A_70 step %while3A_76  : i32 {
      %mul3A_139 = arith.constant 32 : i32
      %mul3A_140 = arith.muli %mul3A_139, %while3A_138 : i32
      %add3A_141 = arith.addi %add3A, %mul3A_140 : i32
      %mul3A_142 = arith.constant 128 : i32
      %mul3A_143 = arith.muli %add3A_141, %mul3A_142 : i32
      "tpu.region"() ({
        %run_scoped3A = tpu.sem_alloc : memref<!tpu.dma_semaphore, #tpu.memory_space<semaphore_mem>>
        %dma_start3A_162 = tpu.memref_slice %arg3[%mul3A_143] : memref<320000xi32, #tpu.memory_space<hbm>> -> memref<128xi32, #tpu.memory_space<hbm>>
        %dma_start3A_163 = tpu.memref_slice %arg3[%mul3A_143] : memref<320000xi32, #tpu.memory_space<hbm>> -> memref<128xi32, #tpu.memory_space<hbm>>
        tpu.enqueue_dma source(%dma_start3A_163 : memref<128xi32, #tpu.memory_space<hbm>>) target(%arg7 : memref<128xi32, #tpu.memory_space<vmem>>) target_semaphore(%run_scoped3A : memref<!tpu.dma_semaphore, #tpu.memory_space<semaphore_mem>>)
        %dma_wait3A_164 = tpu.memref_slice %arg3[%mul3A_143] : memref<320000xi32, #tpu.memory_space<hbm>> -> memref<128xi32, #tpu.memory_space<hbm>>
        %dma_wait3A_165 = tpu.memref_slice %arg3[%mul3A_143] : memref<320000xi32, #tpu.memory_space<hbm>> -> memref<128xi32, #tpu.memory_space<hbm>>
        tpu.wait_dma2 semaphore(%run_scoped3A : memref<!tpu.dma_semaphore, #tpu.memory_space<semaphore_mem>>) src(%dma_wait3A_165 : memref<128xi32, #tpu.memory_space<hbm>>) dst(%arg7 : memref<128xi32, #tpu.memory_space<vmem>>)
        tpu.yield
      }) : () -> ()
      "tpu.region"() ({
        %run_scoped3A = tpu.sem_alloc : memref<!tpu.dma_semaphore, #tpu.memory_space<semaphore_mem>>
        %dma_start3A_162 = tpu.memref_slice %arg4[%mul3A_143] : memref<320000xi32, #tpu.memory_space<hbm>> -> memref<128xi32, #tpu.memory_space<hbm>>
        %dma_start3A_163 = tpu.memref_slice %arg4[%mul3A_143] : memref<320000xi32, #tpu.memory_space<hbm>> -> memref<128xi32, #tpu.memory_space<hbm>>
        tpu.enqueue_dma source(%dma_start3A_163 : memref<128xi32, #tpu.memory_space<hbm>>) target(%arg8 : memref<128xi32, #tpu.memory_space<vmem>>) target_semaphore(%run_scoped3A : memref<!tpu.dma_semaphore, #tpu.memory_space<semaphore_mem>>)
        %dma_wait3A_164 = tpu.memref_slice %arg4[%mul3A_143] : memref<320000xi32, #tpu.memory_space<hbm>> -> memref<128xi32, #tpu.memory_space<hbm>>
        %dma_wait3A_165 = tpu.memref_slice %arg4[%mul3A_143] : memref<320000xi32, #tpu.memory_space<hbm>> -> memref<128xi32, #tpu.memory_space<hbm>>
        tpu.wait_dma2 semaphore(%run_scoped3A : memref<!tpu.dma_semaphore, #tpu.memory_space<semaphore_mem>>) src(%dma_wait3A_165 : memref<128xi32, #tpu.memory_space<hbm>>) dst(%arg8 : memref<128xi32, #tpu.memory_space<vmem>>)
        tpu.yield
      }) : () -> ()
      "tpu.region"() ({
        %run_scoped3A = tpu.sem_alloc : memref<!tpu.dma_semaphore, #tpu.memory_space<semaphore_mem>>
        %dma_start3A_162 = arith.constant 0 : i32
        %dma_start3A_163 = tpu.memref_slice %arg5[%mul3A_143, %dma_start3A_162] : memref<320000x16xf32, #tpu.memory_space<hbm>> -> memref<128x16xf32, #tpu.memory_space<hbm>>
        %dma_start3A_164 = arith.constant 0 : i32
        %dma_start3A_165 = tpu.memref_slice %arg5[%mul3A_143, %dma_start3A_164] : memref<320000x16xf32, #tpu.memory_space<hbm>> -> memref<128x16xf32, #tpu.memory_space<hbm>>
        tpu.enqueue_dma source(%dma_start3A_165 : memref<128x16xf32, #tpu.memory_space<hbm>>) target(%arg9 : memref<128x16xf32, #tpu.memory_space<vmem>>) target_semaphore(%run_scoped3A : memref<!tpu.dma_semaphore, #tpu.memory_space<semaphore_mem>>)
        %dma_wait3A_166 = arith.constant 0 : i32
        %dma_wait3A_167 = tpu.memref_slice %arg5[%mul3A_143, %dma_wait3A_166] : memref<320000x16xf32, #tpu.memory_space<hbm>> -> memref<128x16xf32, #tpu.memory_space<hbm>>
        %dma_wait3A_168 = arith.constant 0 : i32
        %dma_wait3A_169 = tpu.memref_slice %arg5[%mul3A_143, %dma_wait3A_168] : memref<320000x16xf32, #tpu.memory_space<hbm>> -> memref<128x16xf32, #tpu.memory_space<hbm>>
        tpu.wait_dma2 semaphore(%run_scoped3A : memref<!tpu.dma_semaphore, #tpu.memory_space<semaphore_mem>>) src(%dma_wait3A_169 : memref<128x16xf32, #tpu.memory_space<hbm>>) dst(%arg9 : memref<128x16xf32, #tpu.memory_space<vmem>>)
        tpu.yield
      }) : () -> ()
      %dma_start3A_144 = arith.constant 0 : i32
      %dma_start3A_145 = arith.constant 0 : i32
      %dma_start3A_146 = tpu.memref_slice %arg2[%dma_start3A_144, %dma_start3A_145] : memref<10000x128xf32, #tpu.memory_space<hbm>> -> memref<10000x128xf32, #tpu.memory_space<hbm>>
      tpu.enqueue_indirect_dma source(%dma_start3A_146 : memref<10000x128xf32, #tpu.memory_space<hbm>>) target(%arg10 : memref<128x128xf32, #tpu.memory_space<vmem>>) offsets(%arg7 : memref<128xi32, #tpu.memory_space<vmem>>) semaphore(%arg12 : memref<!tpu.dma_semaphore, #tpu.memory_space<semaphore_mem>>)
      %dma_wait3A_147 = arith.constant 0 : i32
      %dma_wait3A_148 = arith.constant 0 : i32
      %dma_wait3A_149 = tpu.memref_slice %arg2[%dma_wait3A_147, %dma_wait3A_148] : memref<10000x128xf32, #tpu.memory_space<hbm>> -> memref<10000x128xf32, #tpu.memory_space<hbm>>
      tpu.wait_indirect_dma semaphore(%arg12 : memref<!tpu.dma_semaphore, #tpu.memory_space<semaphore_mem>>) src(%dma_wait3A_149 : memref<10000x128xf32, #tpu.memory_space<hbm>>) dst(%arg10 : memref<128x128xf32, #tpu.memory_space<vmem>>)
      %scan3A_150 = arith.constant 0 : i32
      %scan3A_151 = arith.constant 0 : i32
      %scan3A_152 = arith.constant 128 : i32
      %scan3A_153 = arith.addi %scan3A_151, %scan3A_152 : i32
      %scan3A_154 = arith.constant 1 : i32
      scf.for %scan3A_162 = %scan3A_151 to %scan3A_153 step %scan3A_154  : i32 {
        %get3A = arith.index_cast %scan3A_162 : i32 to index
        %get3A_163 = arith.constant 0 : index
        %get3A_164 = tpu.vector_load %arg9[%get3A, %get3A_163] {strides = array<i32>} : memref<128x16xf32, #tpu.memory_space<vmem>>, vector<1x16xf32>,
        %get3A_165 = vector.shape_cast %get3A_164 : vector<1x16xf32> to vector<16xf32>
        %get3A_166 = arith.index_cast %scan3A_162 : i32 to index
        %get3A_167 = arith.constant 0 : index
        %get3A_168 = tpu.vector_load %arg10[%get3A_166, %get3A_167] {strides = array<i32>} : memref<128x128xf32, #tpu.memory_space<vmem>>, vector<1x16xf32>,
        %get3A_169 = vector.shape_cast %get3A_168 : vector<1x16xf32> to vector<16xf32>
        %mul3A_170 = arith.mulf %get3A_169, %get3A_165 : vector<16xf32>
        %swap3A = arith.index_cast %scan3A_162 : i32 to index
        %swap3A_171 = arith.constant 0 : index
        %swap3A_172 = tpu.vector_load %arg10[%swap3A, %swap3A_171] {strides = array<i32>} : memref<128x128xf32, #tpu.memory_space<vmem>>, vector<1x16xf32>,
        %swap3A_173 = vector.shape_cast %swap3A_172 : vector<1x16xf32> to vector<16xf32>
        %swap3A_174 = vector.shape_cast %mul3A_170 : vector<16xf32> to vector<1x16xf32>
        tpu.vector_store %arg10[%swap3A, %swap3A_171], %swap3A_174 {strides = array<i32>} : memref<128x128xf32, #tpu.memory_space<vmem>>, vector<1x16xf32>,
        %get3A_175 = arith.index_cast %scan3A_162 : i32 to index
        %get3A_176 = arith.constant 16 : index
        %get3A_177 = tpu.vector_load %arg10[%get3A_175, %get3A_176] {strides = array<i32>} : memref<128x128xf32, #tpu.memory_space<vmem>>, vector<1x16xf32>,
        %get3A_178 = vector.shape_cast %get3A_177 : vector<1x16xf32> to vector<16xf32>
        %mul3A_179 = arith.mulf %get3A_178, %get3A_165 : vector<16xf32>
        %swap3A_180 = arith.index_cast %scan3A_162 : i32 to index
        %swap3A_181 = arith.constant 16 : index
        %swap3A_182 = tpu.vector_load %arg10[%swap3A_180, %swap3A_181] {strides = array<i32>} : memref<128x128xf32, #tpu.memory_space<vmem>>, vector<1x16xf32>,
        %swap3A_183 = vector.shape_cast %swap3A_182 : vector<1x16xf32> to vector<16xf32>
        %swap3A_184 = vector.shape_cast %mul3A_179 : vector<16xf32> to vector<1x16xf32>
        tpu.vector_store %arg10[%swap3A_180, %swap3A_181], %swap3A_184 {strides = array<i32>} : memref<128x128xf32, #tpu.memory_space<vmem>>, vector<1x16xf32>,
        %get3A_185 = arith.index_cast %scan3A_162 : i32 to index
        %get3A_186 = arith.constant 32 : index
        %get3A_187 = tpu.vector_load %arg10[%get3A_185, %get3A_186] {strides = array<i32>} : memref<128x128xf32, #tpu.memory_space<vmem>>, vector<1x16xf32>,
        %get3A_188 = vector.shape_cast %get3A_187 : vector<1x16xf32> to vector<16xf32>
        %mul3A_189 = arith.mulf %get3A_188, %get3A_165 : vector<16xf32>
        %swap3A_190 = arith.index_cast %scan3A_162 : i32 to index
        %swap3A_191 = arith.constant 32 : index
        %swap3A_192 = tpu.vector_load %arg10[%swap3A_190, %swap3A_191] {strides = array<i32>} : memref<128x128xf32, #tpu.memory_space<vmem>>, vector<1x16xf32>,
        %swap3A_193 = vector.shape_cast %swap3A_192 : vector<1x16xf32> to vector<16xf32>
        %swap3A_194 = vector.shape_cast %mul3A_189 : vector<16xf32> to vector<1x16xf32>
        tpu.vector_store %arg10[%swap3A_190, %swap3A_191], %swap3A_194 {strides = array<i32>} : memref<128x128xf32, #tpu.memory_space<vmem>>, vector<1x16xf32>,
        %get3A_195 = arith.index_cast %scan3A_162 : i32 to index
        %get3A_196 = arith.constant 48 : index
        %get3A_197 = tpu.vector_load %arg10[%get3A_195, %get3A_196] {strides = array<i32>} : memref<128x128xf32, #tpu.memory_space<vmem>>, vector<1x16xf32>,
        %get3A_198 = vector.shape_cast %get3A_197 : vector<1x16xf32> to vector<16xf32>
        %mul3A_199 = arith.mulf %get3A_198, %get3A_165 : vector<16xf32>
        %swap3A_200 = arith.index_cast %scan3A_162 : i32 to index
        %swap3A_201 = arith.constant 48 : index
        %swap3A_202 = tpu.vector_load %arg10[%swap3A_200, %swap3A_201] {strides = array<i32>} : memref<128x128xf32, #tpu.memory_space<vmem>>, vector<1x16xf32>,
        %swap3A_203 = vector.shape_cast %swap3A_202 : vector<1x16xf32> to vector<16xf32>
        %swap3A_204 = vector.shape_cast %mul3A_199 : vector<16xf32> to vector<1x16xf32>
        tpu.vector_store %arg10[%swap3A_200, %swap3A_201], %swap3A_204 {strides = array<i32>} : memref<128x128xf32, #tpu.memory_space<vmem>>, vector<1x16xf32>,
        %get3A_205 = arith.index_cast %scan3A_162 : i32 to index
        %get3A_206 = arith.constant 64 : index
        %get3A_207 = tpu.vector_load %arg10[%get3A_205, %get3A_206] {strides = array<i32>} : memref<128x128xf32, #tpu.memory_space<vmem>>, vector<1x16xf32>,
        %get3A_208 = vector.shape_cast %get3A_207 : vector<1x16xf32> to vector<16xf32>
        %mul3A_209 = arith.mulf %get3A_208, %get3A_165 : vector<16xf32>
        %swap3A_210 = arith.index_cast %scan3A_162 : i32 to index
        %swap3A_211 = arith.constant 64 : index
        %swap3A_212 = tpu.vector_load %arg10[%swap3A_210, %swap3A_211] {strides = array<i32>} : memref<128x128xf32, #tpu.memory_space<vmem>>, vector<1x16xf32>,
        %swap3A_213 = vector.shape_cast %swap3A_212 : vector<1x16xf32> to vector<16xf32>
        %swap3A_214 = vector.shape_cast %mul3A_209 : vector<16xf32> to vector<1x16xf32>
        tpu.vector_store %arg10[%swap3A_210, %swap3A_211], %swap3A_214 {strides = array<i32>} : memref<128x128xf32, #tpu.memory_space<vmem>>, vector<1x16xf32>,
        %get3A_215 = arith.index_cast %scan3A_162 : i32 to index
        %get3A_216 = arith.constant 80 : index
        %get3A_217 = tpu.vector_load %arg10[%get3A_215, %get3A_216] {strides = array<i32>} : memref<128x128xf32, #tpu.memory_space<vmem>>, vector<1x16xf32>,
        %get3A_218 = vector.shape_cast %get3A_217 : vector<1x16xf32> to vector<16xf32>
        %mul3A_219 = arith.mulf %get3A_218, %get3A_165 : vector<16xf32>
        %swap3A_220 = arith.index_cast %scan3A_162 : i32 to index
        %swap3A_221 = arith.constant 80 : index
        %swap3A_222 = tpu.vector_load %arg10[%swap3A_220, %swap3A_221] {strides = array<i32>} : memref<128x128xf32, #tpu.memory_space<vmem>>, vector<1x16xf32>,
        %swap3A_223 = vector.shape_cast %swap3A_222 : vector<1x16xf32> to vector<16xf32>
        %swap3A_224 = vector.shape_cast %mul3A_219 : vector<16xf32> to vector<1x16xf32>
        tpu.vector_store %arg10[%swap3A_220, %swap3A_221], %swap3A_224 {strides = array<i32>} : memref<128x128xf32, #tpu.memory_space<vmem>>, vector<1x16xf32>,
        %get3A_225 = arith.index_cast %scan3A_162 : i32 to index
        %get3A_226 = arith.constant 96 : index
        %get3A_227 = tpu.vector_load %arg10[%get3A_225, %get3A_226] {strides = array<i32>} : memref<128x128xf32, #tpu.memory_space<vmem>>, vector<1x16xf32>,
        %get3A_228 = vector.shape_cast %get3A_227 : vector<1x16xf32> to vector<16xf32>
        %mul3A_229 = arith.mulf %get3A_228, %get3A_165 : vector<16xf32>
        %swap3A_230 = arith.index_cast %scan3A_162 : i32 to index
        %swap3A_231 = arith.constant 96 : index
        %swap3A_232 = tpu.vector_load %arg10[%swap3A_230, %swap3A_231] {strides = array<i32>} : memref<128x128xf32, #tpu.memory_space<vmem>>, vector<1x16xf32>,
        %swap3A_233 = vector.shape_cast %swap3A_232 : vector<1x16xf32> to vector<16xf32>
        %swap3A_234 = vector.shape_cast %mul3A_229 : vector<16xf32> to vector<1x16xf32>
        tpu.vector_store %arg10[%swap3A_230, %swap3A_231], %swap3A_234 {strides = array<i32>} : memref<128x128xf32, #tpu.memory_space<vmem>>, vector<1x16xf32>,
        %get3A_235 = arith.index_cast %scan3A_162 : i32 to index
        %get3A_236 = arith.constant 112 : index
        %get3A_237 = tpu.vector_load %arg10[%get3A_235, %get3A_236] {strides = array<i32>} : memref<128x128xf32, #tpu.memory_space<vmem>>, vector<1x16xf32>,
        %get3A_238 = vector.shape_cast %get3A_237 : vector<1x16xf32> to vector<16xf32>
        %mul3A_239 = arith.mulf %get3A_238, %get3A_165 : vector<16xf32>
        %swap3A_240 = arith.index_cast %scan3A_162 : i32 to index
        %swap3A_241 = arith.constant 112 : index
        %swap3A_242 = tpu.vector_load %arg10[%swap3A_240, %swap3A_241] {strides = array<i32>} : memref<128x128xf32, #tpu.memory_space<vmem>>, vector<1x16xf32>,
        %swap3A_243 = vector.shape_cast %swap3A_242 : vector<1x16xf32> to vector<16xf32>
        %swap3A_244 = vector.shape_cast %mul3A_239 : vector<16xf32> to vector<1x16xf32>
        tpu.vector_store %arg10[%swap3A_240, %swap3A_241], %swap3A_244 {strides = array<i32>} : memref<128x128xf32, #tpu.memory_space<vmem>>, vector<1x16xf32>,
      }
      %scan3A_155 = arith.constant 128 : i32
      %dma_start3A_156 = arith.constant 0 : i32
      %dma_start3A_157 = arith.constant 0 : i32
      %dma_start3A_158 = tpu.memref_slice %arg11[%dma_start3A_156, %dma_start3A_157] : memref<10240x128xf32, #tpu.memory_space<vmem_shared>> -> memref<10240x128xf32, #tpu.memory_space<vmem_shared>>
      tpu.enqueue_indirect_dma source(%arg10 : memref<128x128xf32, #tpu.memory_space<vmem>>) target(%dma_start3A_158 : memref<10240x128xf32, #tpu.memory_space<vmem_shared>>) offsets(%arg8 : memref<128xi32, #tpu.memory_space<vmem>>) semaphore(%arg12 : memref<!tpu.dma_semaphore, #tpu.memory_space<semaphore_mem>>) {add = true}
      %dma_wait3A_159 = arith.constant 0 : i32
      %dma_wait3A_160 = arith.constant 0 : i32
      %dma_wait3A_161 = tpu.memref_slice %arg11[%dma_wait3A_159, %dma_wait3A_160] : memref<10240x128xf32, #tpu.memory_space<vmem_shared>> -> memref<10240x128xf32, #tpu.memory_space<vmem_shared>>
      tpu.wait_indirect_dma semaphore(%arg12 : memref<!tpu.dma_semaphore, #tpu.memory_space<semaphore_mem>>) src(%arg10 : memref<128x128xf32, #tpu.memory_space<vmem>>) dst(%dma_wait3A_161 : memref<10240x128xf32, #tpu.memory_space<vmem_shared>>)
    }
    %barrier3A_77 = arith.constant 0 : index
    tpu.barrier barrier_id(%barrier3A_77)
    %mul3A_78 = arith.constant 640 : i32
    %mul3A_79 = arith.muli %arg1, %mul3A_78 : i32
    %add3A_80 = arith.constant 0 : i32
    %add3A_81 = arith.addi %mul3A_79, %add3A_80 : i32
    %dma_start3A_82 = arith.constant 0 : i32
    %dma_start3A_83 = tpu.memref_slice %arg11[%add3A_81, %dma_start3A_82] : memref<10240x128xf32, #tpu.memory_space<vmem_shared>> -> memref<128x128xf32, #tpu.memory_space<vmem_shared>>
    %dma_start3A_84 = arith.constant 0 : i32
    %dma_start3A_85 = tpu.memref_slice %arg11[%add3A_81, %dma_start3A_84] : memref<10240x128xf32, #tpu.memory_space<vmem_shared>> -> memref<128x128xf32, #tpu.memory_space<vmem_shared>>
    tpu.enqueue_dma source(%dma_start3A_85 : memref<128x128xf32, #tpu.memory_space<vmem_shared>>) target(%arg10 : memref<128x128xf32, #tpu.memory_space<vmem>>) target_semaphore(%arg12 : memref<!tpu.dma_semaphore, #tpu.memory_space<semaphore_mem>>)
    %dma_wait3A_86 = arith.constant 0 : i32
    %dma_wait3A_87 = tpu.memref_slice %arg11[%add3A_81, %dma_wait3A_86] : memref<10240x128xf32, #tpu.memory_space<vmem_shared>> -> memref<128x128xf32, #tpu.memory_space<vmem_shared>>
    %dma_wait3A_88 = arith.constant 0 : i32
    %dma_wait3A_89 = tpu.memref_slice %arg11[%add3A_81, %dma_wait3A_88] : memref<10240x128xf32, #tpu.memory_space<vmem_shared>> -> memref<128x128xf32, #tpu.memory_space<vmem_shared>>
    tpu.wait_dma2 semaphore(%arg12 : memref<!tpu.dma_semaphore, #tpu.memory_space<semaphore_mem>>) src(%dma_wait3A_89 : memref<128x128xf32, #tpu.memory_space<vmem_shared>>) dst(%arg10 : memref<128x128xf32, #tpu.memory_space<vmem>>)
    "tpu.region"() ({
      %run_scoped3A = tpu.sem_alloc : memref<!tpu.dma_semaphore, #tpu.memory_space<semaphore_mem>>
      %dma_start3A_138 = arith.constant 0 : i32
      %dma_start3A_139 = arith.constant 0 : i32
      %dma_start3A_140 = tpu.memref_slice %arg6[%arg0, %dma_start3A_138, %dma_start3A_139] : memref<2x10240x128xf32, #tpu.memory_space<hbm>> -> memref<1x10240x128xf32, #tpu.memory_space<hbm>>
      %dma_start3A_141 = tpu.memref_squeeze %dma_start3A_140 : memref<1x10240x128xf32, #tpu.memory_space<hbm>> -> memref<10240x128xf32, #tpu.memory_space<hbm>>
      %dma_start3A_142 = arith.constant 0 : i32
      %dma_start3A_143 = tpu.memref_slice %dma_start3A_141[%add3A_81, %dma_start3A_142] : memref<10240x128xf32, #tpu.memory_space<hbm>> -> memref<128x128xf32, #tpu.memory_space<hbm>>
      %dma_start3A_144 = arith.constant 0 : i32
      %dma_start3A_145 = arith.constant 0 : i32
      %dma_start3A_146 = tpu.memref_slice %arg6[%arg0, %dma_start3A_144, %dma_start3A_145] : memref<2x10240x128xf32, #tpu.memory_space<hbm>> -> memref<1x10240x128xf32, #tpu.memory_space<hbm>>
      %dma_start3A_147 = tpu.memref_squeeze %dma_start3A_146 : memref<1x10240x128xf32, #tpu.memory_space<hbm>> -> memref<10240x128xf32, #tpu.memory_space<hbm>>
      %dma_start3A_148 = arith.constant 0 : i32
      %dma_start3A_149 = tpu.memref_slice %dma_start3A_147[%add3A_81, %dma_start3A_148] : memref<10240x128xf32, #tpu.memory_space<hbm>> -> memref<128x128xf32, #tpu.memory_space<hbm>>
      tpu.enqueue_dma source(%arg10 : memref<128x128xf32, #tpu.memory_space<vmem>>) target(%dma_start3A_149 : memref<128x128xf32, #tpu.memory_space<hbm>>) target_semaphore(%run_scoped3A : memref<!tpu.dma_semaphore, #tpu.memory_space<semaphore_mem>>)
      %dma_wait3A_150 = arith.constant 0 : i32
      %dma_wait3A_151 = arith.constant 0 : i32
      %dma_wait3A_152 = tpu.memref_slice %arg6[%arg0, %dma_wait3A_150, %dma_wait3A_151] : memref<2x10240x128xf32, #tpu.memory_space<hbm>> -> memref<1x10240x128xf32, #tpu.memory_space<hbm>>
      %dma_wait3A_153 = tpu.memref_squeeze %dma_wait3A_152 : memref<1x10240x128xf32, #tpu.memory_space<hbm>> -> memref<10240x128xf32, #tpu.memory_space<hbm>>
      %dma_wait3A_154 = arith.constant 0 : i32
      %dma_wait3A_155 = tpu.memref_slice %dma_wait3A_153[%add3A_81, %dma_wait3A_154] : memref<10240x128xf32, #tpu.memory_space<hbm>> -> memref<128x128xf32, #tpu.memory_space<hbm>>
      %dma_wait3A_156 = arith.constant 0 : i32
      %dma_wait3A_157 = arith.constant 0 : i32
      %dma_wait3A_158 = tpu.memref_slice %arg6[%arg0, %dma_wait3A_156, %dma_wait3A_157] : memref<2x10240x128xf32, #tpu.memory_space<hbm>> -> memref<1x10240x128xf32, #tpu.memory_space<hbm>>
      %dma_wait3A_159 = tpu.memref_squeeze %dma_wait3A_158 : memref<1x10240x128xf32, #tpu.memory_space<hbm>> -> memref<10240x128xf32, #tpu.memory_space<hbm>>
      %dma_wait3A_160 = arith.constant 0 : i32
      %dma_wait3A_161 = tpu.memref_slice %dma_wait3A_159[%add3A_81, %dma_wait3A_160] : memref<10240x128xf32, #tpu.memory_space<hbm>> -> memref<128x128xf32, #tpu.memory_space<hbm>>
      tpu.wait_dma2 semaphore(%run_scoped3A : memref<!tpu.dma_semaphore, #tpu.memory_space<semaphore_mem>>) src(%arg10 : memref<128x128xf32, #tpu.memory_space<vmem>>) dst(%dma_wait3A_161 : memref<128x128xf32, #tpu.memory_space<hbm>>)
      tpu.yield
    }) : () -> ()
    %mul3A_90 = arith.constant 640 : i32
    %mul3A_91 = arith.muli %arg1, %mul3A_90 : i32
    %add3A_92 = arith.constant 128 : i32
    %add3A_93 = arith.addi %mul3A_91, %add3A_92 : i32
    %dma_start3A_94 = arith.constant 0 : i32
    %dma_start3A_95 = tpu.memref_slice %arg11[%add3A_93, %dma_start3A_94] : memref<10240x128xf32, #tpu.memory_space<vmem_shared>> -> memref<128x128xf32, #tpu.memory_space<vmem_shared>>
    %dma_start3A_96 = arith.constant 0 : i32
    %dma_start3A_97 = tpu.memref_slice %arg11[%add3A_93, %dma_start3A_96] : memref<10240x128xf32, #tpu.memory_space<vmem_shared>> -> memref<128x128xf32, #tpu.memory_space<vmem_shared>>
    tpu.enqueue_dma source(%dma_start3A_97 : memref<128x128xf32, #tpu.memory_space<vmem_shared>>) target(%arg10 : memref<128x128xf32, #tpu.memory_space<vmem>>) target_semaphore(%arg12 : memref<!tpu.dma_semaphore, #tpu.memory_space<semaphore_mem>>)
    %dma_wait3A_98 = arith.constant 0 : i32
    %dma_wait3A_99 = tpu.memref_slice %arg11[%add3A_93, %dma_wait3A_98] : memref<10240x128xf32, #tpu.memory_space<vmem_shared>> -> memref<128x128xf32, #tpu.memory_space<vmem_shared>>
    %dma_wait3A_100 = arith.constant 0 : i32
    %dma_wait3A_101 = tpu.memref_slice %arg11[%add3A_93, %dma_wait3A_100] : memref<10240x128xf32, #tpu.memory_space<vmem_shared>> -> memref<128x128xf32, #tpu.memory_space<vmem_shared>>
    tpu.wait_dma2 semaphore(%arg12 : memref<!tpu.dma_semaphore, #tpu.memory_space<semaphore_mem>>) src(%dma_wait3A_101 : memref<128x128xf32, #tpu.memory_space<vmem_shared>>) dst(%arg10 : memref<128x128xf32, #tpu.memory_space<vmem>>)
    "tpu.region"() ({
      %run_scoped3A = tpu.sem_alloc : memref<!tpu.dma_semaphore, #tpu.memory_space<semaphore_mem>>
      %dma_start3A_138 = arith.constant 0 : i32
      %dma_start3A_139 = arith.constant 0 : i32
      %dma_start3A_140 = tpu.memref_slice %arg6[%arg0, %dma_start3A_138, %dma_start3A_139] : memref<2x10240x128xf32, #tpu.memory_space<hbm>> -> memref<1x10240x128xf32, #tpu.memory_space<hbm>>
      %dma_start3A_141 = tpu.memref_squeeze %dma_start3A_140 : memref<1x10240x128xf32, #tpu.memory_space<hbm>> -> memref<10240x128xf32, #tpu.memory_space<hbm>>
      %dma_start3A_142 = arith.constant 0 : i32
      %dma_start3A_143 = tpu.memref_slice %dma_start3A_141[%add3A_93, %dma_start3A_142] : memref<10240x128xf32, #tpu.memory_space<hbm>> -> memref<128x128xf32, #tpu.memory_space<hbm>>
      %dma_start3A_144 = arith.constant 0 : i32
      %dma_start3A_145 = arith.constant 0 : i32
      %dma_start3A_146 = tpu.memref_slice %arg6[%arg0, %dma_start3A_144, %dma_start3A_145] : memref<2x10240x128xf32, #tpu.memory_space<hbm>> -> memref<1x10240x128xf32, #tpu.memory_space<hbm>>
      %dma_start3A_147 = tpu.memref_squeeze %dma_start3A_146 : memref<1x10240x128xf32, #tpu.memory_space<hbm>> -> memref<10240x128xf32, #tpu.memory_space<hbm>>
      %dma_start3A_148 = arith.constant 0 : i32
      %dma_start3A_149 = tpu.memref_slice %dma_start3A_147[%add3A_93, %dma_start3A_148] : memref<10240x128xf32, #tpu.memory_space<hbm>> -> memref<128x128xf32, #tpu.memory_space<hbm>>
      tpu.enqueue_dma source(%arg10 : memref<128x128xf32, #tpu.memory_space<vmem>>) target(%dma_start3A_149 : memref<128x128xf32, #tpu.memory_space<hbm>>) target_semaphore(%run_scoped3A : memref<!tpu.dma_semaphore, #tpu.memory_space<semaphore_mem>>)
      %dma_wait3A_150 = arith.constant 0 : i32
      %dma_wait3A_151 = arith.constant 0 : i32
      %dma_wait3A_152 = tpu.memref_slice %arg6[%arg0, %dma_wait3A_150, %dma_wait3A_151] : memref<2x10240x128xf32, #tpu.memory_space<hbm>> -> memref<1x10240x128xf32, #tpu.memory_space<hbm>>
      %dma_wait3A_153 = tpu.memref_squeeze %dma_wait3A_152 : memref<1x10240x128xf32, #tpu.memory_space<hbm>> -> memref<10240x128xf32, #tpu.memory_space<hbm>>
      %dma_wait3A_154 = arith.constant 0 : i32
      %dma_wait3A_155 = tpu.memref_slice %dma_wait3A_153[%add3A_93, %dma_wait3A_154] : memref<10240x128xf32, #tpu.memory_space<hbm>> -> memref<128x128xf32, #tpu.memory_space<hbm>>
      %dma_wait3A_156 = arith.constant 0 : i32
      %dma_wait3A_157 = arith.constant 0 : i32
      %dma_wait3A_158 = tpu.memref_slice %arg6[%arg0, %dma_wait3A_156, %dma_wait3A_157] : memref<2x10240x128xf32, #tpu.memory_space<hbm>> -> memref<1x10240x128xf32, #tpu.memory_space<hbm>>
      %dma_wait3A_159 = tpu.memref_squeeze %dma_wait3A_158 : memref<1x10240x128xf32, #tpu.memory_space<hbm>> -> memref<10240x128xf32, #tpu.memory_space<hbm>>
      %dma_wait3A_160 = arith.constant 0 : i32
      %dma_wait3A_161 = tpu.memref_slice %dma_wait3A_159[%add3A_93, %dma_wait3A_160] : memref<10240x128xf32, #tpu.memory_space<hbm>> -> memref<128x128xf32, #tpu.memory_space<hbm>>
      tpu.wait_dma2 semaphore(%run_scoped3A : memref<!tpu.dma_semaphore, #tpu.memory_space<semaphore_mem>>) src(%arg10 : memref<128x128xf32, #tpu.memory_space<vmem>>) dst(%dma_wait3A_161 : memref<128x128xf32, #tpu.memory_space<hbm>>)
      tpu.yield
    }) : () -> ()
    %mul3A_102 = arith.constant 640 : i32
    %mul3A_103 = arith.muli %arg1, %mul3A_102 : i32
    %add3A_104 = arith.constant 256 : i32
    %add3A_105 = arith.addi %mul3A_103, %add3A_104 : i32
    %dma_start3A_106 = arith.constant 0 : i32
    %dma_start3A_107 = tpu.memref_slice %arg11[%add3A_105, %dma_start3A_106] : memref<10240x128xf32, #tpu.memory_space<vmem_shared>> -> memref<128x128xf32, #tpu.memory_space<vmem_shared>>
    %dma_start3A_108 = arith.constant 0 : i32
    %dma_start3A_109 = tpu.memref_slice %arg11[%add3A_105, %dma_start3A_108] : memref<10240x128xf32, #tpu.memory_space<vmem_shared>> -> memref<128x128xf32, #tpu.memory_space<vmem_shared>>
    tpu.enqueue_dma source(%dma_start3A_109 : memref<128x128xf32, #tpu.memory_space<vmem_shared>>) target(%arg10 : memref<128x128xf32, #tpu.memory_space<vmem>>) target_semaphore(%arg12 : memref<!tpu.dma_semaphore, #tpu.memory_space<semaphore_mem>>)
    %dma_wait3A_110 = arith.constant 0 : i32
    %dma_wait3A_111 = tpu.memref_slice %arg11[%add3A_105, %dma_wait3A_110] : memref<10240x128xf32, #tpu.memory_space<vmem_shared>> -> memref<128x128xf32, #tpu.memory_space<vmem_shared>>
    %dma_wait3A_112 = arith.constant 0 : i32
    %dma_wait3A_113 = tpu.memref_slice %arg11[%add3A_105, %dma_wait3A_112] : memref<10240x128xf32, #tpu.memory_space<vmem_shared>> -> memref<128x128xf32, #tpu.memory_space<vmem_shared>>
    tpu.wait_dma2 semaphore(%arg12 : memref<!tpu.dma_semaphore, #tpu.memory_space<semaphore_mem>>) src(%dma_wait3A_113 : memref<128x128xf32, #tpu.memory_space<vmem_shared>>) dst(%arg10 : memref<128x128xf32, #tpu.memory_space<vmem>>)
    "tpu.region"() ({
      %run_scoped3A = tpu.sem_alloc : memref<!tpu.dma_semaphore, #tpu.memory_space<semaphore_mem>>
      %dma_start3A_138 = arith.constant 0 : i32
      %dma_start3A_139 = arith.constant 0 : i32
      %dma_start3A_140 = tpu.memref_slice %arg6[%arg0, %dma_start3A_138, %dma_start3A_139] : memref<2x10240x128xf32, #tpu.memory_space<hbm>> -> memref<1x10240x128xf32, #tpu.memory_space<hbm>>
      %dma_start3A_141 = tpu.memref_squeeze %dma_start3A_140 : memref<1x10240x128xf32, #tpu.memory_space<hbm>> -> memref<10240x128xf32, #tpu.memory_space<hbm>>
      %dma_start3A_142 = arith.constant 0 : i32
      %dma_start3A_143 = tpu.memref_slice %dma_start3A_141[%add3A_105, %dma_start3A_142] : memref<10240x128xf32, #tpu.memory_space<hbm>> -> memref<128x128xf32, #tpu.memory_space<hbm>>
      %dma_start3A_144 = arith.constant 0 : i32
      %dma_start3A_145 = arith.constant 0 : i32
      %dma_start3A_146 = tpu.memref_slice %arg6[%arg0, %dma_start3A_144, %dma_start3A_145] : memref<2x10240x128xf32, #tpu.memory_space<hbm>> -> memref<1x10240x128xf32, #tpu.memory_space<hbm>>
      %dma_start3A_147 = tpu.memref_squeeze %dma_start3A_146 : memref<1x10240x128xf32, #tpu.memory_space<hbm>> -> memref<10240x128xf32, #tpu.memory_space<hbm>>
      %dma_start3A_148 = arith.constant 0 : i32
      %dma_start3A_149 = tpu.memref_slice %dma_start3A_147[%add3A_105, %dma_start3A_148] : memref<10240x128xf32, #tpu.memory_space<hbm>> -> memref<128x128xf32, #tpu.memory_space<hbm>>
      tpu.enqueue_dma source(%arg10 : memref<128x128xf32, #tpu.memory_space<vmem>>) target(%dma_start3A_149 : memref<128x128xf32, #tpu.memory_space<hbm>>) target_semaphore(%run_scoped3A : memref<!tpu.dma_semaphore, #tpu.memory_space<semaphore_mem>>)
      %dma_wait3A_150 = arith.constant 0 : i32
      %dma_wait3A_151 = arith.constant 0 : i32
      %dma_wait3A_152 = tpu.memref_slice %arg6[%arg0, %dma_wait3A_150, %dma_wait3A_151] : memref<2x10240x128xf32, #tpu.memory_space<hbm>> -> memref<1x10240x128xf32, #tpu.memory_space<hbm>>
      %dma_wait3A_153 = tpu.memref_squeeze %dma_wait3A_152 : memref<1x10240x128xf32, #tpu.memory_space<hbm>> -> memref<10240x128xf32, #tpu.memory_space<hbm>>
      %dma_wait3A_154 = arith.constant 0 : i32
      %dma_wait3A_155 = tpu.memref_slice %dma_wait3A_153[%add3A_105, %dma_wait3A_154] : memref<10240x128xf32, #tpu.memory_space<hbm>> -> memref<128x128xf32, #tpu.memory_space<hbm>>
      %dma_wait3A_156 = arith.constant 0 : i32
      %dma_wait3A_157 = arith.constant 0 : i32
      %dma_wait3A_158 = tpu.memref_slice %arg6[%arg0, %dma_wait3A_156, %dma_wait3A_157] : memref<2x10240x128xf32, #tpu.memory_space<hbm>> -> memref<1x10240x128xf32, #tpu.memory_space<hbm>>
      %dma_wait3A_159 = tpu.memref_squeeze %dma_wait3A_158 : memref<1x10240x128xf32, #tpu.memory_space<hbm>> -> memref<10240x128xf32, #tpu.memory_space<hbm>>
      %dma_wait3A_160 = arith.constant 0 : i32
      %dma_wait3A_161 = tpu.memref_slice %dma_wait3A_159[%add3A_105, %dma_wait3A_160] : memref<10240x128xf32, #tpu.memory_space<hbm>> -> memref<128x128xf32, #tpu.memory_space<hbm>>
      tpu.wait_dma2 semaphore(%run_scoped3A : memref<!tpu.dma_semaphore, #tpu.memory_space<semaphore_mem>>) src(%arg10 : memref<128x128xf32, #tpu.memory_space<vmem>>) dst(%dma_wait3A_161 : memref<128x128xf32, #tpu.memory_space<hbm>>)
      tpu.yield
    }) : () -> ()
    %mul3A_114 = arith.constant 640 : i32
    %mul3A_115 = arith.muli %arg1, %mul3A_114 : i32
    %add3A_116 = arith.constant 384 : i32
    %add3A_117 = arith.addi %mul3A_115, %add3A_116 : i32
    %dma_start3A_118 = arith.constant 0 : i32
    %dma_start3A_119 = tpu.memref_slice %arg11[%add3A_117, %dma_start3A_118] : memref<10240x128xf32, #tpu.memory_space<vmem_shared>> -> memref<128x128xf32, #tpu.memory_space<vmem_shared>>
    %dma_start3A_120 = arith.constant 0 : i32
    %dma_start3A_121 = tpu.memref_slice %arg11[%add3A_117, %dma_start3A_120] : memref<10240x128xf32, #tpu.memory_space<vmem_shared>> -> memref<128x128xf32, #tpu.memory_space<vmem_shared>>
    tpu.enqueue_dma source(%dma_start3A_121 : memref<128x128xf32, #tpu.memory_space<vmem_shared>>) target(%arg10 : memref<128x128xf32, #tpu.memory_space<vmem>>) target_semaphore(%arg12 : memref<!tpu.dma_semaphore, #tpu.memory_space<semaphore_mem>>)
    %dma_wait3A_122 = arith.constant 0 : i32
    %dma_wait3A_123 = tpu.memref_slice %arg11[%add3A_117, %dma_wait3A_122] : memref<10240x128xf32, #tpu.memory_space<vmem_shared>> -> memref<128x128xf32, #tpu.memory_space<vmem_shared>>
    %dma_wait3A_124 = arith.constant 0 : i32
    %dma_wait3A_125 = tpu.memref_slice %arg11[%add3A_117, %dma_wait3A_124] : memref<10240x128xf32, #tpu.memory_space<vmem_shared>> -> memref<128x128xf32, #tpu.memory_space<vmem_shared>>
    tpu.wait_dma2 semaphore(%arg12 : memref<!tpu.dma_semaphore, #tpu.memory_space<semaphore_mem>>) src(%dma_wait3A_125 : memref<128x128xf32, #tpu.memory_space<vmem_shared>>) dst(%arg10 : memref<128x128xf32, #tpu.memory_space<vmem>>)
    "tpu.region"() ({
      %run_scoped3A = tpu.sem_alloc : memref<!tpu.dma_semaphore, #tpu.memory_space<semaphore_mem>>
      %dma_start3A_138 = arith.constant 0 : i32
      %dma_start3A_139 = arith.constant 0 : i32
      %dma_start3A_140 = tpu.memref_slice %arg6[%arg0, %dma_start3A_138, %dma_start3A_139] : memref<2x10240x128xf32, #tpu.memory_space<hbm>> -> memref<1x10240x128xf32, #tpu.memory_space<hbm>>
      %dma_start3A_141 = tpu.memref_squeeze %dma_start3A_140 : memref<1x10240x128xf32, #tpu.memory_space<hbm>> -> memref<10240x128xf32, #tpu.memory_space<hbm>>
      %dma_start3A_142 = arith.constant 0 : i32
      %dma_start3A_143 = tpu.memref_slice %dma_start3A_141[%add3A_117, %dma_start3A_142] : memref<10240x128xf32, #tpu.memory_space<hbm>> -> memref<128x128xf32, #tpu.memory_space<hbm>>
      %dma_start3A_144 = arith.constant 0 : i32
      %dma_start3A_145 = arith.constant 0 : i32
      %dma_start3A_146 = tpu.memref_slice %arg6[%arg0, %dma_start3A_144, %dma_start3A_145] : memref<2x10240x128xf32, #tpu.memory_space<hbm>> -> memref<1x10240x128xf32, #tpu.memory_space<hbm>>
      %dma_start3A_147 = tpu.memref_squeeze %dma_start3A_146 : memref<1x10240x128xf32, #tpu.memory_space<hbm>> -> memref<10240x128xf32, #tpu.memory_space<hbm>>
      %dma_start3A_148 = arith.constant 0 : i32
      %dma_start3A_149 = tpu.memref_slice %dma_start3A_147[%add3A_117, %dma_start3A_148] : memref<10240x128xf32, #tpu.memory_space<hbm>> -> memref<128x128xf32, #tpu.memory_space<hbm>>
      tpu.enqueue_dma source(%arg10 : memref<128x128xf32, #tpu.memory_space<vmem>>) target(%dma_start3A_149 : memref<128x128xf32, #tpu.memory_space<hbm>>) target_semaphore(%run_scoped3A : memref<!tpu.dma_semaphore, #tpu.memory_space<semaphore_mem>>)
      %dma_wait3A_150 = arith.constant 0 : i32
      %dma_wait3A_151 = arith.constant 0 : i32
      %dma_wait3A_152 = tpu.memref_slice %arg6[%arg0, %dma_wait3A_150, %dma_wait3A_151] : memref<2x10240x128xf32, #tpu.memory_space<hbm>> -> memref<1x10240x128xf32, #tpu.memory_space<hbm>>
      %dma_wait3A_153 = tpu.memref_squeeze %dma_wait3A_152 : memref<1x10240x128xf32, #tpu.memory_space<hbm>> -> memref<10240x128xf32, #tpu.memory_space<hbm>>
      %dma_wait3A_154 = arith.constant 0 : i32
      %dma_wait3A_155 = tpu.memref_slice %dma_wait3A_153[%add3A_117, %dma_wait3A_154] : memref<10240x128xf32, #tpu.memory_space<hbm>> -> memref<128x128xf32, #tpu.memory_space<hbm>>
      %dma_wait3A_156 = arith.constant 0 : i32
      %dma_wait3A_157 = arith.constant 0 : i32
      %dma_wait3A_158 = tpu.memref_slice %arg6[%arg0, %dma_wait3A_156, %dma_wait3A_157] : memref<2x10240x128xf32, #tpu.memory_space<hbm>> -> memref<1x10240x128xf32, #tpu.memory_space<hbm>>
      %dma_wait3A_159 = tpu.memref_squeeze %dma_wait3A_158 : memref<1x10240x128xf32, #tpu.memory_space<hbm>> -> memref<10240x128xf32, #tpu.memory_space<hbm>>
      %dma_wait3A_160 = arith.constant 0 : i32
      %dma_wait3A_161 = tpu.memref_slice %dma_wait3A_159[%add3A_117, %dma_wait3A_160] : memref<10240x128xf32, #tpu.memory_space<hbm>> -> memref<128x128xf32, #tpu.memory_space<hbm>>
      tpu.wait_dma2 semaphore(%run_scoped3A : memref<!tpu.dma_semaphore, #tpu.memory_space<semaphore_mem>>) src(%arg10 : memref<128x128xf32, #tpu.memory_space<vmem>>) dst(%dma_wait3A_161 : memref<128x128xf32, #tpu.memory_space<hbm>>)
      tpu.yield
    }) : () -> ()
    %mul3A_126 = arith.constant 640 : i32
    %mul3A_127 = arith.muli %arg1, %mul3A_126 : i32
    %add3A_128 = arith.constant 512 : i32
    %add3A_129 = arith.addi %mul3A_127, %add3A_128 : i32
    %dma_start3A_130 = arith.constant 0 : i32
    %dma_start3A_131 = tpu.memref_slice %arg11[%add3A_129, %dma_start3A_130] : memref<10240x128xf32, #tpu.memory_space<vmem_shared>> -> memref<128x128xf32, #tpu.memory_space<vmem_shared>>
    %dma_start3A_132 = arith.constant 0 : i32
    %dma_start3A_133 = tpu.memref_slice %arg11[%add3A_129, %dma_start3A_132] : memref<10240x128xf32, #tpu.memory_space<vmem_shared>> -> memref<128x128xf32, #tpu.memory_space<vmem_shared>>
    tpu.enqueue_dma source(%dma_start3A_133 : memref<128x128xf32, #tpu.memory_space<vmem_shared>>) target(%arg10 : memref<128x128xf32, #tpu.memory_space<vmem>>) target_semaphore(%arg12 : memref<!tpu.dma_semaphore, #tpu.memory_space<semaphore_mem>>)
    %dma_wait3A_134 = arith.constant 0 : i32
    %dma_wait3A_135 = tpu.memref_slice %arg11[%add3A_129, %dma_wait3A_134] : memref<10240x128xf32, #tpu.memory_space<vmem_shared>> -> memref<128x128xf32, #tpu.memory_space<vmem_shared>>
    %dma_wait3A_136 = arith.constant 0 : i32
    %dma_wait3A_137 = tpu.memref_slice %arg11[%add3A_129, %dma_wait3A_136] : memref<10240x128xf32, #tpu.memory_space<vmem_shared>> -> memref<128x128xf32, #tpu.memory_space<vmem_shared>>
    tpu.wait_dma2 semaphore(%arg12 : memref<!tpu.dma_semaphore, #tpu.memory_space<semaphore_mem>>) src(%dma_wait3A_137 : memref<128x128xf32, #tpu.memory_space<vmem_shared>>) dst(%arg10 : memref<128x128xf32, #tpu.memory_space<vmem>>)
    "tpu.region"() ({
      %run_scoped3A = tpu.sem_alloc : memref<!tpu.dma_semaphore, #tpu.memory_space<semaphore_mem>>
      %dma_start3A_138 = arith.constant 0 : i32
      %dma_start3A_139 = arith.constant 0 : i32
      %dma_start3A_140 = tpu.memref_slice %arg6[%arg0, %dma_start3A_138, %dma_start3A_139] : memref<2x10240x128xf32, #tpu.memory_space<hbm>> -> memref<1x10240x128xf32, #tpu.memory_space<hbm>>
      %dma_start3A_141 = tpu.memref_squeeze %dma_start3A_140 : memref<1x10240x128xf32, #tpu.memory_space<hbm>> -> memref<10240x128xf32, #tpu.memory_space<hbm>>
      %dma_start3A_142 = arith.constant 0 : i32
      %dma_start3A_143 = tpu.memref_slice %dma_start3A_141[%add3A_129, %dma_start3A_142] : memref<10240x128xf32, #tpu.memory_space<hbm>> -> memref<128x128xf32, #tpu.memory_space<hbm>>
      %dma_start3A_144 = arith.constant 0 : i32
      %dma_start3A_145 = arith.constant 0 : i32
      %dma_start3A_146 = tpu.memref_slice %arg6[%arg0, %dma_start3A_144, %dma_start3A_145] : memref<2x10240x128xf32, #tpu.memory_space<hbm>> -> memref<1x10240x128xf32, #tpu.memory_space<hbm>>
      %dma_start3A_147 = tpu.memref_squeeze %dma_start3A_146 : memref<1x10240x128xf32, #tpu.memory_space<hbm>> -> memref<10240x128xf32, #tpu.memory_space<hbm>>
      %dma_start3A_148 = arith.constant 0 : i32
      %dma_start3A_149 = tpu.memref_slice %dma_start3A_147[%add3A_129, %dma_start3A_148] : memref<10240x128xf32, #tpu.memory_space<hbm>> -> memref<128x128xf32, #tpu.memory_space<hbm>>
      tpu.enqueue_dma source(%arg10 : memref<128x128xf32, #tpu.memory_space<vmem>>) target(%dma_start3A_149 : memref<128x128xf32, #tpu.memory_space<hbm>>) target_semaphore(%run_scoped3A : memref<!tpu.dma_semaphore, #tpu.memory_space<semaphore_mem>>)
      %dma_wait3A_150 = arith.constant 0 : i32
      %dma_wait3A_151 = arith.constant 0 : i32
      %dma_wait3A_152 = tpu.memref_slice %arg6[%arg0, %dma_wait3A_150, %dma_wait3A_151] : memref<2x10240x128xf32, #tpu.memory_space<hbm>> -> memref<1x10240x128xf32, #tpu.memory_space<hbm>>
      %dma_wait3A_153 = tpu.memref_squeeze %dma_wait3A_152 : memref<1x10240x128xf32, #tpu.memory_space<hbm>> -> memref<10240x128xf32, #tpu.memory_space<hbm>>
      %dma_wait3A_154 = arith.constant 0 : i32
      %dma_wait3A_155 = tpu.memref_slice %dma_wait3A_153[%add3A_129, %dma_wait3A_154] : memref<10240x128xf32, #tpu.memory_space<hbm>> -> memref<128x128xf32, #tpu.memory_space<hbm>>
      %dma_wait3A_156 = arith.constant 0 : i32
      %dma_wait3A_157 = arith.constant 0 : i32
      %dma_wait3A_158 = tpu.memref_slice %arg6[%arg0, %dma_wait3A_156, %dma_wait3A_157] : memref<2x10240x128xf32, #tpu.memory_space<hbm>> -> memref<1x10240x128xf32, #tpu.memory_space<hbm>>
      %dma_wait3A_159 = tpu.memref_squeeze %dma_wait3A_158 : memref<1x10240x128xf32, #tpu.memory_space<hbm>> -> memref<10240x128xf32, #tpu.memory_space<hbm>>
      %dma_wait3A_160 = arith.constant 0 : i32
      %dma_wait3A_161 = tpu.memref_slice %dma_wait3A_159[%add3A_129, %dma_wait3A_160] : memref<10240x128xf32, #tpu.memory_space<hbm>> -> memref<128x128xf32, #tpu.memory_space<hbm>>
      tpu.wait_dma2 semaphore(%run_scoped3A : memref<!tpu.dma_semaphore, #tpu.memory_space<semaphore_mem>>) src(%arg10 : memref<128x128xf32, #tpu.memory_space<vmem>>) dst(%dma_wait3A_161 : memref<128x128xf32, #tpu.memory_space<hbm>>)
      tpu.yield
    }) : () -> ()
    return
  }
}

module attributes {stable_mosaic.version = 14 : i64} {
  func.func @body(%arg0: i32, %arg1: memref<1xf32, #tpu.memory_space<smem>>, %arg2: memref<1000x128xf32, #tpu.memory_space<vmem>>, %arg3: memref<1000x128xf32, #tpu.memory_space<vmem>>, %arg4: memref<1000x128xf32, #tpu.memory_space<vmem>>, %arg5: memref<128x128xf32, #tpu.memory_space<vmem>>, %arg6: memref<128x128xf32, #tpu.memory_space<vmem>>, %arg7: memref<1000x128xf32, #tpu.memory_space<vmem>>, %arg8: memref<1000x128xf32, #tpu.memory_space<vmem>>) attributes {dimension_semantics = [#tpu.dimension_semantics<arbitrary>], iteration_bounds = array<i64: 10>, scalar_prefetch = 0 : i64, scratch_operands = 0 : i64, tpu.core_type = #tpu.core_type<tc>, window_params = [{transform_indices = @transform_0, window_bounds = array<i64: 1>}, {transform_indices = @transform_1, window_bounds = array<i64: 1000, 128>}, {transform_indices = @transform_2, window_bounds = array<i64: 1000, 128>}, {transform_indices = @transform_3, window_bounds = array<i64: 1000, 128>}, {pipeline_mode = #tpu.pipeline_mode<synchronous>, transform_indices = @transform_4, window_bounds = array<i64: 128, 128>}, {pipeline_mode = #tpu.pipeline_mode<synchronous>, transform_indices = @transform_5, window_bounds = array<i64: 128, 128>}, {transform_indices = @transform_6, window_bounds = array<i64: 1000, 128>}, {transform_indices = @transform_7, window_bounds = array<i64: 1000, 128>}]} {
    %get3A = arith.constant 0 : index
    %get3A_0 = memref.load %arg1[%get3A] : memref<1xf32, #tpu.memory_space<smem>>
    %neg3A = arith.constant 0.000000e+00 : f32
    %neg3A_1 = arith.subf %neg3A, %get3A_0 : f32
    %exp3A = math.exp %neg3A_1 : f32
    %add3A = arith.constant 1.000000e+00 : f32
    %add3A_2 = arith.addf %add3A, %exp3A : f32
    %div3A = arith.constant 1.000000e+00 : f32
    %div3A_3 = arith.divf %div3A, %add3A_2 : f32
    %get3A_4 = arith.constant 0 : index
    %get3A_5 = arith.constant 0 : index
    %get3A_6 = vector.load %arg3[%get3A_4, %get3A_5] : memref<1000x128xf32, #tpu.memory_space<vmem>>, vector<1000x128xf32>
    %get3A_7 = arith.constant 0 : index
    %get3A_8 = arith.constant 0 : index
    %get3A_9 = vector.load %arg4[%get3A_7, %get3A_8] : memref<1000x128xf32, #tpu.memory_space<vmem>>, vector<1000x128xf32>
    %add3A_10 = arith.addf %get3A_6, %get3A_9 : vector<1000x128xf32>
    %mul3A = vector.broadcast %div3A_3 : f32 to vector<1000x128xf32>
    %mul3A_11 = arith.mulf %mul3A, %add3A_10 : vector<1000x128xf32>
    %swap3A = arith.constant 0 : index
    %swap3A_12 = arith.constant 0 : index
    %swap3A_13 = vector.load %arg8[%swap3A, %swap3A_12] : memref<1000x128xf32, #tpu.memory_space<vmem>>, vector<1000x128xf32>
    tpu.vector_store %arg8[%swap3A, %swap3A_12], %mul3A_11 {strides = array<i32>} : memref<1000x128xf32, #tpu.memory_space<vmem>>, vector<1000x128xf32>,
    %get3A_14 = arith.constant 0 : index
    %get3A_15 = arith.constant 0 : index
    %get3A_16 = vector.load %arg2[%get3A_14, %get3A_15] : memref<1000x128xf32, #tpu.memory_space<vmem>>, vector<1000x128xf32>
    %get3A_17 = arith.constant 0 : index
    %get3A_18 = arith.constant 0 : index
    %get3A_19 = vector.load %arg5[%get3A_17, %get3A_18] : memref<128x128xf32, #tpu.memory_space<vmem>>, vector<128x128xf32>
    %dot_general3A = arith.constant dense<0.000000e+00> : vector<1000x128xf32>
    %dot_general3A_20 = tpu.matmul %get3A_16, %get3A_19, %dot_general3A {dimension_numbers = #tpu.dot_dimension_numbers<[1], [0], [0], [1], [0, 0, 1, 1], [], []>, transpose_lhs_hint = false} : vector<1000x128xf32>, vector<128x128xf32>, vector<1000x128xf32> -> vector<1000x128xf32>
    %mul3A_21 = vector.broadcast %div3A_3 : f32 to vector<1000x128xf32>
    %mul3A_22 = arith.mulf %mul3A_21, %dot_general3A_20 : vector<1000x128xf32>
    %get3A_23 = arith.constant 0 : index
    %get3A_24 = arith.constant 0 : index
    %get3A_25 = vector.load %arg6[%get3A_23, %get3A_24] : memref<128x128xf32, #tpu.memory_space<vmem>>, vector<128x128xf32>
    %dot_general3A_26 = arith.constant dense<0.000000e+00> : vector<1000x128xf32>
    %dot_general3A_27 = tpu.matmul %mul3A_11, %get3A_25, %dot_general3A_26 {dimension_numbers = #tpu.dot_dimension_numbers<[1], [0], [0], [1], [0, 0, 1, 1], [], []>, transpose_lhs_hint = false} : vector<1000x128xf32>, vector<128x128xf32>, vector<1000x128xf32> -> vector<1000x128xf32>
    %add3A_28 = arith.addf %mul3A_22, %dot_general3A_27 : vector<1000x128xf32>
    %swap3A_29 = arith.constant 0 : index
    %swap3A_30 = arith.constant 0 : index
    %swap3A_31 = vector.load %arg7[%swap3A_29, %swap3A_30] : memref<1000x128xf32, #tpu.memory_space<vmem>>, vector<1000x128xf32>
    tpu.vector_store %arg7[%swap3A_29, %swap3A_30], %add3A_28 {strides = array<i32>} : memref<1000x128xf32, #tpu.memory_space<vmem>>, vector<1000x128xf32>,
    return
  }
  func.func @transform_0(%arg0: i32) -> i32 {
    %c0_i32 = arith.constant 0 : i32
    %c0_i32_0 = arith.constant 0 : i32
    return %c0_i32 : i32
  }
  func.func @transform_1(%arg0: i32) -> (i32, i32) {
    %c0_i32 = arith.constant 0 : i32
    %c0_i32_0 = arith.constant 0 : i32
    return %arg0, %c0_i32 : i32, i32
  }
  func.func @transform_2(%arg0: i32) -> (i32, i32) {
    %c0_i32 = arith.constant 0 : i32
    %c0_i32_0 = arith.constant 0 : i32
    return %arg0, %c0_i32 : i32, i32
  }
  func.func @transform_3(%arg0: i32) -> (i32, i32) {
    %c0_i32 = arith.constant 0 : i32
    %c0_i32_0 = arith.constant 0 : i32
    return %arg0, %c0_i32 : i32, i32
  }
  func.func @transform_4(%arg0: i32) -> (i32, i32) {
    %c0_i32 = arith.constant 0 : i32
    %c0_i32_0 = arith.constant 0 : i32
    %c0_i32_1 = arith.constant 0 : i32
    return %c0_i32, %c0_i32_0 : i32, i32
  }
  func.func @transform_5(%arg0: i32) -> (i32, i32) {
    %c0_i32 = arith.constant 0 : i32
    %c0_i32_0 = arith.constant 0 : i32
    %c0_i32_1 = arith.constant 0 : i32
    return %c0_i32, %c0_i32_0 : i32, i32
  }
  func.func @transform_6(%arg0: i32) -> (i32, i32) {
    %c0_i32 = arith.constant 0 : i32
    %c0_i32_0 = arith.constant 0 : i32
    return %arg0, %c0_i32 : i32, i32
  }
  func.func @transform_7(%arg0: i32) -> (i32, i32) {
    %c0_i32 = arith.constant 0 : i32
    %c0_i32_0 = arith.constant 0 : i32
    return %arg0, %c0_i32 : i32, i32
  }
}

module attributes {stable_mosaic.version = 14 : i64} {
  func.func @body(%arg0: i32, %arg1: memref<1xf32, #tpu.memory_space<smem>>, %arg2: memref<1000x128xf32, #tpu.memory_space<vmem>>, %arg3: memref<1000x128xf32, #tpu.memory_space<vmem>>, %arg4: memref<1000x128xf32, #tpu.memory_space<vmem>>, %arg5: memref<1000x128xf32, #tpu.memory_space<vmem>>, %arg6: memref<1000x16xf32, #tpu.memory_space<vmem>>, %arg7: memref<1000x16xf32, #tpu.memory_space<vmem>>, %arg8: memref<128x128xf32, #tpu.memory_space<vmem>>, %arg9: memref<128x128xf32, #tpu.memory_space<vmem>>, %arg10: memref<1x128xf32, #tpu.memory_space<vmem>>, %arg11: memref<128x128xf32, #tpu.memory_space<vmem>>, %arg12: memref<1x128xf32, #tpu.memory_space<vmem>>, %arg13: memref<128x64xf32, #tpu.memory_space<vmem>>, %arg14: memref<1x64xf32, #tpu.memory_space<vmem>>, %arg15: memref<1000x64xf32, #tpu.memory_space<vmem>>) attributes {dimension_semantics = [#tpu.dimension_semantics<arbitrary>], iteration_bounds = array<i64: 10>, scalar_prefetch = 0 : i64, scratch_operands = 0 : i64, tpu.core_type = #tpu.core_type<tc>, window_params = [{transform_indices = @transform_0, window_bounds = array<i64: 1>}, {transform_indices = @transform_1, window_bounds = array<i64: 1000, 128>}, {transform_indices = @transform_2, window_bounds = array<i64: 1000, 128>}, {transform_indices = @transform_3, window_bounds = array<i64: 1000, 128>}, {transform_indices = @transform_4, window_bounds = array<i64: 1000, 128>}, {transform_indices = @transform_5, window_bounds = array<i64: 1000, 16>}, {transform_indices = @transform_6, window_bounds = array<i64: 1000, 16>}, {pipeline_mode = #tpu.pipeline_mode<synchronous>, transform_indices = @transform_7, window_bounds = array<i64: 128, 128>}, {pipeline_mode = #tpu.pipeline_mode<synchronous>, transform_indices = @transform_8, window_bounds = array<i64: 128, 128>}, {pipeline_mode = #tpu.pipeline_mode<synchronous>, transform_indices = @transform_9, window_bounds = array<i64: 1, 128>}, {pipeline_mode = #tpu.pipeline_mode<synchronous>, transform_indices = @transform_10, window_bounds = array<i64: 128, 128>}, {pipeline_mode = #tpu.pipeline_mode<synchronous>, transform_indices = @transform_11, window_bounds = array<i64: 1, 128>}, {pipeline_mode = #tpu.pipeline_mode<synchronous>, transform_indices = @transform_12, window_bounds = array<i64: 128, 64>}, {pipeline_mode = #tpu.pipeline_mode<synchronous>, transform_indices = @transform_13, window_bounds = array<i64: 1, 64>}, {transform_indices = @transform_14, window_bounds = array<i64: 1000, 64>}]} {
    %get3A = arith.constant 0 : index
    %get3A_0 = memref.load %arg1[%get3A] : memref<1xf32, #tpu.memory_space<smem>>
    %neg3A = arith.constant 0.000000e+00 : f32
    %neg3A_1 = arith.subf %neg3A, %get3A_0 : f32
    %exp3A = math.exp %neg3A_1 : f32
    %add3A = arith.constant 1.000000e+00 : f32
    %add3A_2 = arith.addf %add3A, %exp3A : f32
    %div3A = arith.constant 1.000000e+00 : f32
    %div3A_3 = arith.divf %div3A, %add3A_2 : f32
    %get3A_4 = arith.constant 0 : index
    %get3A_5 = arith.constant 0 : index
    %get3A_6 = vector.load %arg6[%get3A_4, %get3A_5] : memref<1000x16xf32, #tpu.memory_space<vmem>>, vector<1000x16xf32>
    %slice3A = vector.extract_strided_slice %get3A_6 {offsets = [0, 0], sizes = [1000, 1], strides = [1, 1]} : vector<1000x16xf32> to vector<1000x1xf32>
    %get3A_7 = arith.constant 0 : index
    %get3A_8 = arith.constant 0 : index
    %get3A_9 = vector.load %arg7[%get3A_7, %get3A_8] : memref<1000x16xf32, #tpu.memory_space<vmem>>, vector<1000x16xf32>
    %slice3A_10 = vector.extract_strided_slice %get3A_9 {offsets = [0, 0], sizes = [1000, 1], strides = [1, 1]} : vector<1000x16xf32> to vector<1000x1xf32>
    %add3A_11 = arith.addf %slice3A, %slice3A_10 : vector<1000x1xf32>
    %get3A_12 = arith.constant 0 : index
    %get3A_13 = arith.constant 0 : index
    %get3A_14 = vector.load %arg4[%get3A_12, %get3A_13] : memref<1000x128xf32, #tpu.memory_space<vmem>>, vector<1000x128xf32>
    %get3A_15 = arith.constant 0 : index
    %get3A_16 = arith.constant 0 : index
    %get3A_17 = vector.load %arg5[%get3A_15, %get3A_16] : memref<1000x128xf32, #tpu.memory_space<vmem>>, vector<1000x128xf32>
    %add3A_18 = arith.addf %get3A_14, %get3A_17 : vector<1000x128xf32>
    %max3A = arith.constant 1.000000e+00 : f32
    %max3A_19 = vector.broadcast %max3A : f32 to vector<1000x1xf32>
    %max3A_20 = arith.maximumf %add3A_11, %max3A_19 : vector<1000x1xf32>
    %div3A_21 = vector.broadcast %max3A_20 : vector<1000x1xf32> to vector<1000x128xf32>
    %div3A_22 = arith.divf %add3A_18, %div3A_21 : vector<1000x128xf32>
    %get3A_23 = arith.constant 0 : index
    %get3A_24 = arith.constant 0 : index
    %get3A_25 = vector.load %arg2[%get3A_23, %get3A_24] : memref<1000x128xf32, #tpu.memory_space<vmem>>, vector<1000x128xf32>
    %get3A_26 = arith.constant 0 : index
    %get3A_27 = arith.constant 0 : index
    %get3A_28 = vector.load %arg8[%get3A_26, %get3A_27] : memref<128x128xf32, #tpu.memory_space<vmem>>, vector<128x128xf32>
    %dot_general3A = arith.constant dense<0.000000e+00> : vector<1000x128xf32>
    %dot_general3A_29 = tpu.matmul %get3A_25, %get3A_28, %dot_general3A {dimension_numbers = #tpu.dot_dimension_numbers<[1], [0], [0], [1], [0, 0, 1, 1], [], []>, transpose_lhs_hint = false} : vector<1000x128xf32>, vector<128x128xf32>, vector<1000x128xf32> -> vector<1000x128xf32>
    %mul3A = vector.broadcast %div3A_3 : f32 to vector<1000x128xf32>
    %mul3A_30 = arith.mulf %mul3A, %dot_general3A_29 : vector<1000x128xf32>
    %get3A_31 = arith.constant 0 : index
    %get3A_32 = arith.constant 0 : index
    %get3A_33 = vector.load %arg3[%get3A_31, %get3A_32] : memref<1000x128xf32, #tpu.memory_space<vmem>>, vector<1000x128xf32>
    %get3A_34 = arith.constant 0 : index
    %get3A_35 = arith.constant 0 : index
    %get3A_36 = vector.load %arg9[%get3A_34, %get3A_35] : memref<128x128xf32, #tpu.memory_space<vmem>>, vector<128x128xf32>
    %dot_general3A_37 = arith.constant dense<0.000000e+00> : vector<1000x128xf32>
    %dot_general3A_38 = tpu.matmul %get3A_33, %get3A_36, %dot_general3A_37 {dimension_numbers = #tpu.dot_dimension_numbers<[1], [0], [0], [1], [0, 0, 1, 1], [], []>, transpose_lhs_hint = false} : vector<1000x128xf32>, vector<128x128xf32>, vector<1000x128xf32> -> vector<1000x128xf32>
    %add3A_39 = arith.addf %mul3A_30, %dot_general3A_38 : vector<1000x128xf32>
    %add3A_40 = arith.addf %add3A_39, %div3A_22 : vector<1000x128xf32>
    %get3A_41 = arith.constant 0 : index
    %get3A_42 = arith.constant 0 : index
    %get3A_43 = vector.load %arg10[%get3A_41, %get3A_42] : memref<1x128xf32, #tpu.memory_space<vmem>>, vector<1x128xf32>
    %add3A_44 = vector.broadcast %get3A_43 : vector<1x128xf32> to vector<1000x128xf32>
    %add3A_45 = arith.addf %add3A_40, %add3A_44 : vector<1000x128xf32>
    %max3A_46 = arith.constant 0.000000e+00 : f32
    %max3A_47 = vector.broadcast %max3A_46 : f32 to vector<1000x128xf32>
    %max3A_48 = arith.maximumf %add3A_45, %max3A_47 : vector<1000x128xf32>
    %get3A_49 = arith.constant 0 : index
    %get3A_50 = arith.constant 0 : index
    %get3A_51 = vector.load %arg11[%get3A_49, %get3A_50] : memref<128x128xf32, #tpu.memory_space<vmem>>, vector<128x128xf32>
    %dot_general3A_52 = arith.constant dense<0.000000e+00> : vector<1000x128xf32>
    %dot_general3A_53 = tpu.matmul %max3A_48, %get3A_51, %dot_general3A_52 {dimension_numbers = #tpu.dot_dimension_numbers<[1], [0], [0], [1], [0, 0, 1, 1], [], []>, transpose_lhs_hint = false} : vector<1000x128xf32>, vector<128x128xf32>, vector<1000x128xf32> -> vector<1000x128xf32>
    %get3A_54 = arith.constant 0 : index
    %get3A_55 = arith.constant 0 : index
    %get3A_56 = vector.load %arg12[%get3A_54, %get3A_55] : memref<1x128xf32, #tpu.memory_space<vmem>>, vector<1x128xf32>
    %add3A_57 = vector.broadcast %get3A_56 : vector<1x128xf32> to vector<1000x128xf32>
    %add3A_58 = arith.addf %dot_general3A_53, %add3A_57 : vector<1000x128xf32>
    %max3A_59 = arith.constant 0.000000e+00 : f32
    %max3A_60 = vector.broadcast %max3A_59 : f32 to vector<1000x128xf32>
    %max3A_61 = arith.maximumf %add3A_58, %max3A_60 : vector<1000x128xf32>
    %get3A_62 = arith.constant 0 : index
    %get3A_63 = arith.constant 0 : index
    %get3A_64 = vector.load %arg13[%get3A_62, %get3A_63] : memref<128x64xf32, #tpu.memory_space<vmem>>, vector<128x64xf32>
    %dot_general3A_65 = arith.constant dense<0.000000e+00> : vector<1000x64xf32>
    %dot_general3A_66 = tpu.matmul %max3A_61, %get3A_64, %dot_general3A_65 {dimension_numbers = #tpu.dot_dimension_numbers<[1], [0], [0], [1], [0, 0, 1, 1], [], []>, transpose_lhs_hint = false} : vector<1000x128xf32>, vector<128x64xf32>, vector<1000x64xf32> -> vector<1000x64xf32>
    %get3A_67 = arith.constant 0 : index
    %get3A_68 = arith.constant 0 : index
    %get3A_69 = vector.load %arg14[%get3A_67, %get3A_68] : memref<1x64xf32, #tpu.memory_space<vmem>>, vector<1x64xf32>
    %add3A_70 = vector.broadcast %get3A_69 : vector<1x64xf32> to vector<1000x64xf32>
    %add3A_71 = arith.addf %dot_general3A_66, %add3A_70 : vector<1000x64xf32>
    %swap3A = arith.constant 0 : index
    %swap3A_72 = arith.constant 0 : index
    %swap3A_73 = vector.load %arg15[%swap3A, %swap3A_72] : memref<1000x64xf32, #tpu.memory_space<vmem>>, vector<1000x64xf32>
    tpu.vector_store %arg15[%swap3A, %swap3A_72], %add3A_71 {strides = array<i32>} : memref<1000x64xf32, #tpu.memory_space<vmem>>, vector<1000x64xf32>,
    return
  }
  func.func @transform_0(%arg0: i32) -> i32 {
    %c0_i32 = arith.constant 0 : i32
    %c0_i32_0 = arith.constant 0 : i32
    return %c0_i32 : i32
  }
  func.func @transform_1(%arg0: i32) -> (i32, i32) {
    %c0_i32 = arith.constant 0 : i32
    %c0_i32_0 = arith.constant 0 : i32
    return %arg0, %c0_i32 : i32, i32
  }
  func.func @transform_2(%arg0: i32) -> (i32, i32) {
    %c0_i32 = arith.constant 0 : i32
    %c0_i32_0 = arith.constant 0 : i32
    return %arg0, %c0_i32 : i32, i32
  }
  func.func @transform_3(%arg0: i32) -> (i32, i32) {
    %c0_i32 = arith.constant 0 : i32
    %c0_i32_0 = arith.constant 0 : i32
    return %arg0, %c0_i32 : i32, i32
  }
  func.func @transform_4(%arg0: i32) -> (i32, i32) {
    %c0_i32 = arith.constant 0 : i32
    %c0_i32_0 = arith.constant 0 : i32
    return %arg0, %c0_i32 : i32, i32
  }
  func.func @transform_5(%arg0: i32) -> (i32, i32) {
    %c0_i32 = arith.constant 0 : i32
    %c0_i32_0 = arith.constant 0 : i32
    return %arg0, %c0_i32 : i32, i32
  }
  func.func @transform_6(%arg0: i32) -> (i32, i32) {
    %c0_i32 = arith.constant 0 : i32
    %c0_i32_0 = arith.constant 0 : i32
    return %arg0, %c0_i32 : i32, i32
  }
  func.func @transform_7(%arg0: i32) -> (i32, i32) {
    %c0_i32 = arith.constant 0 : i32
    %c0_i32_0 = arith.constant 0 : i32
    %c0_i32_1 = arith.constant 0 : i32
    return %c0_i32, %c0_i32_0 : i32, i32
  }
  func.func @transform_8(%arg0: i32) -> (i32, i32) {
    %c0_i32 = arith.constant 0 : i32
    %c0_i32_0 = arith.constant 0 : i32
    %c0_i32_1 = arith.constant 0 : i32
    return %c0_i32, %c0_i32_0 : i32, i32
  }
  func.func @transform_9(%arg0: i32) -> (i32, i32) {
    %c0_i32 = arith.constant 0 : i32
    %c0_i32_0 = arith.constant 0 : i32
    %c0_i32_1 = arith.constant 0 : i32
    return %c0_i32, %c0_i32_0 : i32, i32
  }
  func.func @transform_10(%arg0: i32) -> (i32, i32) {
    %c0_i32 = arith.constant 0 : i32
    %c0_i32_0 = arith.constant 0 : i32
    %c0_i32_1 = arith.constant 0 : i32
    return %c0_i32, %c0_i32_0 : i32, i32
  }
  func.func @transform_11(%arg0: i32) -> (i32, i32) {
    %c0_i32 = arith.constant 0 : i32
    %c0_i32_0 = arith.constant 0 : i32
    %c0_i32_1 = arith.constant 0 : i32
    return %c0_i32, %c0_i32_0 : i32, i32
  }
  func.func @transform_12(%arg0: i32) -> (i32, i32) {
    %c0_i32 = arith.constant 0 : i32
    %c0_i32_0 = arith.constant 0 : i32
    %c0_i32_1 = arith.constant 0 : i32
    return %c0_i32, %c0_i32_0 : i32, i32
  }
  func.func @transform_13(%arg0: i32) -> (i32, i32) {
    %c0_i32 = arith.constant 0 : i32
    %c0_i32_0 = arith.constant 0 : i32
    %c0_i32_1 = arith.constant 0 : i32
    return %c0_i32, %c0_i32_0 : i32, i32
  }
  func.func @transform_14(%arg0: i32) -> (i32, i32) {
    %c0_i32 = arith.constant 0 : i32
    %c0_i32_0 = arith.constant 0 : i32
    return %arg0, %c0_i32 : i32, i32
  }
}

</mosaic_0001>

<sc_bundles>
// kernel: kernel.10.cloned.1.call-start
scs
__scs_entry_jumppad:
0x0: {  	(pc) =	sbr.rel $0x88, $3  }
0x1: {  	(tag) =	ssettag $0x0;
	lr =	simm.s32 $0x1  }
0x2: {  	[smem:$0x3F96] =	sst lr;
	_ =	strace $0xD0000000  }
0x3: {  	_ = 	snop  }
0x4: {  	_ = 	snop  }
0x5: {  	_ = 	snop  }
0x6: {  	_ = 	snop  }
0x7: {  	_ = 	snop  }
__scs_overlays_trampoline_lowered:
0x8: {  	[smem:$0x3FA5] =	sst s0  }
0x9: {  	[smem:$0x3FA6] =	sst s1  }
0xa: {  	[smem:$0x3FA7] =	sst s2  }
0xb: {  	[smem:$0x3FA8] =	sst s3  }
0xc: {  	[smem:$0x3FA9] =	sst s4  }
0xd: {  	[smem:$0x3FAA] =	sst s5  }
0xe: {  	[smem:$0x3FAB] =	sst s6  }
0xf: {  	[smem:$0x3FAC] =	sst s7  }
0x10: {  	[smem:$0x3FAD] =	sst s8  }
0x11: {  	[smem:$0x3FAE] =	sst s9;
	s0 =	simm.s32 @!p0 $0x0  }
0x12: {  	s1 =	sld [smem:$0x3F94];
	s0 =	simm.s32 @p0 $0x1  }
0x13: {  	[smem:$0x3FAF] =	sst s0;
	s0 =	simm.s32 @!p1 $0x0  }
0x14: {  	s2 =	sld [smem:$0x3F93];
	s0 =	simm.s32 @p1 $0x1  }
0x15: {  	[smem:$0x3FB0] =	sst s0;
	s0 =	simm.s32 @!p2 $0x0  }
0x16: {  	s3 =	sld [smem:$0x3FDB];
	s0 =	simm.s32 @p2 $0x1  }
0x17: {  	s4 =	simm.s32 $0x1BF5;
	[smem:$0x3FB2] =	sst s0  }
0x18: {  	s0 =	sld [smem:$0x3F95];
	_ =	swait.ge [sflag:s4], $0x0  }
0x19: {  	s7 =	sld [smem:$0x3F96]  }
0x1a: {  	s8 =	sadd.s32 $0xFFFFE003, lr  }
0x1b: {  	s9 =	sadd.s32 $0xFFFFFEF7, lr;
	s5 =	simm.s32 $0xFFFFFFFF;
	p2 =	slt.u32 s8, $0xFFFFF086  }
0x1c: {  	p1 =	slt.u32 s9, $0xF7A;
	s5 =	simm.s32 @!p2 $0x0  }
0x1d: {  	s5 =	simm.s32 @p1 $0x1;
	p0 =	seq.s32 s7, s2  }
0x1e: {  	s7 =	smul.u32 @!p0 $0xF7A, s2;
	p2 =	seq.s32 @!p0 s5, $0x0  }
0x1f: {  	s9 =	smul.u32 $0xF7A, s1;
	s8 =	simm.s32 @!p0 $0x1BF5;
	p2 =	por !p2, p0  }
0x20: {  	[sflag:s8] =	ssyncset.s32 @!p0 $0xFFFFF086;
	s6 =	sadd.s32 @!p0 s3, s7;
	s7 =	simm.s32 @!p0 $0x108  }
0x21: {  	s3 =	sadd.s32 s3, s9;
	s6 =	sadd.s32 @!p0 $0x88, s6;
	s7 =	simm.s32 @p2 $0x1082  }
0x22: {  	[simem:s7], [sflag:s8] =	dma.local @!p0 [hbm:s6], $0xF7A  }
0x23: {  	s9 =	sor.u32 $0xD0000000, s2;
	s6 =	simm.s32 $0x108;
	_ =	swait.ge @!p0 [sflag:s8], $0x0  }
0x24: {  	s3 =	sadd.s32 $0x88, s3;
	s6 =	simm.s32 @!p1 $0x1082;
	[sflag:s4] =	ssyncset.s32 $0xFFFFF086  }
0x25: {  	[simem:s6], [sflag:s4] =	dma.local [hbm:s3], $0xF7A  }
0x26: {  	[smem:$0x3F96] =	sst s1;
	(tag) =	ssettag s2;
	_ =	strace s9  }
0x27: {  	s1 =	sld [smem:$0x3FA6]  }
0x28: {  	s2 =	sld [smem:$0x3FA7]  }
0x29: {  	s4 =	sld [smem:$0x3FA9]  }
0x2a: {  	p0 =	seq.s32 s5, $0x0;
	s5 =	sld [smem:$0x3FAA]  }
0x2b: {  	s6 =	sld [smem:$0x3FAB]  }
0x2c: {  	s7 =	sld [smem:$0x3FAC]  }
0x2d: {  	s3 =	simm.s32 $0x108;
	s8 =	sld [smem:$0x3FAD]  }
0x2e: {  	s3 =	simm.s32 @!p0 $0x1082;
	s9 =	sld [smem:$0x3FAE]  }
0x2f: {  	lr =	sadd.s32 s0, s3;
	s0 =	sld [smem:$0x3FA5]  }
0x30: {  	s3 =	sld [smem:$0x3FA8]  }
0x31: {  	[smem:$0x3FB1] =	sst s10  }
0x32: {  	s10 =	sld [smem:$0x3FAF];
	_ =	sdelay $0x3  }
0x33: {  	p0 =	seq.s32 s10, $0x1;
	s10 =	sld [smem:$0x3FB1];
	_ =	sdelay $0x3  }
0x34: {  	[smem:$0x3FB1] =	sst s10  }
0x35: {  	s10 =	sld [smem:$0x3FB0];
	_ =	sdelay $0x3  }
0x36: {  	p1 =	seq.s32 s10, $0x1;
	s10 =	sld [smem:$0x3FB1];
	_ =	sdelay $0x3  }
0x37: {  	[smem:$0x3FB1] =	sst s10  }
0x38: {  	s10 =	sld [smem:$0x3FB2]  }
0x39: {  	_ = 	snop;
	(pc) =	sbr.ind lr, $3  }
0x3a: {  	_ = 	snop  }
0x3b: {  	_ = 	snop  }
0x3c: {  	p2 =	seq.s32 s10, $0x1;
	s10 =	sld [smem:$0x3FB1]  }
0x3d: {  	_ =	shalt  }
0x3e: {  	_ =	shalt  }
0x3f: {  	_ =	shalt  }
0x40: {  	_ =	shalt  }
0x41: {  	_ =	shalt  }
0x42: {  	_ =	shalt  }
0x43: {  	_ =	shalt  }
0x44: {  	_ =	shalt  }
0x45: {  	_ =	shalt  }
0x46: {  	_ =	shalt  }
0x47: {  	_ =	shalt  }
0x48: {  	_ =	shalt  }
0x49: {  	_ =	shalt  }
0x4a: {  	_ =	shalt  }
0x4b: {  	_ =	shalt  }
0x4c: {  	_ =	shalt  }
0x4d: {  	_ =	shalt  }
0x4e: {  	_ =	shalt  }
0x4f: {  	_ =	shalt  }
0x50: {  	_ =	shalt  }
0x51: {  	_ =	shalt  }
0x52: {  	_ =	shalt  }
0x53: {  	_ =	shalt  }
0x54: {  	_ =	shalt  }
0x55: {  	_ =	shalt  }
0x56: {  	_ =	shalt  }
0x57: {  	_ =	shalt  }
0x58: {  	_ =	shalt  }
0x59: {  	_ =	shalt  }
0x5a: {  	_ =	shalt  }
0x5b: {  	_ =	shalt  }
0x5c: {  	_ =	shalt  }
0x5d: {  	_ =	shalt  }
0x5e: {  	_ =	shalt  }
0x5f: {  	_ =	shalt  }
0x60: {  	_ =	shalt  }
0x61: {  	_ =	shalt  }
0x62: {  	_ =	shalt  }
0x63: {  	_ =	shalt  }
0x64: {  	_ =	shalt  }
0x65: {  	_ =	shalt  }
0x66: {  	_ =	shalt  }
0x67: {  	_ =	shalt  }
0x68: {  	_ =	shalt  }
0x69: {  	_ =	shalt  }
0x6a: {  	_ =	shalt  }
0x6b: {  	_ =	shalt  }
0x6c: {  	_ =	shalt  }
0x6d: {  	_ =	shalt  }
0x6e: {  	_ =	shalt  }
0x6f: {  	_ =	shalt  }
0x70: {  	_ =	shalt  }
0x71: {  	_ =	shalt  }
0x72: {  	_ =	shalt  }
0x73: {  	_ =	shalt  }
0x74: {  	_ =	shalt  }
0x75: {  	_ =	shalt  }
0x76: {  	_ =	shalt  }
0x77: {  	_ =	shalt  }
0x78: {  	_ =	shalt  }
0x79: {  	_ =	shalt  }
0x7a: {  	_ =	shalt  }
0x7b: {  	_ =	shalt  }
0x7c: {  	_ =	shalt  }
0x7d: {  	_ =	shalt  }
0x7e: {  	_ =	shalt  }
0x7f: {  	_ =	shalt  }
0x80: {  	_ =	shalt  }
0x81: {  	_ =	shalt  }
0x82: {  	_ =	shalt  }
0x83: {  	_ =	shalt  }
0x84: {  	_ =	shalt  }
0x85: {  	_ =	shalt  }
0x86: {  	_ =	shalt  }
0x87: {  	_ =	shalt  }
.Lfunc_end0:
.L_simem_size_0:
called_computation.1_lowered:
.L_overlay_start_0:
0x88: {  	s2 =	sld [smem:$0x3FD9]  }
0x89: {  	s3 =	sld [smem:$0x3FFE];
	_ =	sdelay $0x1  }
0x8a: {  	s1 =	srdreg.scid  }
0x8b: {  	s0 =	sand.u32 $0x1, s1  }
0x8c: {  	s17 =	sshll.u32 s0, $0xA;
	s2 =	sadd.s32 s3, s2  }
0x8d: {  	s2 =	sadd.s32 s2, s17  }
0x8e: {  	[smem:$0x3FBD] =	sst s2  }
0x8f: {  	_ = 	snop  }
0x90: {  	s18 =	sld [smem:$0x3FD0];
	(tm) =	ssettm $0x1  }
0x91: {  	s19 =	sld [smem:$0x3FFB];
	_ =	sdelay $0x3  }
0x92: {  	_ =	strace s19  }
0x93: {  	s2 =	sld [smem:$0x3FFC];
	_ =	sdelay $0x3  }
0x94: {  	_ =	strace s2  }
0x95: {  	s2 =	sld [smem:$0x3FFD];
	_ =	sdelay $0x3  }
0x96: {  	_ =	strace s2  }
0x97: {  	_ =	strace $0x8FFFFFFF  }
0x98: {  	s20 =	sld [smem:$0x3FDB];
	_ =	sdelay $0x1  }
0x99: {  	s4 =	simm.s32 $_scs_section_size  }
0x9a: {  	s5 =	simm.s32 $_size__tile_overlayer_lowered;
	s6 =	simm.s32 $_tile_overlayer_lowered  }
0x9b: {  	s7 =	simm.s32 $0x1BFF;
	s21 =	sshll.u32 s6, $0x1;
	s4 =	sadd.s32 s4, s20  }
0x9c: {  	s22 =	simm.s32 $0x0;
	s5 =	sshll.u32 s5, $0x1;
	s6 =	sadd.s32 s21, s4  }
0x9d: {  	[timem:s22], [sflag:s7] =	dma.local [hbm:s6], s5  }
0x9e: {  	_ =	swait.ge [sflag:s7], s5  }
0x9f: {  	s5 =	ssub.s32 $0x0, s5;
	[sflag:s7] =	ssyncset.done $0x0  }
0xa0: {  	[sflag:s7] =	ssyncadd.s32 s5;
	_ =	sdelay $0x1  }
0xa1: {  	s23 =	simm.s32 $0x1B8B  }
0xa2: {  	_ =	swait.ge [sflag:s23], $0x1  }
0xa3: {  	[sflag:s23] =	ssyncset.done $0x0  }
0xa4: {  	[sflag:s23] =	ssyncadd.s32 $0xFFFFFFFF  }
0xa5: {  	s5 =	sld [smem:$0x0]  }
0xa6: {  	s6 =	sand.u32 $0xFFFFFFFE, s1  }
0xa7: {  	p0 =	sne.s32 s1, s6  }
0xa8: {  	s6 =	sshll.u32 @p0 s6, $0xE  }
0xa9: {  	s6 =	sadd.s32 @p0 $0x11B8D, s6;
	s7 =	sshll.u32 @p0 s5, $0x11  }
0xaa: {  	s6 =	sor.u32 @p0 s7, s6  }
0xab: {  	[sflag:s6] =	ssyncadd.remote.s32 @p0 $0x1;
	_ =	sdelay $0x1  }
0xac: {  	s6 =	simm.s32 @p0 $0x1B8D  }
0xad: {  	_ =	swait.eq @p0 [sflag:s6], $0x1  }
0xae: {  	[sflag:s6] =	ssyncadd.s32 @p0 $0xFFFFFFFF  }
0xaf: {  	s7 =	sshll.u32 @!p0 s1, $0xE  }
0xb0: {  	s7 =	sor.u32 @!p0 $0x4000, s7;
	s6 =	simm.s32 @!p0 $0x1B8D  }
0xb1: {  	s5 =	sshll.u32 @!p0 s5, $0x11;
	s7 =	sadd.s32 @!p0 $0x11B8D, s7;
	_ =	swait.eq @!p0 [sflag:s6], $0x1  }
0xb2: {  	s5 =	sor.u32 @!p0 s5, s7;
	[sflag:s6] =	ssyncadd.s32 @!p0 $0xFFFFFFFF  }
0xb3: {  	s25 =	simm.s32 $0x1B8E;
	s24 =	sld [smem:$0x3FFE];
	[sflag:s5] =	ssyncadd.remote.s32 @!p0 $0x1  }
0xb4: {  	s26 =	simm.s32 $execute0_lowered;
	[smem:$0x3FD2] =	sst s25  }
0xb5: {  	s6 =	sshll.u32 s26, $0x1;
	_ =	strace $0x8000004C;
	[dreg:$0x1] =	wrdreg $0xFFFFFFFF  }
0xb6: {  	s28 =	simm.s32 $_size_execute0_lowered;
	s4 =	sadd.s32 s4, s6;
	[dreg:$0x0] =	wrdreg $0x0  }
0xb7: {  	s6 =	sshll.u32 s28, $0x1;
	[dreg:$0x2] =	wrdreg s4  }
0xb8: {  	[dreg:$0x3] =	wrdreg s6  }
0xb9: {  	[dreg:$0x4] =	wrdreg $0xC0  }
0xba: {  	_ =	task [dreg:s22], $0x5FFFF  }
0xbb: {  	[dreg:$0x1] =	wrdreg $0xFFFFFFFF  }
0xbc: {  	[dreg:$0x0] =	wrdreg $0x60  }
0xbd: {  	[dreg:$0x2] =	wrdreg s24  }
0xbe: {  	[dreg:$0x3] =	wrdreg s18  }
0xbf: {  	[dreg:$0x4] =	wrdreg $0x81000  }
0xc0: {  	[dreg:$0x5] =	wrdreg $0xA  }
0xc1: {  	_ =	task.clear_ibuf [dreg:s22], $0x6FFFF;
	_ =	strace $0x9000004C  }
0xc2: {  	s29 =	simm.s32 $0xA;
	_ =	strace $0x8000004E  }
0xc3: {  	_ =	swait.ge [sflag:s29], $0x1  }
0xc4: {  	[sflag:s29] =	ssyncadd.s32 $0xFFFFFFFF  }
0xc5: {  	_ =	strace $0x9000004E  }
0xc6: {  	_ =	sfence  }
0xc7: {  	s30 =	sld [smem:$0x0];
	_ =	sdelay $0x2  }
0xc8: {  	s31 =	sshll.u32 s1, $0xD;
	s1 =	sshrl.u32 s1, $0x2  }
0xc9: {  	s4 =	sand.u32 $0x4000, s31;
	s1 =	sadd.s32 s1, s30  }
0xca: {  	s0 =	sor.u32 s4, s0;
	s1 =	sshll.u32 s1, $0x11  }
0xcb: {  	s0 =	sor.u32 s1, s0  }
0xcc: {  	s0 =	sadd.s32 $0x8F2B, s0  }
0xcd: {  	[sflag:s0] =	ssyncadd.remote.s32 $0x1  }
0xce: {  	_ =	sfence.sel $0xFFFF  }
0xcf: {  	[dreg:$0x0] =	wrdreg $0xFFFFFFFF;
	(pc) =	sbr.abs _section_cstart, $3  }
0xd0: {  	[dreg:$0x1] =	wrdreg $0xFFFFFFFF  }
0xd1: {  	_ =	task.clear_ibuf [dreg:s22], $0x2FFFF;
	_ =	strace $0x9FFFFFFF  }
0xd2: {  	(tm) =	ssettm $0x7FFFFFFF  }
0xd3: {  	_ =	shalt  }
tec
execute0_lowered:
.L_overlay_start_1:
0x0: {  	(tag) =	ssettag $0x1  }
0x1: {  	s5 =	rddreg [dreg:$0x0]  }
0x2: {  	s12 =	rddreg [dreg:$0x1]  }
0x3: {  	s2 =	rddreg [dreg:$0x2]  }
0x4: {  	s0 =	rddreg [dreg:$0x3];
	s4 =	srdreg.scid  }
0x5: {  	s3 =	simm.s32 $0x0;
	s1 =	stileid.u32;
	s6 =	sand.u32 $0x1, s4  }
0x6: {  	[smem:$0x7FF] =	sst s3;
	s25 =	sshll.u32 s1, $0x8;
	s26 =	smul.u32 $0x50000, s1  }
0x7: {  	s4 =	sadd.s32 $0xC800, s5;
	s9 =	smul.u32 $0x280, s1;
	p0 =	slt.u32 s1, $0x2  }
0x8: {  	s20 =	smul.u32 $0x2800, s1;
	s7 =	sshll.u32 s6, $0x7;
	_ =	strace $0x8000004D  }
0x9: {  	s8 =	smul.u32 $0x28000, s6;
	s6 =	ssub.s32 $0x2, s6;
	s7 =	sor.u32 s7, s25  }
0xa: {  	s28 =	sshrl.u32 s6, $0x1;
	s16 =	sadd.s32 $0x80, s9;
	s17 =	sadd.s32 $0x100, s9  }
0xb: {  	s18 =	sadd.s32 $0x180, s9;
	s19 =	sadd.s32 $0x200, s9;
	s9 =	simm.s32 $0x4F  }
0xc: {  	s13 =	sshrl.u32 s7, $0x3;
	s11 =	sadd.s32 s8, s5;
	s7 =	sshrl.u32 s26, $0x2  }
0xd: {  	s15 =	ssub.s32 s6, s28;
	s29 =	sshll.u32 s16, $0x7;
	s30 =	sshll.u32 s17, $0x7  }
0xe: {  	s31 =	sshll.u32 s18, $0x7;
	s10 =	sshll.u32 s19, $0x7;
	s9 =	simm.s32 @!p0 $0x4E  }
0xf: {  	s21 =	sshll.u32 s16, $0x4;
	s23 =	sshll.u32 s17, $0x4;
	s24 =	sshll.u32 s18, $0x4  }
0x10: {  	s25 =	sshll.u32 s19, $0x4;
	s16 =	simm.s32 $0x2;
	s17 =	simm.s32 $0x80  }
0x11: {  	s14 =	sadd.s32 s13, s5;
	s5 =	sadd.s32 s7, s2;
	s6 =	sadd.s32 s29, s2  }
0x12: {  	s7 =	sadd.s32 s30, s2;
	s8 =	sadd.s32 s31, s2;
	s10 =	sadd.s32 s10, s2  }
0x13: {  	s22 =	sadd.s32 $0x33A00, s11;
	s11 =	smax.u32 s15, $0x1;
	s12 =	sadd.s32 s13, s12  }
0x14: {  	s15 =	simm.s32 $0x1;
	s13 =	sadd.s32 $0x2A00, s14;
	s14 =	simm.s32 $0x100  }
0x15: {  	s18 =	sadd.s32 s20, s22;
	s19 =	sadd.s32 s21, s22;
	s20 =	sadd.s32 s23, s22  }
0x16: {  	v0 =	vimm.f32 $0.0e+00;
	s21 =	sadd.s32 s24, s22;
	s22 =	sadd.s32 s25, s22;
	s23 =	simm.s32 $0x0  }
.LBB2_1:
0x17: {  	s24 =	simm.s32 $0x0;
	s25 =	simm.s32 $0x200  }
.LBB2_2:
0x18: {  	p0 =	sne.s32 s25, $0xFE00;
	[tilespmem:s24+$0x170] =	vst v0  }
0x19: {  	[tilespmem:s24+$0x100] =	vst v0  }
0x1a: {  	[tilespmem:s24+$0x110] =	vst v0  }
.Ltmp0:
0x1b: {  	[tilespmem:s24+$0x120] =	vst v0;
	(pc) =	sbr.rel @p0 .LBB2_2-.Ltmp0, $4  }
0x1c: {  	[tilespmem:s24+$0x130] =	vst v0  }
0x1d: {  	[tilespmem:s24+$0x140] =	vst v0  }
0x1e: {  	[tilespmem:s24+$0x150] =	vst v0  }
0x1f: {  	[tilespmem:s24+$0x160] =	vst v0;
	s24 =	sshra.s32 s25, $0x2;
	s25 =	sadd.s32 $0x200, s25  }
0x20: {  	[tilespmem:s24+$0x170] =	vst v0  }
0x21: {  	[tilespmem:s24+$0x100] =	vst v0  }
0x22: {  	[tilespmem:s24+$0x110] =	vst v0  }
0x23: {  	[tilespmem:s24+$0x120] =	vst v0  }
0x24: {  	[tilespmem:s24+$0x130] =	vst v0  }
0x25: {  	[tilespmem:s24+$0x140] =	vst v0  }
0x26: {  	[tilespmem:s24+$0x150] =	vst v0  }
0x27: {  	[tilespmem:s24+$0x160] =	vst v0;
	s24 =	simm.s32 $0x200;
	s25 =	simm.s32 $0x0  }
.LBB2_4:
0x28: {  	p0 =	sne.s32 s24, $0xFE00;
	[tilespmem:s25+$0x4100] =	vst v0;
	s25 =	smov.u32 s24;
	s24 =	sadd.s32 $0x200, s24  }
.Ltmp1:
0x29: {  	(pc) =	sbr.rel @p0 .LBB2_4-.Ltmp1, $2  }
0x2a: {  	_ =	sdelay $0x2  }
0x2b: {  	s25 =	sshra.s32 s25, $0x2  }
0x2c: {  	[tilespmem:s25+$0x4100] =	vst v0  }
0x2d: {  	[spmem:s5] =	stream.linear.scatter [tilespmem:s14], [sflag:$0x1], $0x4000, $0x38;
	[tilespmem:$0x1C100] =	vst v63  }
0x2e: {  	_ =	swait.ge [sflag:s15], $0x4000  }
0x2f: {  	[sflag:s15] =	ssyncset.done $0x0  }
0x30: {  	[sflag:s15] =	ssyncadd.s32 $0xFFFFC000  }
0x31: {  	[spmem:s6] =	stream.linear.scatter [tilespmem:s14], [sflag:$0x1], $0x4000, $0x38;
	[tilespmem:$0x1C100] =	vst v63  }
0x32: {  	_ =	swait.ge [sflag:s15], $0x4000  }
0x33: {  	[sflag:s15] =	ssyncset.done $0x0  }
0x34: {  	[sflag:s15] =	ssyncadd.s32 $0xFFFFC000  }
0x35: {  	[spmem:s7] =	stream.linear.scatter [tilespmem:s14], [sflag:$0x1], $0x4000, $0x38;
	[tilespmem:$0x1C100] =	vst v63  }
0x36: {  	_ =	swait.ge [sflag:s15], $0x4000  }
0x37: {  	[sflag:s15] =	ssyncset.done $0x0  }
0x38: {  	[sflag:s15] =	ssyncadd.s32 $0xFFFFC000  }
0x39: {  	[spmem:s8] =	stream.linear.scatter [tilespmem:s14], [sflag:$0x1], $0x4000, $0x38;
	[tilespmem:$0x1C100] =	vst v63  }
0x3a: {  	_ =	swait.ge [sflag:s15], $0x4000  }
0x3b: {  	[sflag:s15] =	ssyncset.done $0x0  }
0x3c: {  	[sflag:s15] =	ssyncadd.s32 $0xFFFFC000  }
0x3d: {  	[spmem:s10] =	stream.linear.scatter [tilespmem:s14], [sflag:$0x1], $0x4000, $0x38;
	[tilespmem:$0x1C100] =	vst v63  }
0x3e: {  	_ =	swait.ge [sflag:s15], $0x4000  }
0x3f: {  	[sflag:s15] =	ssyncset.done $0x0  }
0x40: {  	[sflag:s15] =	ssyncadd.s32 $0xFFFFC000  }
0x41: {  	[bflag:$0x0] =	sbarrier.arrive $0xFFFF  }
0x42: {  	[tilespmem:s3], [sflag:$0x2] =	stream.linear.gather [hbm4b:s13+s3], $0x80, $0x38;
	[tilespmem:$0x1C100] =	vst v63  }
0x43: {  	_ =	swait.ge [sflag:s16], $0x80  }
0x44: {  	[sflag:s16] =	ssyncset.done $0x0  }
0x45: {  	[sflag:s16] =	ssyncadd.s32 $0xFFFFFF80  }
0x46: {  	[tilespmem:s17], [sflag:$0x2] =	stream.linear.gather [hbm4b:s12+s3], $0x80, $0x38;
	[tilespmem:$0x1C100] =	vst v63  }
0x47: {  	_ =	swait.ge [sflag:s16], $0x80  }
0x48: {  	[sflag:s16] =	ssyncset.done $0x0  }
0x49: {  	[sflag:s16] =	ssyncadd.s32 $0xFFFFFF80  }
0x4a: {  	[tilespmem:s14], [sflag:$0x1] =	stream.indirect.gather [hbm4b:s4+s17], $0x80, s3, s17, $0xb8;
	[tilespmem:$0x1C100] =	vst v63  }
0x4b: {  	p0 =	sne.s32 s9, $0x1;
	_ =	swait.ge [sflag:s15], $0x4000  }
.Ltmp2:
0x4c: {  	[sflag:s15] =	ssyncset.done $0x0;
	(pc) =	sbr.rel @!p0 .LBB2_7-.Ltmp2, $4  }
0x4d: {  	[sflag:s15] =	ssyncadd.s32 $0xFFFFC000  }
0x4e: {  	[spmem:s2] =	stream.indirect.scatter.add.f32 [tilespmem:s14], [sflag:$0x1], $0x80, s17, s17, $0xb8;
	[tilespmem:$0x1C100] =	vst v63  }
0x4f: {  	s24 =	sadd.s32 $0xFFFFFFFF, s9;
	_ =	swait.ge [sflag:s15], $0x4000  }
0x50: {  	s25 =	smov.u32 s12;
	s26 =	smov.u32 s13;
	[sflag:s15] =	ssyncset.done $0x0  }
.LBB2_6:
0x51: {  	[sflag:s15] =	ssyncadd.s32 $0xFFFFC000;
	s25 =	sadd.s32 $0x200, s25;
	s26 =	sadd.s32 $0x200, s26  }
0x52: {  	[tilespmem:s3], [sflag:$0x2] =	stream.linear.gather [hbm4b:s26+s3], $0x80, $0x38;
	[tilespmem:$0x1C100] =	vst v63  }
0x53: {  	p0 =	sne.s32 s24, $0x1;
	s24 =	sadd.s32 $0xFFFFFFFF, s24;
	_ =	swait.ge [sflag:s16], $0x80  }
0x54: {  	[sflag:s16] =	ssyncset.done $0x0  }
0x55: {  	[sflag:s16] =	ssyncadd.s32 $0xFFFFFF80  }
0x56: {  	[tilespmem:s17], [sflag:$0x2] =	stream.linear.gather [hbm4b:s25+s3], $0x80, $0x38;
	[tilespmem:$0x1C100] =	vst v63  }
0x57: {  	_ =	swait.ge [sflag:s16], $0x80  }
0x58: {  	[sflag:s16] =	ssyncset.done $0x0  }
0x59: {  	[sflag:s16] =	ssyncadd.s32 $0xFFFFFF80  }
0x5a: {  	[tilespmem:s14], [sflag:$0x1] =	stream.indirect.gather [hbm4b:s4+s17], $0x80, s3, s17, $0xb8;
	[tilespmem:$0x1C100] =	vst v63  }
0x5b: {  	_ =	swait.ge [sflag:s15], $0x4000  }
.Ltmp3:
0x5c: {  	[sflag:s15] =	ssyncset.done $0x0;
	(pc) =	sbr.rel @p0 .LBB2_6-.Ltmp3, $4  }
0x5d: {  	[sflag:s15] =	ssyncadd.s32 $0xFFFFC000  }
0x5e: {  	[spmem:s2] =	stream.indirect.scatter.add.f32 [tilespmem:s14], [sflag:$0x1], $0x80, s17, s17, $0xb8;
	[tilespmem:$0x1C100] =	vst v63  }
0x5f: {  	_ =	swait.ge [sflag:s15], $0x4000  }
0x60: {  	[sflag:s15] =	ssyncset.done $0x0  }
.LBB2_7:
0x61: {  	[sflag:s15] =	ssyncadd.s32 $0xFFFFC000  }
0x62: {  	[bflag:$0x0] =	sbarrier.arrive $0xFFFF  }
0x63: {  	[tilespmem:s14], [sflag:$0x1] =	stream.linear.gather [spmem:s5], $0x4000, $0x38;
	[tilespmem:$0x1C100] =	vst v63  }
0x64: {  	_ =	swait.ge [sflag:s15], $0x4000  }
0x65: {  	[sflag:s15] =	ssyncset.done $0x0  }
0x66: {  	[sflag:s15] =	ssyncadd.s32 $0xFFFFC000  }
0x67: {  	[hbm4b:s18+s3] =	stream.linear.scatter [tilespmem:s14], [sflag:$0x2], $0x4000, $0x38;
	[tilespmem:$0x1C100] =	vst v63  }
0x68: {  	_ =	swait.ge [sflag:s16], $0x4000  }
0x69: {  	[sflag:s16] =	ssyncset.done $0x0  }
0x6a: {  	[sflag:s16] =	ssyncadd.s32 $0xFFFFC000  }
0x6b: {  	[tilespmem:s14], [sflag:$0x1] =	stream.linear.gather [spmem:s6], $0x4000, $0x38;
	[tilespmem:$0x1C100] =	vst v63  }
0x6c: {  	_ =	swait.ge [sflag:s15], $0x4000  }
0x6d: {  	[sflag:s15] =	ssyncset.done $0x0  }
0x6e: {  	[sflag:s15] =	ssyncadd.s32 $0xFFFFC000  }
0x6f: {  	[hbm4b:s19+s3] =	stream.linear.scatter [tilespmem:s14], [sflag:$0x2], $0x4000, $0x38;
	[tilespmem:$0x1C100] =	vst v63  }
0x70: {  	_ =	swait.ge [sflag:s16], $0x4000  }
0x71: {  	[sflag:s16] =	ssyncset.done $0x0  }
0x72: {  	[sflag:s16] =	ssyncadd.s32 $0xFFFFC000  }
0x73: {  	[tilespmem:s14], [sflag:$0x1] =	stream.linear.gather [spmem:s7], $0x4000, $0x38;
	[tilespmem:$0x1C100] =	vst v63  }
0x74: {  	_ =	swait.ge [sflag:s15], $0x4000  }
0x75: {  	[sflag:s15] =	ssyncset.done $0x0  }
0x76: {  	[sflag:s15] =	ssyncadd.s32 $0xFFFFC000  }
0x77: {  	[hbm4b:s20+s3] =	stream.linear.scatter [tilespmem:s14], [sflag:$0x2], $0x4000, $0x38;
	[tilespmem:$0x1C100] =	vst v63  }
0x78: {  	_ =	swait.ge [sflag:s16], $0x4000  }
0x79: {  	[sflag:s16] =	ssyncset.done $0x0  }
0x7a: {  	[sflag:s16] =	ssyncadd.s32 $0xFFFFC000  }
0x7b: {  	[tilespmem:s14], [sflag:$0x1] =	stream.linear.gather [spmem:s8], $0x4000, $0x38;
	[tilespmem:$0x1C100] =	vst v63  }
0x7c: {  	_ =	swait.ge [sflag:s15], $0x4000  }
0x7d: {  	[sflag:s15] =	ssyncset.done $0x0  }
0x7e: {  	[sflag:s15] =	ssyncadd.s32 $0xFFFFC000  }
0x7f: {  	[hbm4b:s21+s3] =	stream.linear.scatter [tilespmem:s14], [sflag:$0x2], $0x4000, $0x38;
	[tilespmem:$0x1C100] =	vst v63  }
0x80: {  	_ =	swait.ge [sflag:s16], $0x4000  }
0x81: {  	[sflag:s16] =	ssyncset.done $0x0  }
0x82: {  	[sflag:s16] =	ssyncadd.s32 $0xFFFFC000  }
0x83: {  	[tilespmem:s14], [sflag:$0x1] =	stream.linear.gather [spmem:s10], $0x4000, $0x38;
	[tilespmem:$0x1C100] =	vst v63  }
0x84: {  	s23 =	sadd.s32 $0x1, s23;
	_ =	swait.ge [sflag:s15], $0x4000  }
0x85: {  	p0 =	sne.s32 s23, s11;
	[sflag:s15] =	ssyncset.done $0x0  }
.Ltmp4:
0x86: {  	[sflag:s15] =	ssyncadd.s32 $0xFFFFC000;
	(pc) =	sbr.rel @p0 .LBB2_1-.Ltmp4, $4  }
0x87: {  	[hbm4b:s22+s3] =	stream.linear.scatter [tilespmem:s14], [sflag:$0x2], $0x4000, $0x38;
	[tilespmem:$0x1C100] =	vst v63  }
0x88: {  	_ =	swait.ge [sflag:s16], $0x4000  }
0x89: {  	[sflag:s16] =	ssyncset.done $0x0  }
0x8a: {  	[sflag:s16] =	ssyncadd.s32 $0xFFFFC000  }
0x8b: {  	_ =	sfence.sel $0x180000  }
0x8c: {  	[bflag:$0x0] =	sbarrier.arrive $0xFFFF  }
0x8d: {  	p0 =	sne.s32 s1, $0x0;
	_ =	strace $0x9000004D  }
0x8e: {  	s0 =	sadd.s32 @!p0 $0x100000, s0;
	[bflag:$0x2] =	sbarrier.arrive $0xFFFF  }
0x8f: {  	[sflag:s0] =	ssyncadd.tile.s32 @!p0 $0x1;
	_ =	shalt  }
.Lfunc_end2:
_tile_overlayer_lowered:
.L_overlay_start_2:
0x90: {  	(tag) =	ssettag $0x2  }
0x91: {  	s0 =	rddreg [dreg:$0x0];
	s2 =	stileid.u32  }
0x92: {  	s1 =	rddreg [dreg:$0x1];
	p0 =	sne.s32 s2, $0x0  }
0x93: {  	s3 =	rddreg [dreg:$0x2];
	[bflag:$0x3] =	sbarrier.arrive $0xFFFF;
	s2 =	simm.s32 @!p0 $0x1C02  }
0x94: {  	[timem:s3], [sflag:s2] =	dma.local @!p0 [hbm:s0], s1  }
0x95: {  	s0 =	simm.s32 @!p0 $0x2  }
0x96: {  	_ =	swait.ge @!p0 [sflag:s0], s1  }
0x97: {  	s1 =	ssub.s32 @!p0 $0x0, s1;
	[sflag:s0] =	ssyncset.done @!p0 $0x0  }
0x98: {  	[sflag:s0] =	ssyncadd.s32 @!p0 s1  }
0x99: {  	[bflag:$0x3] =	sbarrier.arrive $0xFFFF  }
0x9a: {  	_ =	shalt  }

// kernel: kernel.13.cloned.1.call-start
scs
__scs_entry_jumppad:
0x0: {  	(pc) =	sbr.rel $0x88, $3  }
0x1: {  	(tag) =	ssettag $0x0;
	lr =	simm.s32 $0x1  }
0x2: {  	[smem:$0x3F96] =	sst lr;
	_ =	strace $0xD0000000  }
0x3: {  	_ = 	snop  }
0x4: {  	_ = 	snop  }
0x5: {  	_ = 	snop  }
0x6: {  	_ = 	snop  }
0x7: {  	_ = 	snop  }
__scs_overlays_trampoline_lowered:
0x8: {  	[smem:$0x3FA5] =	sst s0  }
0x9: {  	[smem:$0x3FA6] =	sst s1  }
0xa: {  	[smem:$0x3FA7] =	sst s2  }
0xb: {  	[smem:$0x3FA8] =	sst s3  }
0xc: {  	[smem:$0x3FA9] =	sst s4  }
0xd: {  	[smem:$0x3FAA] =	sst s5  }
0xe: {  	[smem:$0x3FAB] =	sst s6  }
0xf: {  	[smem:$0x3FAC] =	sst s7  }
0x10: {  	[smem:$0x3FAD] =	sst s8  }
0x11: {  	[smem:$0x3FAE] =	sst s9;
	s0 =	simm.s32 @!p0 $0x0  }
0x12: {  	s1 =	sld [smem:$0x3F94];
	s0 =	simm.s32 @p0 $0x1  }
0x13: {  	[smem:$0x3FAF] =	sst s0;
	s0 =	simm.s32 @!p1 $0x0  }
0x14: {  	s2 =	sld [smem:$0x3F93];
	s0 =	simm.s32 @p1 $0x1  }
0x15: {  	[smem:$0x3FB0] =	sst s0;
	s0 =	simm.s32 @!p2 $0x0  }
0x16: {  	s3 =	sld [smem:$0x3FDB];
	s0 =	simm.s32 @p2 $0x1  }
0x17: {  	s4 =	simm.s32 $0x1BF5;
	[smem:$0x3FB2] =	sst s0  }
0x18: {  	s0 =	sld [smem:$0x3F95];
	_ =	swait.ge [sflag:s4], $0x0  }
0x19: {  	s7 =	sld [smem:$0x3F96]  }
0x1a: {  	s8 =	sadd.s32 $0xFFFFE003, lr  }
0x1b: {  	s9 =	sadd.s32 $0xFFFFFEF7, lr;
	s5 =	simm.s32 $0xFFFFFFFF;
	p2 =	slt.u32 s8, $0xFFFFF086  }
0x1c: {  	p1 =	slt.u32 s9, $0xF7A;
	s5 =	simm.s32 @!p2 $0x0  }
0x1d: {  	s5 =	simm.s32 @p1 $0x1;
	p0 =	seq.s32 s7, s2  }
0x1e: {  	s7 =	smul.u32 @!p0 $0xF7A, s2;
	p2 =	seq.s32 @!p0 s5, $0x0  }
0x1f: {  	s9 =	smul.u32 $0xF7A, s1;
	s8 =	simm.s32 @!p0 $0x1BF5;
	p2 =	por !p2, p0  }
0x20: {  	[sflag:s8] =	ssyncset.s32 @!p0 $0xFFFFF086;
	s6 =	sadd.s32 @!p0 s3, s7;
	s7 =	simm.s32 @!p0 $0x108  }
0x21: {  	s3 =	sadd.s32 s3, s9;
	s6 =	sadd.s32 @!p0 $0x88, s6;
	s7 =	simm.s32 @p2 $0x1082  }
0x22: {  	[simem:s7], [sflag:s8] =	dma.local @!p0 [hbm:s6], $0xF7A  }
0x23: {  	s9 =	sor.u32 $0xD0000000, s2;
	s6 =	simm.s32 $0x108;
	_ =	swait.ge @!p0 [sflag:s8], $0x0  }
0x24: {  	s3 =	sadd.s32 $0x88, s3;
	s6 =	simm.s32 @!p1 $0x1082;
	[sflag:s4] =	ssyncset.s32 $0xFFFFF086  }
0x25: {  	[simem:s6], [sflag:s4] =	dma.local [hbm:s3], $0xF7A  }
0x26: {  	[smem:$0x3F96] =	sst s1;
	(tag) =	ssettag s2;
	_ =	strace s9  }
0x27: {  	s1 =	sld [smem:$0x3FA6]  }
0x28: {  	s2 =	sld [smem:$0x3FA7]  }
0x29: {  	s4 =	sld [smem:$0x3FA9]  }
0x2a: {  	p0 =	seq.s32 s5, $0x0;
	s5 =	sld [smem:$0x3FAA]  }
0x2b: {  	s6 =	sld [smem:$0x3FAB]  }
0x2c: {  	s7 =	sld [smem:$0x3FAC]  }
0x2d: {  	s3 =	simm.s32 $0x108;
	s8 =	sld [smem:$0x3FAD]  }
0x2e: {  	s3 =	simm.s32 @!p0 $0x1082;
	s9 =	sld [smem:$0x3FAE]  }
0x2f: {  	lr =	sadd.s32 s0, s3;
	s0 =	sld [smem:$0x3FA5]  }
0x30: {  	s3 =	sld [smem:$0x3FA8]  }
0x31: {  	[smem:$0x3FB1] =	sst s10  }
0x32: {  	s10 =	sld [smem:$0x3FAF];
	_ =	sdelay $0x3  }
0x33: {  	p0 =	seq.s32 s10, $0x1;
	s10 =	sld [smem:$0x3FB1];
	_ =	sdelay $0x3  }
0x34: {  	[smem:$0x3FB1] =	sst s10  }
0x35: {  	s10 =	sld [smem:$0x3FB0];
	_ =	sdelay $0x3  }
0x36: {  	p1 =	seq.s32 s10, $0x1;
	s10 =	sld [smem:$0x3FB1];
	_ =	sdelay $0x3  }
0x37: {  	[smem:$0x3FB1] =	sst s10  }
0x38: {  	s10 =	sld [smem:$0x3FB2]  }
0x39: {  	_ = 	snop;
	(pc) =	sbr.ind lr, $3  }
0x3a: {  	_ = 	snop  }
0x3b: {  	_ = 	snop  }
0x3c: {  	p2 =	seq.s32 s10, $0x1;
	s10 =	sld [smem:$0x3FB1]  }
0x3d: {  	_ =	shalt  }
0x3e: {  	_ =	shalt  }
0x3f: {  	_ =	shalt  }
0x40: {  	_ =	shalt  }
0x41: {  	_ =	shalt  }
0x42: {  	_ =	shalt  }
0x43: {  	_ =	shalt  }
0x44: {  	_ =	shalt  }
0x45: {  	_ =	shalt  }
0x46: {  	_ =	shalt  }
0x47: {  	_ =	shalt  }
0x48: {  	_ =	shalt  }
0x49: {  	_ =	shalt  }
0x4a: {  	_ =	shalt  }
0x4b: {  	_ =	shalt  }
0x4c: {  	_ =	shalt  }
0x4d: {  	_ =	shalt  }
0x4e: {  	_ =	shalt  }
0x4f: {  	_ =	shalt  }
0x50: {  	_ =	shalt  }
0x51: {  	_ =	shalt  }
0x52: {  	_ =	shalt  }
0x53: {  	_ =	shalt  }
0x54: {  	_ =	shalt  }
0x55: {  	_ =	shalt  }
0x56: {  	_ =	shalt  }
0x57: {  	_ =	shalt  }
0x58: {  	_ =	shalt  }
0x59: {  	_ =	shalt  }
0x5a: {  	_ =	shalt  }
0x5b: {  	_ =	shalt  }
0x5c: {  	_ =	shalt  }
0x5d: {  	_ =	shalt  }
0x5e: {  	_ =	shalt  }
0x5f: {  	_ =	shalt  }
0x60: {  	_ =	shalt  }
0x61: {  	_ =	shalt  }
0x62: {  	_ =	shalt  }
0x63: {  	_ =	shalt  }
0x64: {  	_ =	shalt  }
0x65: {  	_ =	shalt  }
0x66: {  	_ =	shalt  }
0x67: {  	_ =	shalt  }
0x68: {  	_ =	shalt  }
0x69: {  	_ =	shalt  }
0x6a: {  	_ =	shalt  }
0x6b: {  	_ =	shalt  }
0x6c: {  	_ =	shalt  }
0x6d: {  	_ =	shalt  }
0x6e: {  	_ =	shalt  }
0x6f: {  	_ =	shalt  }
0x70: {  	_ =	shalt  }
0x71: {  	_ =	shalt  }
0x72: {  	_ =	shalt  }
0x73: {  	_ =	shalt  }
0x74: {  	_ =	shalt  }
0x75: {  	_ =	shalt  }
0x76: {  	_ =	shalt  }
0x77: {  	_ =	shalt  }
0x78: {  	_ =	shalt  }
0x79: {  	_ =	shalt  }
0x7a: {  	_ =	shalt  }
0x7b: {  	_ =	shalt  }
0x7c: {  	_ =	shalt  }
0x7d: {  	_ =	shalt  }
0x7e: {  	_ =	shalt  }
0x7f: {  	_ =	shalt  }
0x80: {  	_ =	shalt  }
0x81: {  	_ =	shalt  }
0x82: {  	_ =	shalt  }
0x83: {  	_ =	shalt  }
0x84: {  	_ =	shalt  }
0x85: {  	_ =	shalt  }
0x86: {  	_ =	shalt  }
0x87: {  	_ =	shalt  }
.Lfunc_end0:
.L_simem_size_0:
called_computation.2_lowered:
.L_overlay_start_0:
0x88: {  	s2 =	sld [smem:$0x3FD9]  }
0x89: {  	s3 =	sld [smem:$0x3FFE];
	_ =	sdelay $0x1  }
0x8a: {  	s1 =	srdreg.scid  }
0x8b: {  	s0 =	sand.u32 $0x1, s1  }
0x8c: {  	s17 =	sshll.u32 s0, $0xA;
	s2 =	sadd.s32 s3, s2  }
0x8d: {  	s2 =	sadd.s32 s2, s17  }
0x8e: {  	[smem:$0x3FBD] =	sst s2  }
0x8f: {  	_ = 	snop  }
0x90: {  	s18 =	sld [smem:$0x3FD0];
	(tm) =	ssettm $0x1  }
0x91: {  	s19 =	sld [smem:$0x3FFB];
	_ =	sdelay $0x3  }
0x92: {  	_ =	strace s19  }
0x93: {  	s2 =	sld [smem:$0x3FFC];
	_ =	sdelay $0x3  }
0x94: {  	_ =	strace s2  }
0x95: {  	s2 =	sld [smem:$0x3FFD];
	_ =	sdelay $0x3  }
0x96: {  	_ =	strace s2  }
0x97: {  	_ =	strace $0x8FFFFFFF  }
0x98: {  	s20 =	sld [smem:$0x3FDB];
	_ =	sdelay $0x1  }
0x99: {  	s4 =	simm.s32 $_scs_section_size  }
0x9a: {  	s5 =	simm.s32 $_size__tile_overlayer_lowered;
	s6 =	simm.s32 $_tile_overlayer_lowered  }
0x9b: {  	s7 =	simm.s32 $0x1BFF;
	s21 =	sshll.u32 s6, $0x1;
	s4 =	sadd.s32 s4, s20  }
0x9c: {  	s22 =	simm.s32 $0x0;
	s5 =	sshll.u32 s5, $0x1;
	s6 =	sadd.s32 s21, s4  }
0x9d: {  	[timem:s22], [sflag:s7] =	dma.local [hbm:s6], s5  }
0x9e: {  	_ =	swait.ge [sflag:s7], s5  }
0x9f: {  	s5 =	ssub.s32 $0x0, s5;
	[sflag:s7] =	ssyncset.done $0x0  }
0xa0: {  	[sflag:s7] =	ssyncadd.s32 s5;
	_ =	sdelay $0x1  }
0xa1: {  	s23 =	simm.s32 $0x1B8B  }
0xa2: {  	_ =	swait.ge [sflag:s23], $0x1  }
0xa3: {  	[sflag:s23] =	ssyncset.done $0x0  }
0xa4: {  	[sflag:s23] =	ssyncadd.s32 $0xFFFFFFFF  }
0xa5: {  	s5 =	sld [smem:$0x0]  }
0xa6: {  	s6 =	sand.u32 $0xFFFFFFFE, s1  }
0xa7: {  	p0 =	sne.s32 s1, s6  }
0xa8: {  	s6 =	sshll.u32 @p0 s6, $0xE  }
0xa9: {  	s6 =	sadd.s32 @p0 $0x11B8D, s6;
	s7 =	sshll.u32 @p0 s5, $0x11  }
0xaa: {  	s6 =	sor.u32 @p0 s7, s6  }
0xab: {  	[sflag:s6] =	ssyncadd.remote.s32 @p0 $0x1;
	_ =	sdelay $0x1  }
0xac: {  	s6 =	simm.s32 @p0 $0x1B8D  }
0xad: {  	_ =	swait.eq @p0 [sflag:s6], $0x1  }
0xae: {  	[sflag:s6] =	ssyncadd.s32 @p0 $0xFFFFFFFF  }
0xaf: {  	s7 =	sshll.u32 @!p0 s1, $0xE  }
0xb0: {  	s7 =	sor.u32 @!p0 $0x4000, s7;
	s6 =	simm.s32 @!p0 $0x1B8D  }
0xb1: {  	s5 =	sshll.u32 @!p0 s5, $0x11;
	s7 =	sadd.s32 @!p0 $0x11B8D, s7;
	_ =	swait.eq @!p0 [sflag:s6], $0x1  }
0xb2: {  	s5 =	sor.u32 @!p0 s5, s7;
	[sflag:s6] =	ssyncadd.s32 @!p0 $0xFFFFFFFF  }
0xb3: {  	s25 =	simm.s32 $0x1B8E;
	s24 =	sld [smem:$0x3FFE];
	[sflag:s5] =	ssyncadd.remote.s32 @!p0 $0x1  }
0xb4: {  	s26 =	simm.s32 $execute0_lowered;
	[smem:$0x3FD2] =	sst s25  }
0xb5: {  	s6 =	sshll.u32 s26, $0x1;
	_ =	strace $0x80000049;
	[dreg:$0x1] =	wrdreg $0xFFFFFFFF  }
0xb6: {  	s28 =	simm.s32 $_size_execute0_lowered;
	s4 =	sadd.s32 s4, s6;
	[dreg:$0x0] =	wrdreg $0x0  }
0xb7: {  	s6 =	sshll.u32 s28, $0x1;
	[dreg:$0x2] =	wrdreg s4  }
0xb8: {  	[dreg:$0x3] =	wrdreg s6  }
0xb9: {  	[dreg:$0x4] =	wrdreg $0xC0  }
0xba: {  	_ =	task [dreg:s22], $0x5FFFF  }
0xbb: {  	[dreg:$0x1] =	wrdreg $0xFFFFFFFF  }
0xbc: {  	[dreg:$0x0] =	wrdreg $0x60  }
0xbd: {  	[dreg:$0x2] =	wrdreg s18  }
0xbe: {  	[dreg:$0x3] =	wrdreg s24  }
0xbf: {  	[dreg:$0x4] =	wrdreg $0x40800  }
0xc0: {  	[dreg:$0x5] =	wrdreg $0x9  }
0xc1: {  	_ =	task.clear_ibuf [dreg:s22], $0x6FFFF;
	_ =	strace $0x90000049  }
0xc2: {  	s29 =	simm.s32 $0x9;
	_ =	strace $0x8000004B  }
0xc3: {  	_ =	swait.ge [sflag:s29], $0x1  }
0xc4: {  	[sflag:s29] =	ssyncadd.s32 $0xFFFFFFFF  }
0xc5: {  	_ =	strace $0x9000004B  }
0xc6: {  	_ =	sfence  }
0xc7: {  	s30 =	sld [smem:$0x0];
	_ =	sdelay $0x2  }
0xc8: {  	s31 =	sshll.u32 s1, $0xD;
	s1 =	sshrl.u32 s1, $0x2  }
0xc9: {  	s4 =	sand.u32 $0x4000, s31;
	s1 =	sadd.s32 s1, s30  }
0xca: {  	s0 =	sor.u32 s4, s0;
	s1 =	sshll.u32 s1, $0x11  }
0xcb: {  	s0 =	sor.u32 s1, s0  }
0xcc: {  	s0 =	sadd.s32 $0x8F2B, s0  }
0xcd: {  	[sflag:s0] =	ssyncadd.remote.s32 $0x1  }
0xce: {  	_ =	sfence.sel $0xFFFF  }
0xcf: {  	[dreg:$0x0] =	wrdreg $0xFFFFFFFF;
	(pc) =	sbr.abs _section_cstart, $3  }
0xd0: {  	[dreg:$0x1] =	wrdreg $0xFFFFFFFF  }
0xd1: {  	_ =	task.clear_ibuf [dreg:s22], $0x2FFFF;
	_ =	strace $0x9FFFFFFF  }
0xd2: {  	(tm) =	ssettm $0x7FFFFFFF  }
0xd3: {  	_ =	shalt  }
tec
execute0_lowered:
.L_overlay_start_1:
0x0: {  	(tag) =	ssettag $0x1  }
0x1: {  	s11 =	rddreg [dreg:$0x0]  }
0x2: {  	s4 =	rddreg [dreg:$0x1]  }
0x3: {  	s0 =	srdreg.scid;
	s1 =	stileid.u32  }
0x4: {  	s2 =	rddreg [dreg:$0x2];
	s3 =	simm.s32 $0x0;
	s7 =	smul.u32 $0x280, s1  }
0x5: {  	s10 =	sand.u32 $0x1, s0;
	s0 =	rddreg [dreg:$0x3];
	s8 =	smul.u32 $0x50000, s1  }
0x6: {  	[smem:$0x7FF] =	sst s3;
	p0 =	slt.u32 s1, $0x2;
	s20 =	smul.u32 $0x2800, s1  }
0x7: {  	s18 =	sshll.u32 s1, $0x8;
	s5 =	smul.u32 $0x28000, s10;
	s6 =	ssub.s32 $0x2, s10  }
0x8: {  	_ =	strace $0x8000004A;
	s10 =	sshll.u32 s10, $0x7;
	s24 =	sshrl.u32 s6, $0x1  }
0x9: {  	s25 =	sshrl.u32 s8, $0x2;
	s14 =	sadd.s32 $0x80, s7;
	s15 =	sadd.s32 $0x100, s7  }
0xa: {  	s16 =	sadd.s32 $0x180, s7;
	s17 =	sadd.s32 $0x200, s7;
	s7 =	simm.s32 $0x4F  }
0xb: {  	s10 =	sor.u32 s10, s18;
	s12 =	sadd.s32 s5, s4;
	s13 =	ssub.s32 s6, s24  }
0xc: {  	s4 =	sadd.s32 s25, s2;
	s26 =	sshll.u32 s14, $0x7;
	s28 =	sshll.u32 s15, $0x7  }
0xd: {  	s29 =	sshll.u32 s16, $0x7;
	s9 =	sshll.u32 s17, $0x7;
	s7 =	simm.s32 @!p0 $0x4E  }
0xe: {  	s21 =	sshll.u32 s14, $0x4;
	s30 =	sshll.u32 s15, $0x4;
	s22 =	sshll.u32 s16, $0x4  }
0xf: {  	s31 =	sshrl.u32 s10, $0x3;
	s23 =	sshll.u32 s17, $0x4;
	s14 =	simm.s32 $0x2  }
0x10: {  	s5 =	sadd.s32 s26, s2;
	s6 =	sadd.s32 s28, s2;
	s8 =	sadd.s32 s29, s2  }
0x11: {  	s9 =	sadd.s32 s9, s2;
	s19 =	sadd.s32 $0x53E800, s12;
	s10 =	smax.u32 s13, $0x1  }
0x12: {  	s11 =	sadd.s32 s31, s11;
	s12 =	simm.s32 $0x80;
	s13 =	simm.s32 $0x1  }
0x13: {  	s15 =	sadd.s32 s20, s19;
	s16 =	sadd.s32 s21, s19;
	s17 =	sadd.s32 s30, s19  }
0x14: {  	v0 =	vimm.f32 $0.0e+00;
	v1 =	vimm.f32 $1.000000000e+00;
	s18 =	sadd.s32 s22, s19;
	s19 =	sadd.s32 s23, s19;
	s20 =	simm.s32 $0x0  }
.LBB2_1:
0x15: {  	s21 =	simm.s32 $0x0;
	s22 =	simm.s32 $0x200  }
.LBB2_2:
0x16: {  	p0 =	sne.s32 s22, $0xFE00;
	[tilespmem:s21+$0xF0] =	vst v0  }
0x17: {  	[tilespmem:s21+$0x80] =	vst v0  }
0x18: {  	[tilespmem:s21+$0x90] =	vst v0  }
.Ltmp0:
0x19: {  	[tilespmem:s21+$0xA0] =	vst v0;
	(pc) =	sbr.rel @p0 .LBB2_2-.Ltmp0, $4  }
0x1a: {  	[tilespmem:s21+$0xB0] =	vst v0  }
0x1b: {  	[tilespmem:s21+$0xC0] =	vst v0  }
0x1c: {  	[tilespmem:s21+$0xD0] =	vst v0  }
0x1d: {  	[tilespmem:s21+$0xE0] =	vst v0;
	s21 =	sshra.s32 s22, $0x2;
	s22 =	sadd.s32 $0x200, s22  }
0x1e: {  	[tilespmem:s21+$0xF0] =	vst v0  }
0x1f: {  	[tilespmem:s21+$0x80] =	vst v0  }
0x20: {  	[tilespmem:s21+$0x90] =	vst v0  }
0x21: {  	[tilespmem:s21+$0xA0] =	vst v0  }
0x22: {  	[tilespmem:s21+$0xB0] =	vst v0  }
0x23: {  	[tilespmem:s21+$0xC0] =	vst v0  }
0x24: {  	[tilespmem:s21+$0xD0] =	vst v0  }
0x25: {  	[tilespmem:s21+$0xE0] =	vst v0  }
0x26: {  	[spmem:s4] =	stream.linear.scatter [tilespmem:s12], [sflag:$0x1], $0x4000, $0x38;
	[tilespmem:$0x18080] =	vst v63  }
0x27: {  	_ =	swait.ge [sflag:s13], $0x4000  }
0x28: {  	[sflag:s13] =	ssyncset.done $0x0  }
0x29: {  	[sflag:s13] =	ssyncadd.s32 $0xFFFFC000  }
0x2a: {  	[spmem:s5] =	stream.linear.scatter [tilespmem:s12], [sflag:$0x1], $0x4000, $0x38;
	[tilespmem:$0x18080] =	vst v63  }
0x2b: {  	_ =	swait.ge [sflag:s13], $0x4000  }
0x2c: {  	[sflag:s13] =	ssyncset.done $0x0  }
0x2d: {  	[sflag:s13] =	ssyncadd.s32 $0xFFFFC000  }
0x2e: {  	[spmem:s6] =	stream.linear.scatter [tilespmem:s12], [sflag:$0x1], $0x4000, $0x38;
	[tilespmem:$0x18080] =	vst v63  }
0x2f: {  	_ =	swait.ge [sflag:s13], $0x4000  }
0x30: {  	[sflag:s13] =	ssyncset.done $0x0  }
0x31: {  	[sflag:s13] =	ssyncadd.s32 $0xFFFFC000  }
0x32: {  	[spmem:s8] =	stream.linear.scatter [tilespmem:s12], [sflag:$0x1], $0x4000, $0x38;
	[tilespmem:$0x18080] =	vst v63  }
0x33: {  	_ =	swait.ge [sflag:s13], $0x4000  }
0x34: {  	[sflag:s13] =	ssyncset.done $0x0  }
0x35: {  	[sflag:s13] =	ssyncadd.s32 $0xFFFFC000  }
0x36: {  	[spmem:s9] =	stream.linear.scatter [tilespmem:s12], [sflag:$0x1], $0x4000, $0x38;
	[tilespmem:$0x18080] =	vst v63  }
0x37: {  	_ =	swait.ge [sflag:s13], $0x4000  }
0x38: {  	[sflag:s13] =	ssyncset.done $0x0  }
0x39: {  	s21 =	simm.s32 $0x0;
	s22 =	simm.s32 $0x200;
	[sflag:s13] =	ssyncadd.s32 $0xFFFFC000  }
.LBB2_4:
0x3a: {  	p0 =	sne.s32 s22, $0xFE00;
	[tilespmem:s21+$0xF0] =	vst v1  }
0x3b: {  	[tilespmem:s21+$0x80] =	vst v1  }
0x3c: {  	[tilespmem:s21+$0x90] =	vst v1  }
.Ltmp1:
0x3d: {  	[tilespmem:s21+$0xA0] =	vst v1;
	(pc) =	sbr.rel @p0 .LBB2_4-.Ltmp1, $4  }
0x3e: {  	[tilespmem:s21+$0xB0] =	vst v1  }
0x3f: {  	[tilespmem:s21+$0xC0] =	vst v1  }
0x40: {  	[tilespmem:s21+$0xD0] =	vst v1  }
0x41: {  	[tilespmem:s21+$0xE0] =	vst v1;
	s21 =	sshra.s32 s22, $0x2;
	s22 =	sadd.s32 $0x200, s22  }
0x42: {  	[tilespmem:s21+$0xF0] =	vst v1  }
0x43: {  	[tilespmem:s21+$0x80] =	vst v1  }
0x44: {  	[tilespmem:s21+$0x90] =	vst v1  }
0x45: {  	[tilespmem:s21+$0xA0] =	vst v1  }
0x46: {  	[tilespmem:s21+$0xB0] =	vst v1  }
0x47: {  	[tilespmem:s21+$0xC0] =	vst v1  }
0x48: {  	[tilespmem:s21+$0xD0] =	vst v1  }
0x49: {  	[tilespmem:s21+$0xE0] =	vst v1  }
0x4a: {  	[bflag:$0x0] =	sbarrier.arrive $0xFFFF  }
0x4b: {  	[tilespmem:s3], [sflag:$0x2] =	stream.linear.gather [hbm4b:s11+s3], $0x80, $0x38;
	[tilespmem:$0x18080] =	vst v63  }
0x4c: {  	p0 =	sne.s32 s7, $0x1;
	_ =	swait.ge [sflag:s14], $0x80  }
.Ltmp2:
0x4d: {  	[sflag:s14] =	ssyncset.done $0x0;
	(pc) =	sbr.rel @!p0 .LBB2_7-.Ltmp2, $4  }
0x4e: {  	[sflag:s14] =	ssyncadd.s32 $0xFFFFFF80  }
0x4f: {  	[spmem:s2] =	stream.indirect.scatter.add.f32 [tilespmem:s12], [sflag:$0x1], $0x80, s3, s12, $0xb8;
	[tilespmem:$0x18080] =	vst v63  }
0x50: {  	_ =	swait.ge [sflag:s13], $0x4000  }
0x51: {  	s21 =	sadd.s32 $0xFFFFFFFF, s7;
	s22 =	smov.u32 s11;
	[sflag:s13] =	ssyncset.done $0x0  }
.LBB2_6:
0x52: {  	p0 =	sne.s32 s21, $0x1;
	[sflag:s13] =	ssyncadd.s32 $0xFFFFC000;
	s22 =	sadd.s32 $0x200, s22  }
0x53: {  	[tilespmem:s3], [sflag:$0x2] =	stream.linear.gather [hbm4b:s22+s3], $0x80, $0x38;
	[tilespmem:$0x18080] =	vst v63  }
0x54: {  	s21 =	sadd.s32 $0xFFFFFFFF, s21;
	_ =	swait.ge [sflag:s14], $0x80  }
.Ltmp3:
0x55: {  	[sflag:s14] =	ssyncset.done $0x0;
	(pc) =	sbr.rel @p0 .LBB2_6-.Ltmp3, $4  }
0x56: {  	[sflag:s14] =	ssyncadd.s32 $0xFFFFFF80  }
0x57: {  	[spmem:s2] =	stream.indirect.scatter.add.f32 [tilespmem:s12], [sflag:$0x1], $0x80, s3, s12, $0xb8;
	[tilespmem:$0x18080] =	vst v63  }
0x58: {  	_ =	swait.ge [sflag:s13], $0x4000  }
0x59: {  	[sflag:s13] =	ssyncset.done $0x0  }
.LBB2_7:
0x5a: {  	[sflag:s13] =	ssyncadd.s32 $0xFFFFC000  }
0x5b: {  	[bflag:$0x0] =	sbarrier.arrive $0xFFFF  }
0x5c: {  	[tilespmem:s12], [sflag:$0x1] =	stream.linear.gather [spmem:s4], $0x4000, $0x38;
	[tilespmem:$0x18080] =	vst v63  }
0x5d: {  	_ =	swait.ge [sflag:s13], $0x4000  }
0x5e: {  	[sflag:s13] =	ssyncset.done $0x0  }
0x5f: {  	[sflag:s13] =	ssyncadd.s32 $0xFFFFC000  }
0x60: {  	[hbm4b:s15+s3] =	stream.linear.scatter [tilespmem:s12], [sflag:$0x2], $0x4000, $0x38;
	[tilespmem:$0x18080] =	vst v63  }
0x61: {  	_ =	swait.ge [sflag:s14], $0x4000  }
0x62: {  	[sflag:s14] =	ssyncset.done $0x0  }
0x63: {  	[sflag:s14] =	ssyncadd.s32 $0xFFFFC000  }
0x64: {  	[tilespmem:s12], [sflag:$0x1] =	stream.linear.gather [spmem:s5], $0x4000, $0x38;
	[tilespmem:$0x18080] =	vst v63  }
0x65: {  	_ =	swait.ge [sflag:s13], $0x4000  }
0x66: {  	[sflag:s13] =	ssyncset.done $0x0  }
0x67: {  	[sflag:s13] =	ssyncadd.s32 $0xFFFFC000  }
0x68: {  	[hbm4b:s16+s3] =	stream.linear.scatter [tilespmem:s12], [sflag:$0x2], $0x4000, $0x38;
	[tilespmem:$0x18080] =	vst v63  }
0x69: {  	_ =	swait.ge [sflag:s14], $0x4000  }
0x6a: {  	[sflag:s14] =	ssyncset.done $0x0  }
0x6b: {  	[sflag:s14] =	ssyncadd.s32 $0xFFFFC000  }
0x6c: {  	[tilespmem:s12], [sflag:$0x1] =	stream.linear.gather [spmem:s6], $0x4000, $0x38;
	[tilespmem:$0x18080] =	vst v63  }
0x6d: {  	_ =	swait.ge [sflag:s13], $0x4000  }
0x6e: {  	[sflag:s13] =	ssyncset.done $0x0  }
0x6f: {  	[sflag:s13] =	ssyncadd.s32 $0xFFFFC000  }
0x70: {  	[hbm4b:s17+s3] =	stream.linear.scatter [tilespmem:s12], [sflag:$0x2], $0x4000, $0x38;
	[tilespmem:$0x18080] =	vst v63  }
0x71: {  	_ =	swait.ge [sflag:s14], $0x4000  }
0x72: {  	[sflag:s14] =	ssyncset.done $0x0  }
0x73: {  	[sflag:s14] =	ssyncadd.s32 $0xFFFFC000  }
0x74: {  	[tilespmem:s12], [sflag:$0x1] =	stream.linear.gather [spmem:s8], $0x4000, $0x38;
	[tilespmem:$0x18080] =	vst v63  }
0x75: {  	_ =	swait.ge [sflag:s13], $0x4000  }
0x76: {  	[sflag:s13] =	ssyncset.done $0x0  }
0x77: {  	[sflag:s13] =	ssyncadd.s32 $0xFFFFC000  }
0x78: {  	[hbm4b:s18+s3] =	stream.linear.scatter [tilespmem:s12], [sflag:$0x2], $0x4000, $0x38;
	[tilespmem:$0x18080] =	vst v63  }
0x79: {  	_ =	swait.ge [sflag:s14], $0x4000  }
0x7a: {  	[sflag:s14] =	ssyncset.done $0x0  }
0x7b: {  	[sflag:s14] =	ssyncadd.s32 $0xFFFFC000  }
0x7c: {  	[tilespmem:s12], [sflag:$0x1] =	stream.linear.gather [spmem:s9], $0x4000, $0x38;
	[tilespmem:$0x18080] =	vst v63  }
0x7d: {  	s20 =	sadd.s32 $0x1, s20;
	_ =	swait.ge [sflag:s13], $0x4000  }
0x7e: {  	p0 =	sne.s32 s20, s10;
	[sflag:s13] =	ssyncset.done $0x0  }
.Ltmp4:
0x7f: {  	[sflag:s13] =	ssyncadd.s32 $0xFFFFC000;
	(pc) =	sbr.rel @p0 .LBB2_1-.Ltmp4, $4  }
0x80: {  	[hbm4b:s19+s3] =	stream.linear.scatter [tilespmem:s12], [sflag:$0x2], $0x4000, $0x38;
	[tilespmem:$0x18080] =	vst v63  }
0x81: {  	_ =	swait.ge [sflag:s14], $0x4000  }
0x82: {  	[sflag:s14] =	ssyncset.done $0x0  }
0x83: {  	[sflag:s14] =	ssyncadd.s32 $0xFFFFC000  }
0x84: {  	_ =	sfence.sel $0x180000  }
0x85: {  	[bflag:$0x0] =	sbarrier.arrive $0xFFFF  }
0x86: {  	p0 =	sne.s32 s1, $0x0;
	_ =	strace $0x9000004A  }
0x87: {  	s0 =	sadd.s32 @!p0 $0x100000, s0;
	[bflag:$0x2] =	sbarrier.arrive $0xFFFF  }
0x88: {  	[sflag:s0] =	ssyncadd.tile.s32 @!p0 $0x1;
	_ =	shalt  }
.Lfunc_end2:
_tile_overlayer_lowered:
.L_overlay_start_2:
0x89: {  	(tag) =	ssettag $0x2  }
0x8a: {  	s0 =	rddreg [dreg:$0x0];
	s2 =	stileid.u32  }
0x8b: {  	s1 =	rddreg [dreg:$0x1];
	p0 =	sne.s32 s2, $0x0  }
0x8c: {  	s3 =	rddreg [dreg:$0x2];
	[bflag:$0x3] =	sbarrier.arrive $0xFFFF;
	s2 =	simm.s32 @!p0 $0x1C02  }
0x8d: {  	[timem:s3], [sflag:s2] =	dma.local @!p0 [hbm:s0], s1  }
0x8e: {  	s0 =	simm.s32 @!p0 $0x2  }
0x8f: {  	_ =	swait.ge @!p0 [sflag:s0], s1  }
0x90: {  	s1 =	ssub.s32 @!p0 $0x0, s1;
	[sflag:s0] =	ssyncset.done @!p0 $0x0  }
0x91: {  	[sflag:s0] =	ssyncadd.s32 @!p0 s1  }
0x92: {  	[bflag:$0x3] =	sbarrier.arrive $0xFFFF  }
0x93: {  	_ =	shalt  }

// kernel: kernel.7.cloned.1.call-start
scs
__scs_entry_jumppad:
0x0: {  	(pc) =	sbr.rel $0x88, $3  }
0x1: {  	(tag) =	ssettag $0x0;
	lr =	simm.s32 $0x1  }
0x2: {  	[smem:$0x3F96] =	sst lr;
	_ =	strace $0xD0000000  }
0x3: {  	_ = 	snop  }
0x4: {  	_ = 	snop  }
0x5: {  	_ = 	snop  }
0x6: {  	_ = 	snop  }
0x7: {  	_ = 	snop  }
__scs_overlays_trampoline_lowered:
0x8: {  	[smem:$0x3FA5] =	sst s0  }
0x9: {  	[smem:$0x3FA6] =	sst s1  }
0xa: {  	[smem:$0x3FA7] =	sst s2  }
0xb: {  	[smem:$0x3FA8] =	sst s3  }
0xc: {  	[smem:$0x3FA9] =	sst s4  }
0xd: {  	[smem:$0x3FAA] =	sst s5  }
0xe: {  	[smem:$0x3FAB] =	sst s6  }
0xf: {  	[smem:$0x3FAC] =	sst s7  }
0x10: {  	[smem:$0x3FAD] =	sst s8  }
0x11: {  	[smem:$0x3FAE] =	sst s9;
	s0 =	simm.s32 @!p0 $0x0  }
0x12: {  	s1 =	sld [smem:$0x3F94];
	s0 =	simm.s32 @p0 $0x1  }
0x13: {  	[smem:$0x3FAF] =	sst s0;
	s0 =	simm.s32 @!p1 $0x0  }
0x14: {  	s2 =	sld [smem:$0x3F93];
	s0 =	simm.s32 @p1 $0x1  }
0x15: {  	[smem:$0x3FB0] =	sst s0;
	s0 =	simm.s32 @!p2 $0x0  }
0x16: {  	s3 =	sld [smem:$0x3FDB];
	s0 =	simm.s32 @p2 $0x1  }
0x17: {  	s4 =	simm.s32 $0x1BF5;
	[smem:$0x3FB2] =	sst s0  }
0x18: {  	s0 =	sld [smem:$0x3F95];
	_ =	swait.ge [sflag:s4], $0x0  }
0x19: {  	s7 =	sld [smem:$0x3F96]  }
0x1a: {  	s8 =	sadd.s32 $0xFFFFE003, lr  }
0x1b: {  	s9 =	sadd.s32 $0xFFFFFEF7, lr;
	s5 =	simm.s32 $0xFFFFFFFF;
	p2 =	slt.u32 s8, $0xFFFFF086  }
0x1c: {  	p1 =	slt.u32 s9, $0xF7A;
	s5 =	simm.s32 @!p2 $0x0  }
0x1d: {  	s5 =	simm.s32 @p1 $0x1;
	p0 =	seq.s32 s7, s2  }
0x1e: {  	s7 =	smul.u32 @!p0 $0xF7A, s2;
	p2 =	seq.s32 @!p0 s5, $0x0  }
0x1f: {  	s9 =	smul.u32 $0xF7A, s1;
	s8 =	simm.s32 @!p0 $0x1BF5;
	p2 =	por !p2, p0  }
0x20: {  	[sflag:s8] =	ssyncset.s32 @!p0 $0xFFFFF086;
	s6 =	sadd.s32 @!p0 s3, s7;
	s7 =	simm.s32 @!p0 $0x108  }
0x21: {  	s3 =	sadd.s32 s3, s9;
	s6 =	sadd.s32 @!p0 $0x88, s6;
	s7 =	simm.s32 @p2 $0x1082  }
0x22: {  	[simem:s7], [sflag:s8] =	dma.local @!p0 [hbm:s6], $0xF7A  }
0x23: {  	s9 =	sor.u32 $0xD0000000, s2;
	s6 =	simm.s32 $0x108;
	_ =	swait.ge @!p0 [sflag:s8], $0x0  }
0x24: {  	s3 =	sadd.s32 $0x88, s3;
	s6 =	simm.s32 @!p1 $0x1082;
	[sflag:s4] =	ssyncset.s32 $0xFFFFF086  }
0x25: {  	[simem:s6], [sflag:s4] =	dma.local [hbm:s3], $0xF7A  }
0x26: {  	[smem:$0x3F96] =	sst s1;
	(tag) =	ssettag s2;
	_ =	strace s9  }
0x27: {  	s1 =	sld [smem:$0x3FA6]  }
0x28: {  	s2 =	sld [smem:$0x3FA7]  }
0x29: {  	s4 =	sld [smem:$0x3FA9]  }
0x2a: {  	p0 =	seq.s32 s5, $0x0;
	s5 =	sld [smem:$0x3FAA]  }
0x2b: {  	s6 =	sld [smem:$0x3FAB]  }
0x2c: {  	s7 =	sld [smem:$0x3FAC]  }
0x2d: {  	s3 =	simm.s32 $0x108;
	s8 =	sld [smem:$0x3FAD]  }
0x2e: {  	s3 =	simm.s32 @!p0 $0x1082;
	s9 =	sld [smem:$0x3FAE]  }
0x2f: {  	lr =	sadd.s32 s0, s3;
	s0 =	sld [smem:$0x3FA5]  }
0x30: {  	s3 =	sld [smem:$0x3FA8]  }
0x31: {  	[smem:$0x3FB1] =	sst s10  }
0x32: {  	s10 =	sld [smem:$0x3FAF];
	_ =	sdelay $0x3  }
0x33: {  	p0 =	seq.s32 s10, $0x1;
	s10 =	sld [smem:$0x3FB1];
	_ =	sdelay $0x3  }
0x34: {  	[smem:$0x3FB1] =	sst s10  }
0x35: {  	s10 =	sld [smem:$0x3FB0];
	_ =	sdelay $0x3  }
0x36: {  	p1 =	seq.s32 s10, $0x1;
	s10 =	sld [smem:$0x3FB1];
	_ =	sdelay $0x3  }
0x37: {  	[smem:$0x3FB1] =	sst s10  }
0x38: {  	s10 =	sld [smem:$0x3FB2]  }
0x39: {  	_ = 	snop;
	(pc) =	sbr.ind lr, $3  }
0x3a: {  	_ = 	snop  }
0x3b: {  	_ = 	snop  }
0x3c: {  	p2 =	seq.s32 s10, $0x1;
	s10 =	sld [smem:$0x3FB1]  }
0x3d: {  	_ =	shalt  }
0x3e: {  	_ =	shalt  }
0x3f: {  	_ =	shalt  }
0x40: {  	_ =	shalt  }
0x41: {  	_ =	shalt  }
0x42: {  	_ =	shalt  }
0x43: {  	_ =	shalt  }
0x44: {  	_ =	shalt  }
0x45: {  	_ =	shalt  }
0x46: {  	_ =	shalt  }
0x47: {  	_ =	shalt  }
0x48: {  	_ =	shalt  }
0x49: {  	_ =	shalt  }
0x4a: {  	_ =	shalt  }
0x4b: {  	_ =	shalt  }
0x4c: {  	_ =	shalt  }
0x4d: {  	_ =	shalt  }
0x4e: {  	_ =	shalt  }
0x4f: {  	_ =	shalt  }
0x50: {  	_ =	shalt  }
0x51: {  	_ =	shalt  }
0x52: {  	_ =	shalt  }
0x53: {  	_ =	shalt  }
0x54: {  	_ =	shalt  }
0x55: {  	_ =	shalt  }
0x56: {  	_ =	shalt  }
0x57: {  	_ =	shalt  }
0x58: {  	_ =	shalt  }
0x59: {  	_ =	shalt  }
0x5a: {  	_ =	shalt  }
0x5b: {  	_ =	shalt  }
0x5c: {  	_ =	shalt  }
0x5d: {  	_ =	shalt  }
0x5e: {  	_ =	shalt  }
0x5f: {  	_ =	shalt  }
0x60: {  	_ =	shalt  }
0x61: {  	_ =	shalt  }
0x62: {  	_ =	shalt  }
0x63: {  	_ =	shalt  }
0x64: {  	_ =	shalt  }
0x65: {  	_ =	shalt  }
0x66: {  	_ =	shalt  }
0x67: {  	_ =	shalt  }
0x68: {  	_ =	shalt  }
0x69: {  	_ =	shalt  }
0x6a: {  	_ =	shalt  }
0x6b: {  	_ =	shalt  }
0x6c: {  	_ =	shalt  }
0x6d: {  	_ =	shalt  }
0x6e: {  	_ =	shalt  }
0x6f: {  	_ =	shalt  }
0x70: {  	_ =	shalt  }
0x71: {  	_ =	shalt  }
0x72: {  	_ =	shalt  }
0x73: {  	_ =	shalt  }
0x74: {  	_ =	shalt  }
0x75: {  	_ =	shalt  }
0x76: {  	_ =	shalt  }
0x77: {  	_ =	shalt  }
0x78: {  	_ =	shalt  }
0x79: {  	_ =	shalt  }
0x7a: {  	_ =	shalt  }
0x7b: {  	_ =	shalt  }
0x7c: {  	_ =	shalt  }
0x7d: {  	_ =	shalt  }
0x7e: {  	_ =	shalt  }
0x7f: {  	_ =	shalt  }
0x80: {  	_ =	shalt  }
0x81: {  	_ =	shalt  }
0x82: {  	_ =	shalt  }
0x83: {  	_ =	shalt  }
0x84: {  	_ =	shalt  }
0x85: {  	_ =	shalt  }
0x86: {  	_ =	shalt  }
0x87: {  	_ =	shalt  }
.Lfunc_end0:
.L_simem_size_0:
called_computation_lowered:
.L_overlay_start_0:
0x88: {  	s2 =	sld [smem:$0x3FD9]  }
0x89: {  	s3 =	sld [smem:$0x3FFE];
	_ =	sdelay $0x1  }
0x8a: {  	s1 =	srdreg.scid  }
0x8b: {  	s0 =	sand.u32 $0x1, s1  }
0x8c: {  	s17 =	sshll.u32 s0, $0xA;
	s2 =	sadd.s32 s3, s2  }
0x8d: {  	s2 =	sadd.s32 s2, s17  }
0x8e: {  	[smem:$0x3FBD] =	sst s2  }
0x8f: {  	_ = 	snop  }
0x90: {  	s2 =	sld [smem:$0x3FC9]  }
0x91: {  	s18 =	sld [smem:$0x3FD0];
	(tm) =	ssettm $0x1  }
0x92: {  	s4 =	sld [smem:$0x3FFB];
	_ =	sdelay $0x3  }
0x93: {  	_ =	strace s4  }
0x94: {  	s4 =	sld [smem:$0x3FFC];
	_ =	sdelay $0x3  }
0x95: {  	_ =	strace s4  }
0x96: {  	s4 =	sld [smem:$0x3FFD];
	_ =	sdelay $0x3  }
0x97: {  	_ =	strace s4  }
0x98: {  	_ =	strace $0x8FFFFFFF  }
0x99: {  	s19 =	sld [smem:$0x3FDB];
	_ =	sdelay $0x1  }
0x9a: {  	s5 =	simm.s32 $_scs_section_size  }
0x9b: {  	s6 =	simm.s32 $_size__tile_overlayer_lowered;
	s7 =	simm.s32 $_tile_overlayer_lowered  }
0x9c: {  	s22 =	simm.s32 $0x1BFF;
	s21 =	sshll.u32 s7, $0x1;
	s4 =	sadd.s32 s5, s19  }
0x9d: {  	s8 =	simm.s32 $0x0;
	s20 =	sshll.u32 s6, $0x1;
	s6 =	sadd.s32 s21, s4  }
0x9e: {  	[timem:s8], [sflag:s22] =	dma.local [hbm:s6], s20  }
0x9f: {  	_ =	swait.ge [sflag:s22], s20  }
0xa0: {  	s5 =	ssub.s32 $0x0, s20;
	[sflag:s22] =	ssyncset.done $0x0  }
0xa1: {  	[sflag:s22] =	ssyncadd.s32 s5;
	_ =	sdelay $0x1  }
0xa2: {  	s23 =	simm.s32 $0x1B8B  }
0xa3: {  	_ =	swait.ge [sflag:s23], $0x1  }
0xa4: {  	[sflag:s23] =	ssyncset.done $0x0  }
0xa5: {  	s25 =	simm.s32 $0x1B8E;
	s24 =	sld [smem:$0x3FFE];
	[sflag:s23] =	ssyncadd.s32 $0xFFFFFFFF  }
0xa6: {  	s26 =	simm.s32 $execute0_lowered;
	[smem:$0x3FD2] =	sst s25  }
0xa7: {  	s6 =	sshll.u32 s26, $0x1;
	_ =	strace $0x80000046;
	[dreg:$0x1] =	wrdreg $0xFFFFFFFF  }
0xa8: {  	s28 =	simm.s32 $_size_execute0_lowered;
	s4 =	sadd.s32 s4, s6;
	[dreg:$0x0] =	wrdreg $0x0  }
0xa9: {  	s6 =	sshll.u32 s28, $0x1;
	[dreg:$0x2] =	wrdreg s4  }
0xaa: {  	[dreg:$0x3] =	wrdreg s6  }
0xab: {  	[dreg:$0x4] =	wrdreg $0xC0  }
0xac: {  	_ =	task [dreg:s8], $0x5FFFF  }
0xad: {  	[dreg:$0x1] =	wrdreg $0xFFFFFFFF  }
0xae: {  	[dreg:$0x0] =	wrdreg $0x60  }
0xaf: {  	[dreg:$0x2] =	wrdreg s2  }
0xb0: {  	[dreg:$0x3] =	wrdreg s24  }
0xb1: {  	[dreg:$0x4] =	wrdreg s18  }
0xb2: {  	[dreg:$0x5] =	wrdreg $0x81000  }
0xb3: {  	[dreg:$0x6] =	wrdreg $0xA  }
0xb4: {  	_ =	task.clear_ibuf [dreg:s8], $0x7FFFF;
	_ =	strace $0x90000046  }
0xb5: {  	s29 =	simm.s32 $0xA;
	_ =	strace $0x80000048  }
0xb6: {  	_ =	swait.ge [sflag:s29], $0x1  }
0xb7: {  	[sflag:s29] =	ssyncadd.s32 $0xFFFFFFFF  }
0xb8: {  	_ =	strace $0x90000048  }
0xb9: {  	_ =	sfence  }
0xba: {  	s30 =	sld [smem:$0x0];
	_ =	sdelay $0x2  }
0xbb: {  	s31 =	sshll.u32 s1, $0xD;
	s1 =	sshrl.u32 s1, $0x2  }
0xbc: {  	s3 =	sand.u32 $0x4000, s31;
	s1 =	sadd.s32 s1, s30  }
0xbd: {  	s0 =	sor.u32 s3, s0;
	s1 =	sshll.u32 s1, $0x11  }
0xbe: {  	s0 =	sor.u32 s1, s0  }
0xbf: {  	s0 =	sadd.s32 $0x8F2B, s0  }
0xc0: {  	[sflag:s0] =	ssyncadd.remote.s32 $0x1  }
0xc1: {  	_ =	sfence.sel $0xFFFF  }
0xc2: {  	[dreg:$0x0] =	wrdreg $0xFFFFFFFF;
	(pc) =	sbr.abs _section_cstart, $3  }
0xc3: {  	[dreg:$0x1] =	wrdreg $0xFFFFFFFF  }
0xc4: {  	_ =	task.clear_ibuf [dreg:s8], $0x2FFFF;
	_ =	strace $0x9FFFFFFF  }
0xc5: {  	(tm) =	ssettm $0x7FFFFFFF  }
tec
execute0_lowered:
.L_overlay_start_1:
0x0: {  	(tag) =	ssettag $0x1  }
0x1: {  	s1 =	rddreg [dreg:$0x0]  }
0x2: {  	s8 =	rddreg [dreg:$0x1]  }
0x3: {  	s2 =	rddreg [dreg:$0x2]  }
0x4: {  	s3 =	rddreg [dreg:$0x3];
	s4 =	simm.s32 $0x0;
	s5 =	srdreg.scid  }
0x5: {  	[smem:$0x7FF] =	sst s4;
	s13 =	sand.u32 $0x1, s5;
	s5 =	stileid.u32  }
0x6: {  	s6 =	sadd.s32 $0x2A00, s8;
	s7 =	sadd.s32 $0xC800, s8;
	s9 =	smul.u32 $0x28000, s13  }
0x7: {  	_ =	strace $0x80000047;
	s11 =	smul.u32 $0x280, s5;
	s10 =	ssub.s32 $0x2, s13  }
0x8: {  	s12 =	smul.u32 $0x50000, s5;
	p0 =	slt.u32 s5, $0x2;
	s21 =	sshll.u32 s5, $0x8  }
0x9: {  	s22 =	sshll.u32 s13, $0x7;
	s30 =	smul.u32 $0x2800, s5;
	s24 =	sshrl.u32 s10, $0x1  }
0xa: {  	s15 =	sadd.s32 s9, s8;
	s16 =	ssub.s32 s10, s24;
	s25 =	sshrl.u32 s12, $0x2  }
0xb: {  	s17 =	sadd.s32 $0x80, s11;
	s18 =	sadd.s32 $0x100, s11;
	s19 =	sadd.s32 $0x180, s11  }
0xc: {  	s20 =	sadd.s32 $0x200, s11;
	s12 =	simm.s32 $0x4F;
	s8 =	sadd.s32 s25, s3  }
0xd: {  	s26 =	sshll.u32 s17, $0x7;
	s28 =	sshll.u32 s18, $0x7;
	s29 =	sshll.u32 s19, $0x7  }
0xe: {  	s14 =	sshll.u32 s20, $0x7;
	s12 =	simm.s32 @!p0 $0x4E;
	s24 =	sadd.s32 $0x4EE800, s15  }
0xf: {  	s31 =	sshll.u32 s17, $0x4;
	s23 =	sshll.u32 s18, $0x4;
	s25 =	sshll.u32 s19, $0x4  }
0x10: {  	s15 =	smax.u32 s16, $0x1;
	s16 =	simm.s32 $0x4100;
	s17 =	simm.s32 $0x1  }
0x11: {  	s18 =	simm.s32 $0x2;
	s19 =	simm.s32 $0x80;
	s9 =	sadd.s32 s26, s3  }
0x12: {  	s10 =	sadd.s32 s28, s3;
	s11 =	sadd.s32 s29, s3;
	s13 =	sadd.s32 s14, s3  }
0x13: {  	s14 =	sor.u32 s22, s21;
	s26 =	sshll.u32 s20, $0x4;
	s20 =	sadd.s32 s30, s24  }
0x14: {  	s21 =	sadd.s32 s31, s24;
	s22 =	sadd.s32 s23, s24;
	s23 =	sadd.s32 s25, s24  }
0x15: {  	v0 =	vimm.f32 $0.0e+00;
	s25 =	simm.s32 $0x100;
	s24 =	sadd.s32 s26, s24;
	s26 =	simm.s32 $0x0  }
.LBB2_1:
0x16: {  	s28 =	simm.s32 $0x0;
	s29 =	simm.s32 $0x200  }
.LBB2_2:
0x17: {  	p0 =	sne.s32 s29, $0xFE00;
	[tilespmem:s28+$0x4170] =	vst v0  }
0x18: {  	[tilespmem:s28+$0x4100] =	vst v0  }
0x19: {  	[tilespmem:s28+$0x4110] =	vst v0  }
.Ltmp0:
0x1a: {  	[tilespmem:s28+$0x4120] =	vst v0;
	(pc) =	sbr.rel @p0 .LBB2_2-.Ltmp0, $4  }
0x1b: {  	[tilespmem:s28+$0x4130] =	vst v0  }
0x1c: {  	[tilespmem:s28+$0x4140] =	vst v0  }
0x1d: {  	[tilespmem:s28+$0x4150] =	vst v0  }
0x1e: {  	[tilespmem:s28+$0x4160] =	vst v0;
	s28 =	sshra.s32 s29, $0x2;
	s29 =	sadd.s32 $0x200, s29  }
0x1f: {  	[tilespmem:s28+$0x4170] =	vst v0  }
0x20: {  	[tilespmem:s28+$0x4100] =	vst v0  }
0x21: {  	[tilespmem:s28+$0x4110] =	vst v0  }
0x22: {  	[tilespmem:s28+$0x4120] =	vst v0  }
0x23: {  	[tilespmem:s28+$0x4130] =	vst v0  }
0x24: {  	[tilespmem:s28+$0x4140] =	vst v0  }
0x25: {  	[tilespmem:s28+$0x4150] =	vst v0  }
0x26: {  	[tilespmem:s28+$0x4160] =	vst v0  }
0x27: {  	[spmem:s8] =	stream.linear.scatter [tilespmem:s16], [sflag:$0x1], $0x4000, $0x38;
	[tilespmem:$0x1C100] =	vst v63  }
0x28: {  	_ =	swait.ge [sflag:s17], $0x4000  }
0x29: {  	[sflag:s17] =	ssyncset.done $0x0  }
0x2a: {  	[sflag:s17] =	ssyncadd.s32 $0xFFFFC000  }
0x2b: {  	[spmem:s9] =	stream.linear.scatter [tilespmem:s16], [sflag:$0x1], $0x4000, $0x38;
	[tilespmem:$0x1C100] =	vst v63  }
0x2c: {  	_ =	swait.ge [sflag:s17], $0x4000  }
0x2d: {  	[sflag:s17] =	ssyncset.done $0x0  }
0x2e: {  	[sflag:s17] =	ssyncadd.s32 $0xFFFFC000  }
0x2f: {  	[spmem:s10] =	stream.linear.scatter [tilespmem:s16], [sflag:$0x1], $0x4000, $0x38;
	[tilespmem:$0x1C100] =	vst v63  }
0x30: {  	_ =	swait.ge [sflag:s17], $0x4000  }
0x31: {  	[sflag:s17] =	ssyncset.done $0x0  }
0x32: {  	[sflag:s17] =	ssyncadd.s32 $0xFFFFC000  }
0x33: {  	[spmem:s11] =	stream.linear.scatter [tilespmem:s16], [sflag:$0x1], $0x4000, $0x38;
	[tilespmem:$0x1C100] =	vst v63  }
0x34: {  	_ =	swait.ge [sflag:s17], $0x4000  }
0x35: {  	[sflag:s17] =	ssyncset.done $0x0  }
0x36: {  	[sflag:s17] =	ssyncadd.s32 $0xFFFFC000  }
0x37: {  	[spmem:s13] =	stream.linear.scatter [tilespmem:s16], [sflag:$0x1], $0x4000, $0x38;
	[tilespmem:$0x1C100] =	vst v63  }
0x38: {  	_ =	swait.ge [sflag:s17], $0x4000  }
0x39: {  	[sflag:s17] =	ssyncset.done $0x0  }
0x3a: {  	[sflag:s17] =	ssyncadd.s32 $0xFFFFC000  }
0x3b: {  	s28 =	simm.s32 $0x0;
	s29 =	simm.s32 $0x0;
	[bflag:$0x0] =	sbarrier.arrive $0xFFFF  }
.LBB2_4:
0x3c: {  	s30 =	sshll.u32 s29, $0xC  }
0x3d: {  	s30 =	sor.u32 s14, s30  }
0x3e: {  	s31 =	sshrl.u32 s30, $0x3  }
0x3f: {  	s0 =	sadd.s32 s6, s31  }
0x40: {  	[tilespmem:s28], [sflag:$0x2] =	stream.linear.gather [hbm4b:s0+s28], $0x80, $0x38;
	[tilespmem:$0x1C100] =	vst v63  }
0x41: {  	_ =	swait.ge [sflag:s18], $0x80  }
0x42: {  	[sflag:s18] =	ssyncset.done $0x0  }
0x43: {  	s0 =	sadd.s32 s2, s31;
	[sflag:s18] =	ssyncadd.s32 $0xFFFFFF80  }
0x44: {  	[tilespmem:s19], [sflag:$0x2] =	stream.linear.gather [hbm4b:s0+s28], $0x80, $0x38;
	[tilespmem:$0x1C100] =	vst v63  }
0x45: {  	_ =	swait.ge [sflag:s18], $0x80  }
0x46: {  	s0 =	sshll.u32 s30, $0x4;
	[sflag:s18] =	ssyncset.done $0x0  }
0x47: {  	s0 =	sadd.s32 s7, s0;
	[sflag:s18] =	ssyncadd.s32 $0xFFFFFF80  }
0x48: {  	[tilespmem:s25], [sflag:$0x2] =	stream.linear.gather [hbm4b:s0+s28], $0x4000, $0x38;
	[tilespmem:$0x1C100] =	vst v63  }
0x49: {  	_ =	swait.ge [sflag:s18], $0x4000  }
0x4a: {  	[sflag:s18] =	ssyncset.done $0x0  }
0x4b: {  	[sflag:s18] =	ssyncadd.s32 $0xFFFFC000  }
0x4c: {  	[tilespmem:s16], [sflag:$0x1] =	stream.indirect.gather [hbm4b:s1+s19], $0x80, s28, s19, $0xb8;
	[tilespmem:$0x1C100] =	vst v63  }
0x4d: {  	_ =	swait.ge [sflag:s17], $0x4000  }
0x4e: {  	[sflag:s17] =	ssyncset.done $0x0  }
0x4f: {  	s30 =	simm.s32 $0x0;
	[sflag:s17] =	ssyncadd.s32 $0xFFFFC000  }
0x50: {  	v1 =	vld [tilespmem:s30+$0x100]  }
0x51: {  	v5 =	vld [tilespmem:s30+$0x4100]  }
0x52: {  	v7 =	vld [tilespmem:s30+$0x4110]  }
0x53: {  	v6 =	vld [tilespmem:s30+$0x4120]  }
0x54: {  	v4 =	vld [tilespmem:s30+$0x4130]  }
0x55: {  	v2 =	vld [tilespmem:s30+$0x4140]  }
0x56: {  	v3 =	vld [tilespmem:s30+$0x4150];
	v8 =	vmul.f32 v5, v1  }
0x57: {  	s31 =	simm.s32 $0x200;
	v7 =	vmul.f32 v7, v1;
	v5 =	vld [tilespmem:s30+$0x4160]  }
.LBB2_5:
0x58: {  	s0 =	sshra.s32 s31, $0x2;
	p0 =	sne.s32 s31, $0xFE00;
	[tilespmem:s30+$0x4100] =	vst v8;
	v6 =	vmul.f32 v6, v1;
	v8 =	vld [tilespmem:s30+$0x4170]  }
0x59: {  	v9 =	vld [tilespmem:s0+$0x100];
	[tilespmem:s30+$0x4110] =	vst v7;
	v4 =	vmul.f32 v4, v1  }
0x5a: {  	v7 =	vld [tilespmem:s0+$0x4100];
	[tilespmem:s30+$0x4120] =	vst v6;
	v2 =	vmul.f32 v2, v1  }
0x5b: {  	v10 =	vld [tilespmem:s0+$0x4110];
	[tilespmem:s30+$0x4130] =	vst v4;
	v3 =	vmul.f32 v3, v1  }
.Ltmp1:
0x5c: {  	v6 =	vld [tilespmem:s0+$0x4120];
	[tilespmem:s30+$0x4140] =	vst v2;
	v5 =	vmul.f32 v5, v1;
	(pc) =	sbr.rel @p0 .LBB2_5-.Ltmp1, $4  }
0x5d: {  	v4 =	vld [tilespmem:s0+$0x4130];
	[tilespmem:s30+$0x4150] =	vst v3;
	v11 =	vmul.f32 v8, v1  }
0x5e: {  	v2 =	vld [tilespmem:s0+$0x4140];
	[tilespmem:s30+$0x4160] =	vst v5;
	v1 =	vmov v9  }
0x5f: {  	v8 =	vmul.f32 v7, v1;
	v3 =	vld [tilespmem:s0+$0x4150];
	[tilespmem:s30+$0x4170] =	vst v11;
	s30 =	smov.u32 s0  }
0x60: {  	s31 =	sadd.s32 $0x200, s31;
	v7 =	vmul.f32 v10, v1;
	v5 =	vld [tilespmem:s30+$0x4160]  }
0x61: {  	[tilespmem:s30+$0x4100] =	vst v8;
	v6 =	vmul.f32 v6, v1;
	v63 =	vld [tilespmem:s30+$0x4170]  }
0x62: {  	[tilespmem:s30+$0x4110] =	vst v7;
	v4 =	vmul.f32 v4, v1  }
0x63: {  	[tilespmem:s30+$0x4120] =	vst v6;
	v2 =	vmul.f32 v2, v1  }
0x64: {  	[tilespmem:s30+$0x4130] =	vst v4;
	v3 =	vmul.f32 v3, v1  }
0x65: {  	[tilespmem:s30+$0x4140] =	vst v2;
	v2 =	vmul.f32 v5, v1  }
0x66: {  	s29 =	sadd.s32 $0x1, s29;
	[tilespmem:s30+$0x4150] =	vst v3;
	v1 =	vmul.f32 v63, v1  }
0x67: {  	p0 =	sne.s32 s29, s12;
	[tilespmem:s30+$0x4160] =	vst v2  }
.Ltmp2:
0x68: {  	[tilespmem:s30+$0x4170] =	vst v1;
	(pc) =	sbr.rel @p0 .LBB2_4-.Ltmp2, $4  }
0x69: {  	[spmem:s3] =	stream.indirect.scatter.add.f32 [tilespmem:s16], [sflag:$0x1], $0x80, s19, s19, $0xb8;
	[tilespmem:$0x1C100] =	vst v63  }
0x6a: {  	_ =	swait.ge [sflag:s17], $0x4000  }
0x6b: {  	[sflag:s17] =	ssyncset.done $0x0  }
0x6c: {  	[sflag:s17] =	ssyncadd.s32 $0xFFFFC000  }
0x6d: {  	[bflag:$0x0] =	sbarrier.arrive $0xFFFF  }
0x6e: {  	[tilespmem:s16], [sflag:$0x1] =	stream.linear.gather [spmem:s8], $0x4000, $0x38;
	[tilespmem:$0x1C100] =	vst v63  }
0x6f: {  	_ =	swait.ge [sflag:s17], $0x4000  }
0x70: {  	[sflag:s17] =	ssyncset.done $0x0  }
0x71: {  	[sflag:s17] =	ssyncadd.s32 $0xFFFFC000  }
0x72: {  	[hbm4b:s20+s4] =	stream.linear.scatter [tilespmem:s16], [sflag:$0x2], $0x4000, $0x38;
	[tilespmem:$0x1C100] =	vst v63  }
0x73: {  	_ =	swait.ge [sflag:s18], $0x4000  }
0x74: {  	[sflag:s18] =	ssyncset.done $0x0  }
0x75: {  	[sflag:s18] =	ssyncadd.s32 $0xFFFFC000  }
0x76: {  	[tilespmem:s16], [sflag:$0x1] =	stream.linear.gather [spmem:s9], $0x4000, $0x38;
	[tilespmem:$0x1C100] =	vst v63  }
0x77: {  	_ =	swait.ge [sflag:s17], $0x4000  }
0x78: {  	[sflag:s17] =	ssyncset.done $0x0  }
0x79: {  	[sflag:s17] =	ssyncadd.s32 $0xFFFFC000  }
0x7a: {  	[hbm4b:s21+s4] =	stream.linear.scatter [tilespmem:s16], [sflag:$0x2], $0x4000, $0x38;
	[tilespmem:$0x1C100] =	vst v63  }
0x7b: {  	_ =	swait.ge [sflag:s18], $0x4000  }
0x7c: {  	[sflag:s18] =	ssyncset.done $0x0  }
0x7d: {  	[sflag:s18] =	ssyncadd.s32 $0xFFFFC000  }
0x7e: {  	[tilespmem:s16], [sflag:$0x1] =	stream.linear.gather [spmem:s10], $0x4000, $0x38;
	[tilespmem:$0x1C100] =	vst v63  }
0x7f: {  	_ =	swait.ge [sflag:s17], $0x4000  }
0x80: {  	[sflag:s17] =	ssyncset.done $0x0  }
0x81: {  	[sflag:s17] =	ssyncadd.s32 $0xFFFFC000  }
0x82: {  	[hbm4b:s22+s4] =	stream.linear.scatter [tilespmem:s16], [sflag:$0x2], $0x4000, $0x38;
	[tilespmem:$0x1C100] =	vst v63  }
0x83: {  	_ =	swait.ge [sflag:s18], $0x4000  }
0x84: {  	[sflag:s18] =	ssyncset.done $0x0  }
0x85: {  	[sflag:s18] =	ssyncadd.s32 $0xFFFFC000  }
0x86: {  	[tilespmem:s16], [sflag:$0x1] =	stream.linear.gather [spmem:s11], $0x4000, $0x38;
	[tilespmem:$0x1C100] =	vst v63  }
0x87: {  	_ =	swait.ge [sflag:s17], $0x4000  }
0x88: {  	[sflag:s17] =	ssyncset.done $0x0  }
0x89: {  	[sflag:s17] =	ssyncadd.s32 $0xFFFFC000  }
0x8a: {  	[hbm4b:s23+s4] =	stream.linear.scatter [tilespmem:s16], [sflag:$0x2], $0x4000, $0x38;
	[tilespmem:$0x1C100] =	vst v63  }
0x8b: {  	_ =	swait.ge [sflag:s18], $0x4000  }
0x8c: {  	[sflag:s18] =	ssyncset.done $0x0  }
0x8d: {  	[sflag:s18] =	ssyncadd.s32 $0xFFFFC000  }
0x8e: {  	[tilespmem:s16], [sflag:$0x1] =	stream.linear.gather [spmem:s13], $0x4000, $0x38;
	[tilespmem:$0x1C100] =	vst v63  }
0x8f: {  	s26 =	sadd.s32 $0x1, s26;
	_ =	swait.ge [sflag:s17], $0x4000  }
0x90: {  	p0 =	sne.s32 s26, s15;
	[sflag:s17] =	ssyncset.done $0x0  }
.Ltmp3:
0x91: {  	[sflag:s17] =	ssyncadd.s32 $0xFFFFC000;
	(pc) =	sbr.rel @p0 .LBB2_1-.Ltmp3, $4  }
0x92: {  	[hbm4b:s24+s4] =	stream.linear.scatter [tilespmem:s16], [sflag:$0x2], $0x4000, $0x38;
	[tilespmem:$0x1C100] =	vst v63  }
0x93: {  	_ =	swait.ge [sflag:s18], $0x4000  }
0x94: {  	[sflag:s18] =	ssyncset.done $0x0  }
0x95: {  	[sflag:s18] =	ssyncadd.s32 $0xFFFFC000  }
0x96: {  	_ =	sfence.sel $0x180000  }
0x97: {  	[bflag:$0x0] =	sbarrier.arrive $0xFFFF  }
0x98: {  	_ =	strace $0x90000047  }
0x99: {  	[bflag:$0x2] =	sbarrier.arrive $0xFFFF  }
0x9a: {  	p0 =	sne.s32 s5, $0x0;
	s0 =	rddreg [dreg:$0x4]  }
0x9b: {  	s0 =	sadd.s32 @!p0 $0x100000, s0  }
0x9c: {  	[sflag:s0] =	ssyncadd.tile.s32 @!p0 $0x1;
	_ =	shalt  }
.Lfunc_end2:
_tile_overlayer_lowered:
.L_overlay_start_2:
0x9d: {  	(tag) =	ssettag $0x2  }
0x9e: {  	s0 =	rddreg [dreg:$0x0];
	s2 =	stileid.u32  }
0x9f: {  	s1 =	rddreg [dreg:$0x1];
	p0 =	sne.s32 s2, $0x0  }
0xa0: {  	s3 =	rddreg [dreg:$0x2];
	[bflag:$0x3] =	sbarrier.arrive $0xFFFF;
	s2 =	simm.s32 @!p0 $0x1C02  }
0xa1: {  	[timem:s3], [sflag:s2] =	dma.local @!p0 [hbm:s0], s1  }
0xa2: {  	s0 =	simm.s32 @!p0 $0x2  }
0xa3: {  	_ =	swait.ge @!p0 [sflag:s0], s1  }
0xa4: {  	s1 =	ssub.s32 @!p0 $0x0, s1;
	[sflag:s0] =	ssyncset.done @!p0 $0x0  }
0xa5: {  	[sflag:s0] =	ssyncadd.s32 @!p0 s1  }
0xa6: {  	[bflag:$0x3] =	sbarrier.arrive $0xFFFF  }
0xa7: {  	_ =	shalt  }

</sc_bundles>
